<compile_context>
chip_gen: v7x
topology: tpu7x:2x2x1
jax: 0.10.2.dev20260603
libtpu: 0.0.44.dev20260713+nightly
codegen_flags: <defaults>
</compile_context>

<pallas_src>
import functools

import jax
import jax.numpy as jnp
from jax import lax
from jax.experimental import pallas as pl
from jax.experimental.pallas import tpu as pltpu
from jax.experimental.pallas import tpu_sc as plsc

_L = 16
_NC = 2
_NS = 16
_NW = _NC * _NS
_FEAT = 128
_CHUNK = 49152
_NACC = _FEAT // _L
_ROWS_PER_ITER = 4

_SC_CHUNKS_PER_WORKER = 8
_TC_BM = 16384


def _sc_partials(x_flat, weights, sc_elems):
    per_w = sc_elems // _NW
    nchunk = per_w // _CHUNK
    mesh = plsc.VectorSubcoreMesh(core_axis_name="c", subcore_axis_name="s")

    @functools.partial(
        pl.kernel,
        mesh=mesh,
        out_type=jax.ShapeDtypeStruct((_NW, _L), jnp.float32),
        scratch_types=[
            pltpu.VMEM((_CHUNK,), jnp.float32),
            pltpu.VMEM((_CHUNK,), jnp.float32),
            pltpu.VMEM((_FEAT,), jnp.float32),
            pltpu.VMEM((_L,), jnp.float32),
            pltpu.SemaphoreType.DMA,
            pltpu.SemaphoreType.DMA,
        ],
    )
    def body(x_hbm, w_hbm, out_hbm, buf0, buf1, w_v, res_v, sem0, sem1):
        wid = lax.axis_index("s") * _NC + lax.axis_index("c")
        base = wid * per_w
        bufs = (buf0, buf1)
        sems = (sem0, sem1)

        pltpu.sync_copy(w_hbm, w_v)

        copies = [None, None]
        copies[0] = pltpu.async_copy(
            x_hbm.at[pl.ds(base, _CHUNK)], buf0, sem0)

        accs = tuple(jnp.zeros((_L,), jnp.float32) for _ in range(_NACC))
        for g in range(nchunk):
            if g + 1 < nchunk:
                copies[(g + 1) % 2] = pltpu.async_copy(
                    x_hbm.at[pl.ds(base + (g + 1) * _CHUNK, _CHUNK)],
                    bufs[(g + 1) % 2], sems[(g + 1) % 2])
            copies[g % 2].wait()
            buf = bufs[g % 2]

            def inner(j, a):
                base_e = j * (_FEAT * _ROWS_PER_ITER)
                a = list(a)
                for r in range(_ROWS_PER_ITER):
                    row = base_e + r * _FEAT
                    for k in range(_NACC):
                        a[k] = a[k] + buf[pl.ds(row + k * _L, _L)]
                return tuple(a)

            accs = lax.fori_loop(
                0, _CHUNK // (_FEAT * _ROWS_PER_ITER), inner, accs)

        res = jnp.zeros((_L,), jnp.float32)
        for k in range(_NACC):
            res = res + accs[k] * w_v[pl.ds(k * _L, _L)]
        res_v[...] = res
        pltpu.sync_copy(res_v, out_hbm.at[wid])

    return body(x_flat, weights)


def _tc_body(x_ref, w_ref, o_ref):
    i = pl.program_id(0)

    @pl.when(i == 0)
    def _init():
        o_ref[...] = jnp.zeros_like(o_ref)

    o_ref[...] += jnp.sum(
        x_ref[...].reshape(_TC_BM // 8, 8, _FEAT), axis=0)

    @pl.when(i == pl.num_programs(0) - 1)
    def _finish():
        o_ref[...] *= w_ref[...]


def _tc_partial(x, weights, row_start):
    rows = x.shape[0] - row_start
    blk0 = row_start // _TC_BM
    return pl.pallas_call(
        _tc_body,
        grid=(rows // _TC_BM,),
        in_specs=[
            pl.BlockSpec((_TC_BM, _FEAT), lambda i: (i + blk0, 0)),
            pl.BlockSpec((1, _FEAT), lambda i: (0, 0)),
        ],
        out_specs=pl.BlockSpec((8, _FEAT), lambda i: (0, 0)),
        out_shape=jax.ShapeDtypeStruct((8, _FEAT), jnp.float32),
    )(x, weights.reshape(1, _FEAT))


def _finish_body(sc_ref, tc_ref, o_ref):
    o_ref[...] = (jnp.sum(sc_ref[...]) + jnp.sum(tc_ref[...])).reshape(1, 1)


def kernel(input_observation, weights):
    batch, feat = input_observation.shape
    sc_elems = _NW * _SC_CHUNKS_PER_WORKER * _CHUNK
    sc_rows = sc_elems // feat

    tc_p = _tc_partial(input_observation, weights, sc_rows)
    sc_p = _sc_partials(input_observation.reshape(-1), weights, sc_elems)

    out = pl.pallas_call(
        _finish_body,
        out_shape=jax.ShapeDtypeStruct((1, 1), jnp.float32),
    )(sc_p, tc_p)
    return out[0, 0]

# --- scband reference (transcript-rebuilt; emitter-appended) ---
"""Pipeline reference for scband-ordered-weighted-averaging-57320633533163 (READ-ONLY COPY).

The authoritative reference and input builder live on the scoring server;
editing this copy changes nothing except your own understanding.
"""

import jax, jax.numpy as jnp
import numpy as np

IN_FEATURES = 128
BATCH = 262144


def setup_inputs(seed: int = 0) -> dict:
    key = jax.random.key(seed)
    input_observation = jax.random.normal(key, (BATCH, IN_FEATURES), dtype=jnp.float32)
    # Learned parameter from __init__: uniform weight vector summing to exactly 1.0
    weights = jnp.full((IN_FEATURES,), 0.0078125, dtype=jnp.float32)
    weights = jnp.abs(weights)
    return {"input_observation": input_observation, "weights": weights}


def reference(input_observation, weights):
    # torch.sort(input, descending=True) sorts along the last dim descending
    ordered_values = jnp.sort(input_observation, axis=-1)[..., ::-1]
    # elementwise multiply by weight vector (broadcast over batch) and sum all entries
    return (weights * ordered_values).sum()

if __name__ == "__main__":
    import jax
    _d = setup_inputs()
    print(jax.jit(kernel)(*tuple(_d.values())))

</pallas_src>

<mosaic_0001>
#map = affine_map<(d0, d1) -> (0)>
#map1 = affine_map<(d0, d1) -> (0, 0)>
module attributes {stable_mosaic.version = 14 : i64} {
  func.func @body(%arg0: i32, %arg1: i32, %arg2: memref<33554432xf32, #tpu.memory_space<hbm>>, %arg3: memref<128xf32, #tpu.memory_space<hbm>>, %arg4: memref<32x16xf32, #tpu.memory_space<hbm>>, %arg5: memref<49152xf32, #tpu.memory_space<vmem>>, %arg6: memref<49152xf32, #tpu.memory_space<vmem>>, %arg7: memref<128xf32, #tpu.memory_space<vmem>>, %arg8: memref<16xf32, #tpu.memory_space<vmem>>, %arg9: memref<!tpu.dma_semaphore, #tpu.memory_space<semaphore_mem>>, %arg10: memref<!tpu.dma_semaphore, #tpu.memory_space<semaphore_mem>>) attributes {dimension_semantics = [#tpu.dimension_semantics<core_parallel>, #tpu.dimension_semantics<subcore_parallel>], iteration_bounds = array<i64: 2, 16>, scalar_prefetch = 0 : i64, scratch_operands = 6 : i64, tpu.core_type = #tpu.core_type<sc_vector_subcore>, window_params = [{transform_indices = #map}, {transform_indices = #map}, {transform_indices = #map1}]} {
    %mul3A = arith.constant 2 : i32
    %mul3A_0 = arith.muli %arg1, %mul3A : i32
    %add3A = arith.addi %mul3A_0, %arg0 : i32
    %mul3A_1 = arith.constant 393216 : i32
    %mul3A_2 = arith.muli %add3A, %mul3A_1 : i32
    "tpu.region"() ({
      %run_scoped3A = tpu.sem_alloc : memref<!tpu.dma_semaphore, #tpu.memory_space<semaphore_mem>>
      tpu.enqueue_dma source(%arg3 : memref<128xf32, #tpu.memory_space<hbm>>) target(%arg7 : memref<128xf32, #tpu.memory_space<vmem>>) target_semaphore(%run_scoped3A : memref<!tpu.dma_semaphore, #tpu.memory_space<semaphore_mem>>)
      tpu.wait_dma2 semaphore(%run_scoped3A : memref<!tpu.dma_semaphore, #tpu.memory_space<semaphore_mem>>) src(%arg3 : memref<128xf32, #tpu.memory_space<hbm>>) dst(%arg7 : memref<128xf32, #tpu.memory_space<vmem>>)
      tpu.yield
    }) : () -> ()
    %dma_start3A = tpu.memref_slice %arg2[%mul3A_2] : memref<33554432xf32, #tpu.memory_space<hbm>> -> memref<49152xf32, #tpu.memory_space<hbm>>
    %dma_start3A_3 = tpu.memref_slice %arg2[%mul3A_2] : memref<33554432xf32, #tpu.memory_space<hbm>> -> memref<49152xf32, #tpu.memory_space<hbm>>
    tpu.enqueue_dma source(%dma_start3A_3 : memref<49152xf32, #tpu.memory_space<hbm>>) target(%arg5 : memref<49152xf32, #tpu.memory_space<vmem>>) target_semaphore(%arg9 : memref<!tpu.dma_semaphore, #tpu.memory_space<semaphore_mem>>)
    %broadcast_in_dim3A = arith.constant 0.000000e+00 : f32
    %broadcast_in_dim3A_4 = vector.broadcast %broadcast_in_dim3A : f32 to vector<16xf32>
    %broadcast_in_dim3A_5 = arith.constant 0.000000e+00 : f32
    %broadcast_in_dim3A_6 = vector.broadcast %broadcast_in_dim3A_5 : f32 to vector<16xf32>
    %broadcast_in_dim3A_7 = arith.constant 0.000000e+00 : f32
    %broadcast_in_dim3A_8 = vector.broadcast %broadcast_in_dim3A_7 : f32 to vector<16xf32>
    %broadcast_in_dim3A_9 = arith.constant 0.000000e+00 : f32
    %broadcast_in_dim3A_10 = vector.broadcast %broadcast_in_dim3A_9 : f32 to vector<16xf32>
    %broadcast_in_dim3A_11 = arith.constant 0.000000e+00 : f32
    %broadcast_in_dim3A_12 = vector.broadcast %broadcast_in_dim3A_11 : f32 to vector<16xf32>
    %broadcast_in_dim3A_13 = arith.constant 0.000000e+00 : f32
    %broadcast_in_dim3A_14 = vector.broadcast %broadcast_in_dim3A_13 : f32 to vector<16xf32>
    %broadcast_in_dim3A_15 = arith.constant 0.000000e+00 : f32
    %broadcast_in_dim3A_16 = vector.broadcast %broadcast_in_dim3A_15 : f32 to vector<16xf32>
    %broadcast_in_dim3A_17 = arith.constant 0.000000e+00 : f32
    %broadcast_in_dim3A_18 = vector.broadcast %broadcast_in_dim3A_17 : f32 to vector<16xf32>
    %add3A_19 = arith.constant 49152 : i32
    %add3A_20 = arith.addi %mul3A_2, %add3A_19 : i32
    %dma_start3A_21 = tpu.memref_slice %arg2[%add3A_20] : memref<33554432xf32, #tpu.memory_space<hbm>> -> memref<49152xf32, #tpu.memory_space<hbm>>
    %dma_start3A_22 = tpu.memref_slice %arg2[%add3A_20] : memref<33554432xf32, #tpu.memory_space<hbm>> -> memref<49152xf32, #tpu.memory_space<hbm>>
    tpu.enqueue_dma source(%dma_start3A_22 : memref<49152xf32, #tpu.memory_space<hbm>>) target(%arg6 : memref<49152xf32, #tpu.memory_space<vmem>>) target_semaphore(%arg10 : memref<!tpu.dma_semaphore, #tpu.memory_space<semaphore_mem>>)
    %dma_wait3A = tpu.memref_slice %arg2[%mul3A_2] : memref<33554432xf32, #tpu.memory_space<hbm>> -> memref<49152xf32, #tpu.memory_space<hbm>>
    %dma_wait3A_23 = tpu.memref_slice %arg2[%mul3A_2] : memref<33554432xf32, #tpu.memory_space<hbm>> -> memref<49152xf32, #tpu.memory_space<hbm>>
    tpu.wait_dma2 semaphore(%arg9 : memref<!tpu.dma_semaphore, #tpu.memory_space<semaphore_mem>>) src(%dma_wait3A_23 : memref<49152xf32, #tpu.memory_space<hbm>>) dst(%arg5 : memref<49152xf32, #tpu.memory_space<vmem>>)
    %scan3A = arith.constant 0 : i32
    %scan3A_24 = arith.constant 96 : i32
    %scan3A_25 = arith.addi %scan3A, %scan3A_24 : i32
    %scan3A_26 = arith.constant 1 : i32
    %scan3A_27:8 = scf.for %scan3A_153 = %scan3A to %scan3A_25 step %scan3A_26 iter_args(%scan3A_154 = %broadcast_in_dim3A_4, %scan3A_155 = %broadcast_in_dim3A_6, %scan3A_156 = %broadcast_in_dim3A_8, %scan3A_157 = %broadcast_in_dim3A_10, %scan3A_158 = %broadcast_in_dim3A_12, %scan3A_159 = %broadcast_in_dim3A_14, %scan3A_160 = %broadcast_in_dim3A_16, %scan3A_161 = %broadcast_in_dim3A_18) -> (vector<16xf32>, vector<16xf32>, vector<16xf32>, vector<16xf32>, vector<16xf32>, vector<16xf32>, vector<16xf32>, vector<16xf32>)  : i32 {
      %mul3A_162 = arith.constant 512 : i32
      %mul3A_163 = arith.muli %scan3A_153, %mul3A_162 : i32
      %add3A_164 = arith.constant 0 : i32
      %add3A_165 = arith.addi %mul3A_163, %add3A_164 : i32
      %add3A_166 = arith.constant 0 : i32
      %add3A_167 = arith.addi %add3A_165, %add3A_166 : i32
      %get3A_168 = arith.index_cast %add3A_167 : i32 to index
      %get3A_169 = tpu.vector_load %arg5[%get3A_168] {strides = array<i32>} : memref<49152xf32, #tpu.memory_space<vmem>>, vector<16xf32>,
      %get3A_170 = vector.shape_cast %get3A_169 : vector<16xf32> to vector<16xf32>
      %add3A_171 = arith.addf %scan3A_154, %get3A_170 : vector<16xf32>
      %add3A_172 = arith.constant 16 : i32
      %add3A_173 = arith.addi %add3A_165, %add3A_172 : i32
      %get3A_174 = arith.index_cast %add3A_173 : i32 to index
      %get3A_175 = tpu.vector_load %arg5[%get3A_174] {strides = array<i32>} : memref<49152xf32, #tpu.memory_space<vmem>>, vector<16xf32>,
      %get3A_176 = vector.shape_cast %get3A_175 : vector<16xf32> to vector<16xf32>
      %add3A_177 = arith.addf %scan3A_155, %get3A_176 : vector<16xf32>
      %add3A_178 = arith.constant 32 : i32
      %add3A_179 = arith.addi %add3A_165, %add3A_178 : i32
      %get3A_180 = arith.index_cast %add3A_179 : i32 to index
      %get3A_181 = tpu.vector_load %arg5[%get3A_180] {strides = array<i32>} : memref<49152xf32, #tpu.memory_space<vmem>>, vector<16xf32>,
      %get3A_182 = vector.shape_cast %get3A_181 : vector<16xf32> to vector<16xf32>
      %add3A_183 = arith.addf %scan3A_156, %get3A_182 : vector<16xf32>
      %add3A_184 = arith.constant 48 : i32
      %add3A_185 = arith.addi %add3A_165, %add3A_184 : i32
      %get3A_186 = arith.index_cast %add3A_185 : i32 to index
      %get3A_187 = tpu.vector_load %arg5[%get3A_186] {strides = array<i32>} : memref<49152xf32, #tpu.memory_space<vmem>>, vector<16xf32>,
      %get3A_188 = vector.shape_cast %get3A_187 : vector<16xf32> to vector<16xf32>
      %add3A_189 = arith.addf %scan3A_157, %get3A_188 : vector<16xf32>
      %add3A_190 = arith.constant 64 : i32
      %add3A_191 = arith.addi %add3A_165, %add3A_190 : i32
      %get3A_192 = arith.index_cast %add3A_191 : i32 to index
      %get3A_193 = tpu.vector_load %arg5[%get3A_192] {strides = array<i32>} : memref<49152xf32, #tpu.memory_space<vmem>>, vector<16xf32>,
      %get3A_194 = vector.shape_cast %get3A_193 : vector<16xf32> to vector<16xf32>
      %add3A_195 = arith.addf %scan3A_158, %get3A_194 : vector<16xf32>
      %add3A_196 = arith.constant 80 : i32
      %add3A_197 = arith.addi %add3A_165, %add3A_196 : i32
      %get3A_198 = arith.index_cast %add3A_197 : i32 to index
      %get3A_199 = tpu.vector_load %arg5[%get3A_198] {strides = array<i32>} : memref<49152xf32, #tpu.memory_space<vmem>>, vector<16xf32>,
      %get3A_200 = vector.shape_cast %get3A_199 : vector<16xf32> to vector<16xf32>
      %add3A_201 = arith.addf %scan3A_159, %get3A_200 : vector<16xf32>
      %add3A_202 = arith.constant 96 : i32
      %add3A_203 = arith.addi %add3A_165, %add3A_202 : i32
      %get3A_204 = arith.index_cast %add3A_203 : i32 to index
      %get3A_205 = tpu.vector_load %arg5[%get3A_204] {strides = array<i32>} : memref<49152xf32, #tpu.memory_space<vmem>>, vector<16xf32>,
      %get3A_206 = vector.shape_cast %get3A_205 : vector<16xf32> to vector<16xf32>
      %add3A_207 = arith.addf %scan3A_160, %get3A_206 : vector<16xf32>
      %add3A_208 = arith.constant 112 : i32
      %add3A_209 = arith.addi %add3A_165, %add3A_208 : i32
      %get3A_210 = arith.index_cast %add3A_209 : i32 to index
      %get3A_211 = tpu.vector_load %arg5[%get3A_210] {strides = array<i32>} : memref<49152xf32, #tpu.memory_space<vmem>>, vector<16xf32>,
      %get3A_212 = vector.shape_cast %get3A_211 : vector<16xf32> to vector<16xf32>
      %add3A_213 = arith.addf %scan3A_161, %get3A_212 : vector<16xf32>
      %add3A_214 = arith.constant 128 : i32
      %add3A_215 = arith.addi %mul3A_163, %add3A_214 : i32
      %add3A_216 = arith.constant 0 : i32
      %add3A_217 = arith.addi %add3A_215, %add3A_216 : i32
      %get3A_218 = arith.index_cast %add3A_217 : i32 to index
      %get3A_219 = tpu.vector_load %arg5[%get3A_218] {strides = array<i32>} : memref<49152xf32, #tpu.memory_space<vmem>>, vector<16xf32>,
      %get3A_220 = vector.shape_cast %get3A_219 : vector<16xf32> to vector<16xf32>
      %add3A_221 = arith.addf %add3A_171, %get3A_220 : vector<16xf32>
      %add3A_222 = arith.constant 16 : i32
      %add3A_223 = arith.addi %add3A_215, %add3A_222 : i32
      %get3A_224 = arith.index_cast %add3A_223 : i32 to index
      %get3A_225 = tpu.vector_load %arg5[%get3A_224] {strides = array<i32>} : memref<49152xf32, #tpu.memory_space<vmem>>, vector<16xf32>,
      %get3A_226 = vector.shape_cast %get3A_225 : vector<16xf32> to vector<16xf32>
      %add3A_227 = arith.addf %add3A_177, %get3A_226 : vector<16xf32>
      %add3A_228 = arith.constant 32 : i32
      %add3A_229 = arith.addi %add3A_215, %add3A_228 : i32
      %get3A_230 = arith.index_cast %add3A_229 : i32 to index
      %get3A_231 = tpu.vector_load %arg5[%get3A_230] {strides = array<i32>} : memref<49152xf32, #tpu.memory_space<vmem>>, vector<16xf32>,
      %get3A_232 = vector.shape_cast %get3A_231 : vector<16xf32> to vector<16xf32>
      %add3A_233 = arith.addf %add3A_183, %get3A_232 : vector<16xf32>
      %add3A_234 = arith.constant 48 : i32
      %add3A_235 = arith.addi %add3A_215, %add3A_234 : i32
      %get3A_236 = arith.index_cast %add3A_235 : i32 to index
      %get3A_237 = tpu.vector_load %arg5[%get3A_236] {strides = array<i32>} : memref<49152xf32, #tpu.memory_space<vmem>>, vector<16xf32>,
      %get3A_238 = vector.shape_cast %get3A_237 : vector<16xf32> to vector<16xf32>
      %add3A_239 = arith.addf %add3A_189, %get3A_238 : vector<16xf32>
      %add3A_240 = arith.constant 64 : i32
      %add3A_241 = arith.addi %add3A_215, %add3A_240 : i32
      %get3A_242 = arith.index_cast %add3A_241 : i32 to index
      %get3A_243 = tpu.vector_load %arg5[%get3A_242] {strides = array<i32>} : memref<49152xf32, #tpu.memory_space<vmem>>, vector<16xf32>,
      %get3A_244 = vector.shape_cast %get3A_243 : vector<16xf32> to vector<16xf32>
      %add3A_245 = arith.addf %add3A_195, %get3A_244 : vector<16xf32>
      %add3A_246 = arith.constant 80 : i32
      %add3A_247 = arith.addi %add3A_215, %add3A_246 : i32
      %get3A_248 = arith.index_cast %add3A_247 : i32 to index
      %get3A_249 = tpu.vector_load %arg5[%get3A_248] {strides = array<i32>} : memref<49152xf32, #tpu.memory_space<vmem>>, vector<16xf32>,
      %get3A_250 = vector.shape_cast %get3A_249 : vector<16xf32> to vector<16xf32>
      %add3A_251 = arith.addf %add3A_201, %get3A_250 : vector<16xf32>
      %add3A_252 = arith.constant 96 : i32
      %add3A_253 = arith.addi %add3A_215, %add3A_252 : i32
      %get3A_254 = arith.index_cast %add3A_253 : i32 to index
      %get3A_255 = tpu.vector_load %arg5[%get3A_254] {strides = array<i32>} : memref<49152xf32, #tpu.memory_space<vmem>>, vector<16xf32>,
      %get3A_256 = vector.shape_cast %get3A_255 : vector<16xf32> to vector<16xf32>
      %add3A_257 = arith.addf %add3A_207, %get3A_256 : vector<16xf32>
      %add3A_258 = arith.constant 112 : i32
      %add3A_259 = arith.addi %add3A_215, %add3A_258 : i32
      %get3A_260 = arith.index_cast %add3A_259 : i32 to index
      %get3A_261 = tpu.vector_load %arg5[%get3A_260] {strides = array<i32>} : memref<49152xf32, #tpu.memory_space<vmem>>, vector<16xf32>,
      %get3A_262 = vector.shape_cast %get3A_261 : vector<16xf32> to vector<16xf32>
      %add3A_263 = arith.addf %add3A_213, %get3A_262 : vector<16xf32>
      %add3A_264 = arith.constant 256 : i32
      %add3A_265 = arith.addi %mul3A_163, %add3A_264 : i32
      %add3A_266 = arith.constant 0 : i32
      %add3A_267 = arith.addi %add3A_265, %add3A_266 : i32
      %get3A_268 = arith.index_cast %add3A_267 : i32 to index
      %get3A_269 = tpu.vector_load %arg5[%get3A_268] {strides = array<i32>} : memref<49152xf32, #tpu.memory_space<vmem>>, vector<16xf32>,
      %get3A_270 = vector.shape_cast %get3A_269 : vector<16xf32> to vector<16xf32>
      %add3A_271 = arith.addf %add3A_221, %get3A_270 : vector<16xf32>
      %add3A_272 = arith.constant 16 : i32
      %add3A_273 = arith.addi %add3A_265, %add3A_272 : i32
      %get3A_274 = arith.index_cast %add3A_273 : i32 to index
      %get3A_275 = tpu.vector_load %arg5[%get3A_274] {strides = array<i32>} : memref<49152xf32, #tpu.memory_space<vmem>>, vector<16xf32>,
      %get3A_276 = vector.shape_cast %get3A_275 : vector<16xf32> to vector<16xf32>
      %add3A_277 = arith.addf %add3A_227, %get3A_276 : vector<16xf32>
      %add3A_278 = arith.constant 32 : i32
      %add3A_279 = arith.addi %add3A_265, %add3A_278 : i32
      %get3A_280 = arith.index_cast %add3A_279 : i32 to index
      %get3A_281 = tpu.vector_load %arg5[%get3A_280] {strides = array<i32>} : memref<49152xf32, #tpu.memory_space<vmem>>, vector<16xf32>,
      %get3A_282 = vector.shape_cast %get3A_281 : vector<16xf32> to vector<16xf32>
      %add3A_283 = arith.addf %add3A_233, %get3A_282 : vector<16xf32>
      %add3A_284 = arith.constant 48 : i32
      %add3A_285 = arith.addi %add3A_265, %add3A_284 : i32
      %get3A_286 = arith.index_cast %add3A_285 : i32 to index
      %get3A_287 = tpu.vector_load %arg5[%get3A_286] {strides = array<i32>} : memref<49152xf32, #tpu.memory_space<vmem>>, vector<16xf32>,
      %get3A_288 = vector.shape_cast %get3A_287 : vector<16xf32> to vector<16xf32>
      %add3A_289 = arith.addf %add3A_239, %get3A_288 : vector<16xf32>
      %add3A_290 = arith.constant 64 : i32
      %add3A_291 = arith.addi %add3A_265, %add3A_290 : i32
      %get3A_292 = arith.index_cast %add3A_291 : i32 to index
      %get3A_293 = tpu.vector_load %arg5[%get3A_292] {strides = array<i32>} : memref<49152xf32, #tpu.memory_space<vmem>>, vector<16xf32>,
      %get3A_294 = vector.shape_cast %get3A_293 : vector<16xf32> to vector<16xf32>
      %add3A_295 = arith.addf %add3A_245, %get3A_294 : vector<16xf32>
      %add3A_296 = arith.constant 80 : i32
      %add3A_297 = arith.addi %add3A_265, %add3A_296 : i32
      %get3A_298 = arith.index_cast %add3A_297 : i32 to index
      %get3A_299 = tpu.vector_load %arg5[%get3A_298] {strides = array<i32>} : memref<49152xf32, #tpu.memory_space<vmem>>, vector<16xf32>,
      %get3A_300 = vector.shape_cast %get3A_299 : vector<16xf32> to vector<16xf32>
      %add3A_301 = arith.addf %add3A_251, %get3A_300 : vector<16xf32>
      %add3A_302 = arith.constant 96 : i32
      %add3A_303 = arith.addi %add3A_265, %add3A_302 : i32
      %get3A_304 = arith.index_cast %add3A_303 : i32 to index
      %get3A_305 = tpu.vector_load %arg5[%get3A_304] {strides = array<i32>} : memref<49152xf32, #tpu.memory_space<vmem>>, vector<16xf32>,
      %get3A_306 = vector.shape_cast %get3A_305 : vector<16xf32> to vector<16xf32>
      %add3A_307 = arith.addf %add3A_257, %get3A_306 : vector<16xf32>
      %add3A_308 = arith.constant 112 : i32
      %add3A_309 = arith.addi %add3A_265, %add3A_308 : i32
      %get3A_310 = arith.index_cast %add3A_309 : i32 to index
      %get3A_311 = tpu.vector_load %arg5[%get3A_310] {strides = array<i32>} : memref<49152xf32, #tpu.memory_space<vmem>>, vector<16xf32>,
      %get3A_312 = vector.shape_cast %get3A_311 : vector<16xf32> to vector<16xf32>
      %add3A_313 = arith.addf %add3A_263, %get3A_312 : vector<16xf32>
      %add3A_314 = arith.constant 384 : i32
      %add3A_315 = arith.addi %mul3A_163, %add3A_314 : i32
      %add3A_316 = arith.constant 0 : i32
      %add3A_317 = arith.addi %add3A_315, %add3A_316 : i32
      %get3A_318 = arith.index_cast %add3A_317 : i32 to index
      %get3A_319 = tpu.vector_load %arg5[%get3A_318] {strides = array<i32>} : memref<49152xf32, #tpu.memory_space<vmem>>, vector<16xf32>,
      %get3A_320 = vector.shape_cast %get3A_319 : vector<16xf32> to vector<16xf32>
      %add3A_321 = arith.addf %add3A_271, %get3A_320 : vector<16xf32>
      %add3A_322 = arith.constant 16 : i32
      %add3A_323 = arith.addi %add3A_315, %add3A_322 : i32
      %get3A_324 = arith.index_cast %add3A_323 : i32 to index
      %get3A_325 = tpu.vector_load %arg5[%get3A_324] {strides = array<i32>} : memref<49152xf32, #tpu.memory_space<vmem>>, vector<16xf32>,
      %get3A_326 = vector.shape_cast %get3A_325 : vector<16xf32> to vector<16xf32>
      %add3A_327 = arith.addf %add3A_277, %get3A_326 : vector<16xf32>
      %add3A_328 = arith.constant 32 : i32
      %add3A_329 = arith.addi %add3A_315, %add3A_328 : i32
      %get3A_330 = arith.index_cast %add3A_329 : i32 to index
      %get3A_331 = tpu.vector_load %arg5[%get3A_330] {strides = array<i32>} : memref<49152xf32, #tpu.memory_space<vmem>>, vector<16xf32>,
      %get3A_332 = vector.shape_cast %get3A_331 : vector<16xf32> to vector<16xf32>
      %add3A_333 = arith.addf %add3A_283, %get3A_332 : vector<16xf32>
      %add3A_334 = arith.constant 48 : i32
      %add3A_335 = arith.addi %add3A_315, %add3A_334 : i32
      %get3A_336 = arith.index_cast %add3A_335 : i32 to index
      %get3A_337 = tpu.vector_load %arg5[%get3A_336] {strides = array<i32>} : memref<49152xf32, #tpu.memory_space<vmem>>, vector<16xf32>,
      %get3A_338 = vector.shape_cast %get3A_337 : vector<16xf32> to vector<16xf32>
      %add3A_339 = arith.addf %add3A_289, %get3A_338 : vector<16xf32>
      %add3A_340 = arith.constant 64 : i32
      %add3A_341 = arith.addi %add3A_315, %add3A_340 : i32
      %get3A_342 = arith.index_cast %add3A_341 : i32 to index
      %get3A_343 = tpu.vector_load %arg5[%get3A_342] {strides = array<i32>} : memref<49152xf32, #tpu.memory_space<vmem>>, vector<16xf32>,
      %get3A_344 = vector.shape_cast %get3A_343 : vector<16xf32> to vector<16xf32>
      %add3A_345 = arith.addf %add3A_295, %get3A_344 : vector<16xf32>
      %add3A_346 = arith.constant 80 : i32
      %add3A_347 = arith.addi %add3A_315, %add3A_346 : i32
      %get3A_348 = arith.index_cast %add3A_347 : i32 to index
      %get3A_349 = tpu.vector_load %arg5[%get3A_348] {strides = array<i32>} : memref<49152xf32, #tpu.memory_space<vmem>>, vector<16xf32>,
      %get3A_350 = vector.shape_cast %get3A_349 : vector<16xf32> to vector<16xf32>
      %add3A_351 = arith.addf %add3A_301, %get3A_350 : vector<16xf32>
      %add3A_352 = arith.constant 96 : i32
      %add3A_353 = arith.addi %add3A_315, %add3A_352 : i32
      %get3A_354 = arith.index_cast %add3A_353 : i32 to index
      %get3A_355 = tpu.vector_load %arg5[%get3A_354] {strides = array<i32>} : memref<49152xf32, #tpu.memory_space<vmem>>, vector<16xf32>,
      %get3A_356 = vector.shape_cast %get3A_355 : vector<16xf32> to vector<16xf32>
      %add3A_357 = arith.addf %add3A_307, %get3A_356 : vector<16xf32>
      %add3A_358 = arith.constant 112 : i32
      %add3A_359 = arith.addi %add3A_315, %add3A_358 : i32
      %get3A_360 = arith.index_cast %add3A_359 : i32 to index
      %get3A_361 = tpu.vector_load %arg5[%get3A_360] {strides = array<i32>} : memref<49152xf32, #tpu.memory_space<vmem>>, vector<16xf32>,
      %get3A_362 = vector.shape_cast %get3A_361 : vector<16xf32> to vector<16xf32>
      %add3A_363 = arith.addf %add3A_313, %get3A_362 : vector<16xf32>
      scf.yield %add3A_321, %add3A_327, %add3A_333, %add3A_339, %add3A_345, %add3A_351, %add3A_357, %add3A_363 : vector<16xf32>, vector<16xf32>, vector<16xf32>, vector<16xf32>, vector<16xf32>, vector<16xf32>, vector<16xf32>, vector<16xf32>
    }
    %scan3A_28 = arith.constant 96 : i32
    %add3A_29 = arith.constant 98304 : i32
    %add3A_30 = arith.addi %mul3A_2, %add3A_29 : i32
    %dma_start3A_31 = tpu.memref_slice %arg2[%add3A_30] : memref<33554432xf32, #tpu.memory_space<hbm>> -> memref<49152xf32, #tpu.memory_space<hbm>>
    %dma_start3A_32 = tpu.memref_slice %arg2[%add3A_30] : memref<33554432xf32, #tpu.memory_space<hbm>> -> memref<49152xf32, #tpu.memory_space<hbm>>
    tpu.enqueue_dma source(%dma_start3A_32 : memref<49152xf32, #tpu.memory_space<hbm>>) target(%arg5 : memref<49152xf32, #tpu.memory_space<vmem>>) target_semaphore(%arg9 : memref<!tpu.dma_semaphore, #tpu.memory_space<semaphore_mem>>)
    %dma_wait3A_33 = tpu.memref_slice %arg2[%add3A_20] : memref<33554432xf32, #tpu.memory_space<hbm>> -> memref<49152xf32, #tpu.memory_space<hbm>>
    %dma_wait3A_34 = tpu.memref_slice %arg2[%add3A_20] : memref<33554432xf32, #tpu.memory_space<hbm>> -> memref<49152xf32, #tpu.memory_space<hbm>>
    tpu.wait_dma2 semaphore(%arg10 : memref<!tpu.dma_semaphore, #tpu.memory_space<semaphore_mem>>) src(%dma_wait3A_34 : memref<49152xf32, #tpu.memory_space<hbm>>) dst(%arg6 : memref<49152xf32, #tpu.memory_space<vmem>>)
    %scan3A_35 = arith.constant 0 : i32
    %scan3A_36 = arith.constant 96 : i32
    %scan3A_37 = arith.addi %scan3A_35, %scan3A_36 : i32
    %scan3A_38 = arith.constant 1 : i32
    %scan3A_39:8 = scf.for %scan3A_153 = %scan3A_35 to %scan3A_37 step %scan3A_38 iter_args(%scan3A_154 = %scan3A_27#0, %scan3A_155 = %scan3A_27#1, %scan3A_156 = %scan3A_27#2, %scan3A_157 = %scan3A_27#3, %scan3A_158 = %scan3A_27#4, %scan3A_159 = %scan3A_27#5, %scan3A_160 = %scan3A_27#6, %scan3A_161 = %scan3A_27#7) -> (vector<16xf32>, vector<16xf32>, vector<16xf32>, vector<16xf32>, vector<16xf32>, vector<16xf32>, vector<16xf32>, vector<16xf32>)  : i32 {
      %mul3A_162 = arith.constant 512 : i32
      %mul3A_163 = arith.muli %scan3A_153, %mul3A_162 : i32
      %add3A_164 = arith.constant 0 : i32
      %add3A_165 = arith.addi %mul3A_163, %add3A_164 : i32
      %add3A_166 = arith.constant 0 : i32
      %add3A_167 = arith.addi %add3A_165, %add3A_166 : i32
      %get3A_168 = arith.index_cast %add3A_167 : i32 to index
      %get3A_169 = tpu.vector_load %arg6[%get3A_168] {strides = array<i32>} : memref<49152xf32, #tpu.memory_space<vmem>>, vector<16xf32>,
      %get3A_170 = vector.shape_cast %get3A_169 : vector<16xf32> to vector<16xf32>
      %add3A_171 = arith.addf %scan3A_154, %get3A_170 : vector<16xf32>
      %add3A_172 = arith.constant 16 : i32
      %add3A_173 = arith.addi %add3A_165, %add3A_172 : i32
      %get3A_174 = arith.index_cast %add3A_173 : i32 to index
      %get3A_175 = tpu.vector_load %arg6[%get3A_174] {strides = array<i32>} : memref<49152xf32, #tpu.memory_space<vmem>>, vector<16xf32>,
      %get3A_176 = vector.shape_cast %get3A_175 : vector<16xf32> to vector<16xf32>
      %add3A_177 = arith.addf %scan3A_155, %get3A_176 : vector<16xf32>
      %add3A_178 = arith.constant 32 : i32
      %add3A_179 = arith.addi %add3A_165, %add3A_178 : i32
      %get3A_180 = arith.index_cast %add3A_179 : i32 to index
      %get3A_181 = tpu.vector_load %arg6[%get3A_180] {strides = array<i32>} : memref<49152xf32, #tpu.memory_space<vmem>>, vector<16xf32>,
      %get3A_182 = vector.shape_cast %get3A_181 : vector<16xf32> to vector<16xf32>
      %add3A_183 = arith.addf %scan3A_156, %get3A_182 : vector<16xf32>
      %add3A_184 = arith.constant 48 : i32
      %add3A_185 = arith.addi %add3A_165, %add3A_184 : i32
      %get3A_186 = arith.index_cast %add3A_185 : i32 to index
      %get3A_187 = tpu.vector_load %arg6[%get3A_186] {strides = array<i32>} : memref<49152xf32, #tpu.memory_space<vmem>>, vector<16xf32>,
      %get3A_188 = vector.shape_cast %get3A_187 : vector<16xf32> to vector<16xf32>
      %add3A_189 = arith.addf %scan3A_157, %get3A_188 : vector<16xf32>
      %add3A_190 = arith.constant 64 : i32
      %add3A_191 = arith.addi %add3A_165, %add3A_190 : i32
      %get3A_192 = arith.index_cast %add3A_191 : i32 to index
      %get3A_193 = tpu.vector_load %arg6[%get3A_192] {strides = array<i32>} : memref<49152xf32, #tpu.memory_space<vmem>>, vector<16xf32>,
      %get3A_194 = vector.shape_cast %get3A_193 : vector<16xf32> to vector<16xf32>
      %add3A_195 = arith.addf %scan3A_158, %get3A_194 : vector<16xf32>
      %add3A_196 = arith.constant 80 : i32
      %add3A_197 = arith.addi %add3A_165, %add3A_196 : i32
      %get3A_198 = arith.index_cast %add3A_197 : i32 to index
      %get3A_199 = tpu.vector_load %arg6[%get3A_198] {strides = array<i32>} : memref<49152xf32, #tpu.memory_space<vmem>>, vector<16xf32>,
      %get3A_200 = vector.shape_cast %get3A_199 : vector<16xf32> to vector<16xf32>
      %add3A_201 = arith.addf %scan3A_159, %get3A_200 : vector<16xf32>
      %add3A_202 = arith.constant 96 : i32
      %add3A_203 = arith.addi %add3A_165, %add3A_202 : i32
      %get3A_204 = arith.index_cast %add3A_203 : i32 to index
      %get3A_205 = tpu.vector_load %arg6[%get3A_204] {strides = array<i32>} : memref<49152xf32, #tpu.memory_space<vmem>>, vector<16xf32>,
      %get3A_206 = vector.shape_cast %get3A_205 : vector<16xf32> to vector<16xf32>
      %add3A_207 = arith.addf %scan3A_160, %get3A_206 : vector<16xf32>
      %add3A_208 = arith.constant 112 : i32
      %add3A_209 = arith.addi %add3A_165, %add3A_208 : i32
      %get3A_210 = arith.index_cast %add3A_209 : i32 to index
      %get3A_211 = tpu.vector_load %arg6[%get3A_210] {strides = array<i32>} : memref<49152xf32, #tpu.memory_space<vmem>>, vector<16xf32>,
      %get3A_212 = vector.shape_cast %get3A_211 : vector<16xf32> to vector<16xf32>
      %add3A_213 = arith.addf %scan3A_161, %get3A_212 : vector<16xf32>
      %add3A_214 = arith.constant 128 : i32
      %add3A_215 = arith.addi %mul3A_163, %add3A_214 : i32
      %add3A_216 = arith.constant 0 : i32
      %add3A_217 = arith.addi %add3A_215, %add3A_216 : i32
      %get3A_218 = arith.index_cast %add3A_217 : i32 to index
      %get3A_219 = tpu.vector_load %arg6[%get3A_218] {strides = array<i32>} : memref<49152xf32, #tpu.memory_space<vmem>>, vector<16xf32>,
      %get3A_220 = vector.shape_cast %get3A_219 : vector<16xf32> to vector<16xf32>
      %add3A_221 = arith.addf %add3A_171, %get3A_220 : vector<16xf32>
      %add3A_222 = arith.constant 16 : i32
      %add3A_223 = arith.addi %add3A_215, %add3A_222 : i32
      %get3A_224 = arith.index_cast %add3A_223 : i32 to index
      %get3A_225 = tpu.vector_load %arg6[%get3A_224] {strides = array<i32>} : memref<49152xf32, #tpu.memory_space<vmem>>, vector<16xf32>,
      %get3A_226 = vector.shape_cast %get3A_225 : vector<16xf32> to vector<16xf32>
      %add3A_227 = arith.addf %add3A_177, %get3A_226 : vector<16xf32>
      %add3A_228 = arith.constant 32 : i32
      %add3A_229 = arith.addi %add3A_215, %add3A_228 : i32
      %get3A_230 = arith.index_cast %add3A_229 : i32 to index
      %get3A_231 = tpu.vector_load %arg6[%get3A_230] {strides = array<i32>} : memref<49152xf32, #tpu.memory_space<vmem>>, vector<16xf32>,
      %get3A_232 = vector.shape_cast %get3A_231 : vector<16xf32> to vector<16xf32>
      %add3A_233 = arith.addf %add3A_183, %get3A_232 : vector<16xf32>
      %add3A_234 = arith.constant 48 : i32
      %add3A_235 = arith.addi %add3A_215, %add3A_234 : i32
      %get3A_236 = arith.index_cast %add3A_235 : i32 to index
      %get3A_237 = tpu.vector_load %arg6[%get3A_236] {strides = array<i32>} : memref<49152xf32, #tpu.memory_space<vmem>>, vector<16xf32>,
      %get3A_238 = vector.shape_cast %get3A_237 : vector<16xf32> to vector<16xf32>
      %add3A_239 = arith.addf %add3A_189, %get3A_238 : vector<16xf32>
      %add3A_240 = arith.constant 64 : i32
      %add3A_241 = arith.addi %add3A_215, %add3A_240 : i32
      %get3A_242 = arith.index_cast %add3A_241 : i32 to index
      %get3A_243 = tpu.vector_load %arg6[%get3A_242] {strides = array<i32>} : memref<49152xf32, #tpu.memory_space<vmem>>, vector<16xf32>,
      %get3A_244 = vector.shape_cast %get3A_243 : vector<16xf32> to vector<16xf32>
      %add3A_245 = arith.addf %add3A_195, %get3A_244 : vector<16xf32>
      %add3A_246 = arith.constant 80 : i32
      %add3A_247 = arith.addi %add3A_215, %add3A_246 : i32
      %get3A_248 = arith.index_cast %add3A_247 : i32 to index
      %get3A_249 = tpu.vector_load %arg6[%get3A_248] {strides = array<i32>} : memref<49152xf32, #tpu.memory_space<vmem>>, vector<16xf32>,
      %get3A_250 = vector.shape_cast %get3A_249 : vector<16xf32> to vector<16xf32>
      %add3A_251 = arith.addf %add3A_201, %get3A_250 : vector<16xf32>
      %add3A_252 = arith.constant 96 : i32
      %add3A_253 = arith.addi %add3A_215, %add3A_252 : i32
      %get3A_254 = arith.index_cast %add3A_253 : i32 to index
      %get3A_255 = tpu.vector_load %arg6[%get3A_254] {strides = array<i32>} : memref<49152xf32, #tpu.memory_space<vmem>>, vector<16xf32>,
      %get3A_256 = vector.shape_cast %get3A_255 : vector<16xf32> to vector<16xf32>
      %add3A_257 = arith.addf %add3A_207, %get3A_256 : vector<16xf32>
      %add3A_258 = arith.constant 112 : i32
      %add3A_259 = arith.addi %add3A_215, %add3A_258 : i32
      %get3A_260 = arith.index_cast %add3A_259 : i32 to index
      %get3A_261 = tpu.vector_load %arg6[%get3A_260] {strides = array<i32>} : memref<49152xf32, #tpu.memory_space<vmem>>, vector<16xf32>,
      %get3A_262 = vector.shape_cast %get3A_261 : vector<16xf32> to vector<16xf32>
      %add3A_263 = arith.addf %add3A_213, %get3A_262 : vector<16xf32>
      %add3A_264 = arith.constant 256 : i32
      %add3A_265 = arith.addi %mul3A_163, %add3A_264 : i32
      %add3A_266 = arith.constant 0 : i32
      %add3A_267 = arith.addi %add3A_265, %add3A_266 : i32
      %get3A_268 = arith.index_cast %add3A_267 : i32 to index
      %get3A_269 = tpu.vector_load %arg6[%get3A_268] {strides = array<i32>} : memref<49152xf32, #tpu.memory_space<vmem>>, vector<16xf32>,
      %get3A_270 = vector.shape_cast %get3A_269 : vector<16xf32> to vector<16xf32>
      %add3A_271 = arith.addf %add3A_221, %get3A_270 : vector<16xf32>
      %add3A_272 = arith.constant 16 : i32
      %add3A_273 = arith.addi %add3A_265, %add3A_272 : i32
      %get3A_274 = arith.index_cast %add3A_273 : i32 to index
      %get3A_275 = tpu.vector_load %arg6[%get3A_274] {strides = array<i32>} : memref<49152xf32, #tpu.memory_space<vmem>>, vector<16xf32>,
      %get3A_276 = vector.shape_cast %get3A_275 : vector<16xf32> to vector<16xf32>
      %add3A_277 = arith.addf %add3A_227, %get3A_276 : vector<16xf32>
      %add3A_278 = arith.constant 32 : i32
      %add3A_279 = arith.addi %add3A_265, %add3A_278 : i32
      %get3A_280 = arith.index_cast %add3A_279 : i32 to index
      %get3A_281 = tpu.vector_load %arg6[%get3A_280] {strides = array<i32>} : memref<49152xf32, #tpu.memory_space<vmem>>, vector<16xf32>,
      %get3A_282 = vector.shape_cast %get3A_281 : vector<16xf32> to vector<16xf32>
      %add3A_283 = arith.addf %add3A_233, %get3A_282 : vector<16xf32>
      %add3A_284 = arith.constant 48 : i32
      %add3A_285 = arith.addi %add3A_265, %add3A_284 : i32
      %get3A_286 = arith.index_cast %add3A_285 : i32 to index
      %get3A_287 = tpu.vector_load %arg6[%get3A_286] {strides = array<i32>} : memref<49152xf32, #tpu.memory_space<vmem>>, vector<16xf32>,
      %get3A_288 = vector.shape_cast %get3A_287 : vector<16xf32> to vector<16xf32>
      %add3A_289 = arith.addf %add3A_239, %get3A_288 : vector<16xf32>
      %add3A_290 = arith.constant 64 : i32
      %add3A_291 = arith.addi %add3A_265, %add3A_290 : i32
      %get3A_292 = arith.index_cast %add3A_291 : i32 to index
      %get3A_293 = tpu.vector_load %arg6[%get3A_292] {strides = array<i32>} : memref<49152xf32, #tpu.memory_space<vmem>>, vector<16xf32>,
      %get3A_294 = vector.shape_cast %get3A_293 : vector<16xf32> to vector<16xf32>
      %add3A_295 = arith.addf %add3A_245, %get3A_294 : vector<16xf32>
      %add3A_296 = arith.constant 80 : i32
      %add3A_297 = arith.addi %add3A_265, %add3A_296 : i32
      %get3A_298 = arith.index_cast %add3A_297 : i32 to index
      %get3A_299 = tpu.vector_load %arg6[%get3A_298] {strides = array<i32>} : memref<49152xf32, #tpu.memory_space<vmem>>, vector<16xf32>,
      %get3A_300 = vector.shape_cast %get3A_299 : vector<16xf32> to vector<16xf32>
      %add3A_301 = arith.addf %add3A_251, %get3A_300 : vector<16xf32>
      %add3A_302 = arith.constant 96 : i32
      %add3A_303 = arith.addi %add3A_265, %add3A_302 : i32
      %get3A_304 = arith.index_cast %add3A_303 : i32 to index
      %get3A_305 = tpu.vector_load %arg6[%get3A_304] {strides = array<i32>} : memref<49152xf32, #tpu.memory_space<vmem>>, vector<16xf32>,
      %get3A_306 = vector.shape_cast %get3A_305 : vector<16xf32> to vector<16xf32>
      %add3A_307 = arith.addf %add3A_257, %get3A_306 : vector<16xf32>
      %add3A_308 = arith.constant 112 : i32
      %add3A_309 = arith.addi %add3A_265, %add3A_308 : i32
      %get3A_310 = arith.index_cast %add3A_309 : i32 to index
      %get3A_311 = tpu.vector_load %arg6[%get3A_310] {strides = array<i32>} : memref<49152xf32, #tpu.memory_space<vmem>>, vector<16xf32>,
      %get3A_312 = vector.shape_cast %get3A_311 : vector<16xf32> to vector<16xf32>
      %add3A_313 = arith.addf %add3A_263, %get3A_312 : vector<16xf32>
      %add3A_314 = arith.constant 384 : i32
      %add3A_315 = arith.addi %mul3A_163, %add3A_314 : i32
      %add3A_316 = arith.constant 0 : i32
      %add3A_317 = arith.addi %add3A_315, %add3A_316 : i32
      %get3A_318 = arith.index_cast %add3A_317 : i32 to index
      %get3A_319 = tpu.vector_load %arg6[%get3A_318] {strides = array<i32>} : memref<49152xf32, #tpu.memory_space<vmem>>, vector<16xf32>,
      %get3A_320 = vector.shape_cast %get3A_319 : vector<16xf32> to vector<16xf32>
      %add3A_321 = arith.addf %add3A_271, %get3A_320 : vector<16xf32>
      %add3A_322 = arith.constant 16 : i32
      %add3A_323 = arith.addi %add3A_315, %add3A_322 : i32
      %get3A_324 = arith.index_cast %add3A_323 : i32 to index
      %get3A_325 = tpu.vector_load %arg6[%get3A_324] {strides = array<i32>} : memref<49152xf32, #tpu.memory_space<vmem>>, vector<16xf32>,
      %get3A_326 = vector.shape_cast %get3A_325 : vector<16xf32> to vector<16xf32>
      %add3A_327 = arith.addf %add3A_277, %get3A_326 : vector<16xf32>
      %add3A_328 = arith.constant 32 : i32
      %add3A_329 = arith.addi %add3A_315, %add3A_328 : i32
      %get3A_330 = arith.index_cast %add3A_329 : i32 to index
      %get3A_331 = tpu.vector_load %arg6[%get3A_330] {strides = array<i32>} : memref<49152xf32, #tpu.memory_space<vmem>>, vector<16xf32>,
      %get3A_332 = vector.shape_cast %get3A_331 : vector<16xf32> to vector<16xf32>
      %add3A_333 = arith.addf %add3A_283, %get3A_332 : vector<16xf32>
      %add3A_334 = arith.constant 48 : i32
      %add3A_335 = arith.addi %add3A_315, %add3A_334 : i32
      %get3A_336 = arith.index_cast %add3A_335 : i32 to index
      %get3A_337 = tpu.vector_load %arg6[%get3A_336] {strides = array<i32>} : memref<49152xf32, #tpu.memory_space<vmem>>, vector<16xf32>,
      %get3A_338 = vector.shape_cast %get3A_337 : vector<16xf32> to vector<16xf32>
      %add3A_339 = arith.addf %add3A_289, %get3A_338 : vector<16xf32>
      %add3A_340 = arith.constant 64 : i32
      %add3A_341 = arith.addi %add3A_315, %add3A_340 : i32
      %get3A_342 = arith.index_cast %add3A_341 : i32 to index
      %get3A_343 = tpu.vector_load %arg6[%get3A_342] {strides = array<i32>} : memref<49152xf32, #tpu.memory_space<vmem>>, vector<16xf32>,
      %get3A_344 = vector.shape_cast %get3A_343 : vector<16xf32> to vector<16xf32>
      %add3A_345 = arith.addf %add3A_295, %get3A_344 : vector<16xf32>
      %add3A_346 = arith.constant 80 : i32
      %add3A_347 = arith.addi %add3A_315, %add3A_346 : i32
      %get3A_348 = arith.index_cast %add3A_347 : i32 to index
      %get3A_349 = tpu.vector_load %arg6[%get3A_348] {strides = array<i32>} : memref<49152xf32, #tpu.memory_space<vmem>>, vector<16xf32>,
      %get3A_350 = vector.shape_cast %get3A_349 : vector<16xf32> to vector<16xf32>
      %add3A_351 = arith.addf %add3A_301, %get3A_350 : vector<16xf32>
      %add3A_352 = arith.constant 96 : i32
      %add3A_353 = arith.addi %add3A_315, %add3A_352 : i32
      %get3A_354 = arith.index_cast %add3A_353 : i32 to index
      %get3A_355 = tpu.vector_load %arg6[%get3A_354] {strides = array<i32>} : memref<49152xf32, #tpu.memory_space<vmem>>, vector<16xf32>,
      %get3A_356 = vector.shape_cast %get3A_355 : vector<16xf32> to vector<16xf32>
      %add3A_357 = arith.addf %add3A_307, %get3A_356 : vector<16xf32>
      %add3A_358 = arith.constant 112 : i32
      %add3A_359 = arith.addi %add3A_315, %add3A_358 : i32
      %get3A_360 = arith.index_cast %add3A_359 : i32 to index
      %get3A_361 = tpu.vector_load %arg6[%get3A_360] {strides = array<i32>} : memref<49152xf32, #tpu.memory_space<vmem>>, vector<16xf32>,
      %get3A_362 = vector.shape_cast %get3A_361 : vector<16xf32> to vector<16xf32>
      %add3A_363 = arith.addf %add3A_313, %get3A_362 : vector<16xf32>
      scf.yield %add3A_321, %add3A_327, %add3A_333, %add3A_339, %add3A_345, %add3A_351, %add3A_357, %add3A_363 : vector<16xf32>, vector<16xf32>, vector<16xf32>, vector<16xf32>, vector<16xf32>, vector<16xf32>, vector<16xf32>, vector<16xf32>
    }
    %scan3A_40 = arith.constant 96 : i32
    %add3A_41 = arith.constant 147456 : i32
    %add3A_42 = arith.addi %mul3A_2, %add3A_41 : i32
    %dma_start3A_43 = tpu.memref_slice %arg2[%add3A_42] : memref<33554432xf32, #tpu.memory_space<hbm>> -> memref<49152xf32, #tpu.memory_space<hbm>>
    %dma_start3A_44 = tpu.memref_slice %arg2[%add3A_42] : memref<33554432xf32, #tpu.memory_space<hbm>> -> memref<49152xf32, #tpu.memory_space<hbm>>
    tpu.enqueue_dma source(%dma_start3A_44 : memref<49152xf32, #tpu.memory_space<hbm>>) target(%arg6 : memref<49152xf32, #tpu.memory_space<vmem>>) target_semaphore(%arg10 : memref<!tpu.dma_semaphore, #tpu.memory_space<semaphore_mem>>)
    %dma_wait3A_45 = tpu.memref_slice %arg2[%add3A_30] : memref<33554432xf32, #tpu.memory_space<hbm>> -> memref<49152xf32, #tpu.memory_space<hbm>>
    %dma_wait3A_46 = tpu.memref_slice %arg2[%add3A_30] : memref<33554432xf32, #tpu.memory_space<hbm>> -> memref<49152xf32, #tpu.memory_space<hbm>>
    tpu.wait_dma2 semaphore(%arg9 : memref<!tpu.dma_semaphore, #tpu.memory_space<semaphore_mem>>) src(%dma_wait3A_46 : memref<49152xf32, #tpu.memory_space<hbm>>) dst(%arg5 : memref<49152xf32, #tpu.memory_space<vmem>>)
    %scan3A_47 = arith.constant 0 : i32
    %scan3A_48 = arith.constant 96 : i32
    %scan3A_49 = arith.addi %scan3A_47, %scan3A_48 : i32
    %scan3A_50 = arith.constant 1 : i32
    %scan3A_51:8 = scf.for %scan3A_153 = %scan3A_47 to %scan3A_49 step %scan3A_50 iter_args(%scan3A_154 = %scan3A_39#0, %scan3A_155 = %scan3A_39#1, %scan3A_156 = %scan3A_39#2, %scan3A_157 = %scan3A_39#3, %scan3A_158 = %scan3A_39#4, %scan3A_159 = %scan3A_39#5, %scan3A_160 = %scan3A_39#6, %scan3A_161 = %scan3A_39#7) -> (vector<16xf32>, vector<16xf32>, vector<16xf32>, vector<16xf32>, vector<16xf32>, vector<16xf32>, vector<16xf32>, vector<16xf32>)  : i32 {
      %mul3A_162 = arith.constant 512 : i32
      %mul3A_163 = arith.muli %scan3A_153, %mul3A_162 : i32
      %add3A_164 = arith.constant 0 : i32
      %add3A_165 = arith.addi %mul3A_163, %add3A_164 : i32
      %add3A_166 = arith.constant 0 : i32
      %add3A_167 = arith.addi %add3A_165, %add3A_166 : i32
      %get3A_168 = arith.index_cast %add3A_167 : i32 to index
      %get3A_169 = tpu.vector_load %arg5[%get3A_168] {strides = array<i32>} : memref<49152xf32, #tpu.memory_space<vmem>>, vector<16xf32>,
      %get3A_170 = vector.shape_cast %get3A_169 : vector<16xf32> to vector<16xf32>
      %add3A_171 = arith.addf %scan3A_154, %get3A_170 : vector<16xf32>
      %add3A_172 = arith.constant 16 : i32
      %add3A_173 = arith.addi %add3A_165, %add3A_172 : i32
      %get3A_174 = arith.index_cast %add3A_173 : i32 to index
      %get3A_175 = tpu.vector_load %arg5[%get3A_174] {strides = array<i32>} : memref<49152xf32, #tpu.memory_space<vmem>>, vector<16xf32>,
      %get3A_176 = vector.shape_cast %get3A_175 : vector<16xf32> to vector<16xf32>
      %add3A_177 = arith.addf %scan3A_155, %get3A_176 : vector<16xf32>
      %add3A_178 = arith.constant 32 : i32
      %add3A_179 = arith.addi %add3A_165, %add3A_178 : i32
      %get3A_180 = arith.index_cast %add3A_179 : i32 to index
      %get3A_181 = tpu.vector_load %arg5[%get3A_180] {strides = array<i32>} : memref<49152xf32, #tpu.memory_space<vmem>>, vector<16xf32>,
      %get3A_182 = vector.shape_cast %get3A_181 : vector<16xf32> to vector<16xf32>
      %add3A_183 = arith.addf %scan3A_156, %get3A_182 : vector<16xf32>
      %add3A_184 = arith.constant 48 : i32
      %add3A_185 = arith.addi %add3A_165, %add3A_184 : i32
      %get3A_186 = arith.index_cast %add3A_185 : i32 to index
      %get3A_187 = tpu.vector_load %arg5[%get3A_186] {strides = array<i32>} : memref<49152xf32, #tpu.memory_space<vmem>>, vector<16xf32>,
      %get3A_188 = vector.shape_cast %get3A_187 : vector<16xf32> to vector<16xf32>
      %add3A_189 = arith.addf %scan3A_157, %get3A_188 : vector<16xf32>
      %add3A_190 = arith.constant 64 : i32
      %add3A_191 = arith.addi %add3A_165, %add3A_190 : i32
      %get3A_192 = arith.index_cast %add3A_191 : i32 to index
      %get3A_193 = tpu.vector_load %arg5[%get3A_192] {strides = array<i32>} : memref<49152xf32, #tpu.memory_space<vmem>>, vector<16xf32>,
      %get3A_194 = vector.shape_cast %get3A_193 : vector<16xf32> to vector<16xf32>
      %add3A_195 = arith.addf %scan3A_158, %get3A_194 : vector<16xf32>
      %add3A_196 = arith.constant 80 : i32
      %add3A_197 = arith.addi %add3A_165, %add3A_196 : i32
      %get3A_198 = arith.index_cast %add3A_197 : i32 to index
      %get3A_199 = tpu.vector_load %arg5[%get3A_198] {strides = array<i32>} : memref<49152xf32, #tpu.memory_space<vmem>>, vector<16xf32>,
      %get3A_200 = vector.shape_cast %get3A_199 : vector<16xf32> to vector<16xf32>
      %add3A_201 = arith.addf %scan3A_159, %get3A_200 : vector<16xf32>
      %add3A_202 = arith.constant 96 : i32
      %add3A_203 = arith.addi %add3A_165, %add3A_202 : i32
      %get3A_204 = arith.index_cast %add3A_203 : i32 to index
      %get3A_205 = tpu.vector_load %arg5[%get3A_204] {strides = array<i32>} : memref<49152xf32, #tpu.memory_space<vmem>>, vector<16xf32>,
      %get3A_206 = vector.shape_cast %get3A_205 : vector<16xf32> to vector<16xf32>
      %add3A_207 = arith.addf %scan3A_160, %get3A_206 : vector<16xf32>
      %add3A_208 = arith.constant 112 : i32
      %add3A_209 = arith.addi %add3A_165, %add3A_208 : i32
      %get3A_210 = arith.index_cast %add3A_209 : i32 to index
      %get3A_211 = tpu.vector_load %arg5[%get3A_210] {strides = array<i32>} : memref<49152xf32, #tpu.memory_space<vmem>>, vector<16xf32>,
      %get3A_212 = vector.shape_cast %get3A_211 : vector<16xf32> to vector<16xf32>
      %add3A_213 = arith.addf %scan3A_161, %get3A_212 : vector<16xf32>
      %add3A_214 = arith.constant 128 : i32
      %add3A_215 = arith.addi %mul3A_163, %add3A_214 : i32
      %add3A_216 = arith.constant 0 : i32
      %add3A_217 = arith.addi %add3A_215, %add3A_216 : i32
      %get3A_218 = arith.index_cast %add3A_217 : i32 to index
      %get3A_219 = tpu.vector_load %arg5[%get3A_218] {strides = array<i32>} : memref<49152xf32, #tpu.memory_space<vmem>>, vector<16xf32>,
      %get3A_220 = vector.shape_cast %get3A_219 : vector<16xf32> to vector<16xf32>
      %add3A_221 = arith.addf %add3A_171, %get3A_220 : vector<16xf32>
      %add3A_222 = arith.constant 16 : i32
      %add3A_223 = arith.addi %add3A_215, %add3A_222 : i32
      %get3A_224 = arith.index_cast %add3A_223 : i32 to index
      %get3A_225 = tpu.vector_load %arg5[%get3A_224] {strides = array<i32>} : memref<49152xf32, #tpu.memory_space<vmem>>, vector<16xf32>,
      %get3A_226 = vector.shape_cast %get3A_225 : vector<16xf32> to vector<16xf32>
      %add3A_227 = arith.addf %add3A_177, %get3A_226 : vector<16xf32>
      %add3A_228 = arith.constant 32 : i32
      %add3A_229 = arith.addi %add3A_215, %add3A_228 : i32
      %get3A_230 = arith.index_cast %add3A_229 : i32 to index
      %get3A_231 = tpu.vector_load %arg5[%get3A_230] {strides = array<i32>} : memref<49152xf32, #tpu.memory_space<vmem>>, vector<16xf32>,
      %get3A_232 = vector.shape_cast %get3A_231 : vector<16xf32> to vector<16xf32>
      %add3A_233 = arith.addf %add3A_183, %get3A_232 : vector<16xf32>
      %add3A_234 = arith.constant 48 : i32
      %add3A_235 = arith.addi %add3A_215, %add3A_234 : i32
      %get3A_236 = arith.index_cast %add3A_235 : i32 to index
      %get3A_237 = tpu.vector_load %arg5[%get3A_236] {strides = array<i32>} : memref<49152xf32, #tpu.memory_space<vmem>>, vector<16xf32>,
      %get3A_238 = vector.shape_cast %get3A_237 : vector<16xf32> to vector<16xf32>
      %add3A_239 = arith.addf %add3A_189, %get3A_238 : vector<16xf32>
      %add3A_240 = arith.constant 64 : i32
      %add3A_241 = arith.addi %add3A_215, %add3A_240 : i32
      %get3A_242 = arith.index_cast %add3A_241 : i32 to index
      %get3A_243 = tpu.vector_load %arg5[%get3A_242] {strides = array<i32>} : memref<49152xf32, #tpu.memory_space<vmem>>, vector<16xf32>,
      %get3A_244 = vector.shape_cast %get3A_243 : vector<16xf32> to vector<16xf32>
      %add3A_245 = arith.addf %add3A_195, %get3A_244 : vector<16xf32>
      %add3A_246 = arith.constant 80 : i32
      %add3A_247 = arith.addi %add3A_215, %add3A_246 : i32
      %get3A_248 = arith.index_cast %add3A_247 : i32 to index
      %get3A_249 = tpu.vector_load %arg5[%get3A_248] {strides = array<i32>} : memref<49152xf32, #tpu.memory_space<vmem>>, vector<16xf32>,
      %get3A_250 = vector.shape_cast %get3A_249 : vector<16xf32> to vector<16xf32>
      %add3A_251 = arith.addf %add3A_201, %get3A_250 : vector<16xf32>
      %add3A_252 = arith.constant 96 : i32
      %add3A_253 = arith.addi %add3A_215, %add3A_252 : i32
      %get3A_254 = arith.index_cast %add3A_253 : i32 to index
      %get3A_255 = tpu.vector_load %arg5[%get3A_254] {strides = array<i32>} : memref<49152xf32, #tpu.memory_space<vmem>>, vector<16xf32>,
      %get3A_256 = vector.shape_cast %get3A_255 : vector<16xf32> to vector<16xf32>
      %add3A_257 = arith.addf %add3A_207, %get3A_256 : vector<16xf32>
      %add3A_258 = arith.constant 112 : i32
      %add3A_259 = arith.addi %add3A_215, %add3A_258 : i32
      %get3A_260 = arith.index_cast %add3A_259 : i32 to index
      %get3A_261 = tpu.vector_load %arg5[%get3A_260] {strides = array<i32>} : memref<49152xf32, #tpu.memory_space<vmem>>, vector<16xf32>,
      %get3A_262 = vector.shape_cast %get3A_261 : vector<16xf32> to vector<16xf32>
      %add3A_263 = arith.addf %add3A_213, %get3A_262 : vector<16xf32>
      %add3A_264 = arith.constant 256 : i32
      %add3A_265 = arith.addi %mul3A_163, %add3A_264 : i32
      %add3A_266 = arith.constant 0 : i32
      %add3A_267 = arith.addi %add3A_265, %add3A_266 : i32
      %get3A_268 = arith.index_cast %add3A_267 : i32 to index
      %get3A_269 = tpu.vector_load %arg5[%get3A_268] {strides = array<i32>} : memref<49152xf32, #tpu.memory_space<vmem>>, vector<16xf32>,
      %get3A_270 = vector.shape_cast %get3A_269 : vector<16xf32> to vector<16xf32>
      %add3A_271 = arith.addf %add3A_221, %get3A_270 : vector<16xf32>
      %add3A_272 = arith.constant 16 : i32
      %add3A_273 = arith.addi %add3A_265, %add3A_272 : i32
      %get3A_274 = arith.index_cast %add3A_273 : i32 to index
      %get3A_275 = tpu.vector_load %arg5[%get3A_274] {strides = array<i32>} : memref<49152xf32, #tpu.memory_space<vmem>>, vector<16xf32>,
      %get3A_276 = vector.shape_cast %get3A_275 : vector<16xf32> to vector<16xf32>
      %add3A_277 = arith.addf %add3A_227, %get3A_276 : vector<16xf32>
      %add3A_278 = arith.constant 32 : i32
      %add3A_279 = arith.addi %add3A_265, %add3A_278 : i32
      %get3A_280 = arith.index_cast %add3A_279 : i32 to index
      %get3A_281 = tpu.vector_load %arg5[%get3A_280] {strides = array<i32>} : memref<49152xf32, #tpu.memory_space<vmem>>, vector<16xf32>,
      %get3A_282 = vector.shape_cast %get3A_281 : vector<16xf32> to vector<16xf32>
      %add3A_283 = arith.addf %add3A_233, %get3A_282 : vector<16xf32>
      %add3A_284 = arith.constant 48 : i32
      %add3A_285 = arith.addi %add3A_265, %add3A_284 : i32
      %get3A_286 = arith.index_cast %add3A_285 : i32 to index
      %get3A_287 = tpu.vector_load %arg5[%get3A_286] {strides = array<i32>} : memref<49152xf32, #tpu.memory_space<vmem>>, vector<16xf32>,
      %get3A_288 = vector.shape_cast %get3A_287 : vector<16xf32> to vector<16xf32>
      %add3A_289 = arith.addf %add3A_239, %get3A_288 : vector<16xf32>
      %add3A_290 = arith.constant 64 : i32
      %add3A_291 = arith.addi %add3A_265, %add3A_290 : i32
      %get3A_292 = arith.index_cast %add3A_291 : i32 to index
      %get3A_293 = tpu.vector_load %arg5[%get3A_292] {strides = array<i32>} : memref<49152xf32, #tpu.memory_space<vmem>>, vector<16xf32>,
      %get3A_294 = vector.shape_cast %get3A_293 : vector<16xf32> to vector<16xf32>
      %add3A_295 = arith.addf %add3A_245, %get3A_294 : vector<16xf32>
      %add3A_296 = arith.constant 80 : i32
      %add3A_297 = arith.addi %add3A_265, %add3A_296 : i32
      %get3A_298 = arith.index_cast %add3A_297 : i32 to index
      %get3A_299 = tpu.vector_load %arg5[%get3A_298] {strides = array<i32>} : memref<49152xf32, #tpu.memory_space<vmem>>, vector<16xf32>,
      %get3A_300 = vector.shape_cast %get3A_299 : vector<16xf32> to vector<16xf32>
      %add3A_301 = arith.addf %add3A_251, %get3A_300 : vector<16xf32>
      %add3A_302 = arith.constant 96 : i32
      %add3A_303 = arith.addi %add3A_265, %add3A_302 : i32
      %get3A_304 = arith.index_cast %add3A_303 : i32 to index
      %get3A_305 = tpu.vector_load %arg5[%get3A_304] {strides = array<i32>} : memref<49152xf32, #tpu.memory_space<vmem>>, vector<16xf32>,
      %get3A_306 = vector.shape_cast %get3A_305 : vector<16xf32> to vector<16xf32>
      %add3A_307 = arith.addf %add3A_257, %get3A_306 : vector<16xf32>
      %add3A_308 = arith.constant 112 : i32
      %add3A_309 = arith.addi %add3A_265, %add3A_308 : i32
      %get3A_310 = arith.index_cast %add3A_309 : i32 to index
      %get3A_311 = tpu.vector_load %arg5[%get3A_310] {strides = array<i32>} : memref<49152xf32, #tpu.memory_space<vmem>>, vector<16xf32>,
      %get3A_312 = vector.shape_cast %get3A_311 : vector<16xf32> to vector<16xf32>
      %add3A_313 = arith.addf %add3A_263, %get3A_312 : vector<16xf32>
      %add3A_314 = arith.constant 384 : i32
      %add3A_315 = arith.addi %mul3A_163, %add3A_314 : i32
      %add3A_316 = arith.constant 0 : i32
      %add3A_317 = arith.addi %add3A_315, %add3A_316 : i32
      %get3A_318 = arith.index_cast %add3A_317 : i32 to index
      %get3A_319 = tpu.vector_load %arg5[%get3A_318] {strides = array<i32>} : memref<49152xf32, #tpu.memory_space<vmem>>, vector<16xf32>,
      %get3A_320 = vector.shape_cast %get3A_319 : vector<16xf32> to vector<16xf32>
      %add3A_321 = arith.addf %add3A_271, %get3A_320 : vector<16xf32>
      %add3A_322 = arith.constant 16 : i32
      %add3A_323 = arith.addi %add3A_315, %add3A_322 : i32
      %get3A_324 = arith.index_cast %add3A_323 : i32 to index
      %get3A_325 = tpu.vector_load %arg5[%get3A_324] {strides = array<i32>} : memref<49152xf32, #tpu.memory_space<vmem>>, vector<16xf32>,
      %get3A_326 = vector.shape_cast %get3A_325 : vector<16xf32> to vector<16xf32>
      %add3A_327 = arith.addf %add3A_277, %get3A_326 : vector<16xf32>
      %add3A_328 = arith.constant 32 : i32
      %add3A_329 = arith.addi %add3A_315, %add3A_328 : i32
      %get3A_330 = arith.index_cast %add3A_329 : i32 to index
      %get3A_331 = tpu.vector_load %arg5[%get3A_330] {strides = array<i32>} : memref<49152xf32, #tpu.memory_space<vmem>>, vector<16xf32>,
      %get3A_332 = vector.shape_cast %get3A_331 : vector<16xf32> to vector<16xf32>
      %add3A_333 = arith.addf %add3A_283, %get3A_332 : vector<16xf32>
      %add3A_334 = arith.constant 48 : i32
      %add3A_335 = arith.addi %add3A_315, %add3A_334 : i32
      %get3A_336 = arith.index_cast %add3A_335 : i32 to index
      %get3A_337 = tpu.vector_load %arg5[%get3A_336] {strides = array<i32>} : memref<49152xf32, #tpu.memory_space<vmem>>, vector<16xf32>,
      %get3A_338 = vector.shape_cast %get3A_337 : vector<16xf32> to vector<16xf32>
      %add3A_339 = arith.addf %add3A_289, %get3A_338 : vector<16xf32>
      %add3A_340 = arith.constant 64 : i32
      %add3A_341 = arith.addi %add3A_315, %add3A_340 : i32
      %get3A_342 = arith.index_cast %add3A_341 : i32 to index
      %get3A_343 = tpu.vector_load %arg5[%get3A_342] {strides = array<i32>} : memref<49152xf32, #tpu.memory_space<vmem>>, vector<16xf32>,
      %get3A_344 = vector.shape_cast %get3A_343 : vector<16xf32> to vector<16xf32>
      %add3A_345 = arith.addf %add3A_295, %get3A_344 : vector<16xf32>
      %add3A_346 = arith.constant 80 : i32
      %add3A_347 = arith.addi %add3A_315, %add3A_346 : i32
      %get3A_348 = arith.index_cast %add3A_347 : i32 to index
      %get3A_349 = tpu.vector_load %arg5[%get3A_348] {strides = array<i32>} : memref<49152xf32, #tpu.memory_space<vmem>>, vector<16xf32>,
      %get3A_350 = vector.shape_cast %get3A_349 : vector<16xf32> to vector<16xf32>
      %add3A_351 = arith.addf %add3A_301, %get3A_350 : vector<16xf32>
      %add3A_352 = arith.constant 96 : i32
      %add3A_353 = arith.addi %add3A_315, %add3A_352 : i32
      %get3A_354 = arith.index_cast %add3A_353 : i32 to index
      %get3A_355 = tpu.vector_load %arg5[%get3A_354] {strides = array<i32>} : memref<49152xf32, #tpu.memory_space<vmem>>, vector<16xf32>,
      %get3A_356 = vector.shape_cast %get3A_355 : vector<16xf32> to vector<16xf32>
      %add3A_357 = arith.addf %add3A_307, %get3A_356 : vector<16xf32>
      %add3A_358 = arith.constant 112 : i32
      %add3A_359 = arith.addi %add3A_315, %add3A_358 : i32
      %get3A_360 = arith.index_cast %add3A_359 : i32 to index
      %get3A_361 = tpu.vector_load %arg5[%get3A_360] {strides = array<i32>} : memref<49152xf32, #tpu.memory_space<vmem>>, vector<16xf32>,
      %get3A_362 = vector.shape_cast %get3A_361 : vector<16xf32> to vector<16xf32>
      %add3A_363 = arith.addf %add3A_313, %get3A_362 : vector<16xf32>
      scf.yield %add3A_321, %add3A_327, %add3A_333, %add3A_339, %add3A_345, %add3A_351, %add3A_357, %add3A_363 : vector<16xf32>, vector<16xf32>, vector<16xf32>, vector<16xf32>, vector<16xf32>, vector<16xf32>, vector<16xf32>, vector<16xf32>
    }
    %scan3A_52 = arith.constant 96 : i32
    %add3A_53 = arith.constant 196608 : i32
    %add3A_54 = arith.addi %mul3A_2, %add3A_53 : i32
    %dma_start3A_55 = tpu.memref_slice %arg2[%add3A_54] : memref<33554432xf32, #tpu.memory_space<hbm>> -> memref<49152xf32, #tpu.memory_space<hbm>>
    %dma_start3A_56 = tpu.memref_slice %arg2[%add3A_54] : memref<33554432xf32, #tpu.memory_space<hbm>> -> memref<49152xf32, #tpu.memory_space<hbm>>
    tpu.enqueue_dma source(%dma_start3A_56 : memref<49152xf32, #tpu.memory_space<hbm>>) target(%arg5 : memref<49152xf32, #tpu.memory_space<vmem>>) target_semaphore(%arg9 : memref<!tpu.dma_semaphore, #tpu.memory_space<semaphore_mem>>)
    %dma_wait3A_57 = tpu.memref_slice %arg2[%add3A_42] : memref<33554432xf32, #tpu.memory_space<hbm>> -> memref<49152xf32, #tpu.memory_space<hbm>>
    %dma_wait3A_58 = tpu.memref_slice %arg2[%add3A_42] : memref<33554432xf32, #tpu.memory_space<hbm>> -> memref<49152xf32, #tpu.memory_space<hbm>>
    tpu.wait_dma2 semaphore(%arg10 : memref<!tpu.dma_semaphore, #tpu.memory_space<semaphore_mem>>) src(%dma_wait3A_58 : memref<49152xf32, #tpu.memory_space<hbm>>) dst(%arg6 : memref<49152xf32, #tpu.memory_space<vmem>>)
    %scan3A_59 = arith.constant 0 : i32
    %scan3A_60 = arith.constant 96 : i32
    %scan3A_61 = arith.addi %scan3A_59, %scan3A_60 : i32
    %scan3A_62 = arith.constant 1 : i32
    %scan3A_63:8 = scf.for %scan3A_153 = %scan3A_59 to %scan3A_61 step %scan3A_62 iter_args(%scan3A_154 = %scan3A_51#0, %scan3A_155 = %scan3A_51#1, %scan3A_156 = %scan3A_51#2, %scan3A_157 = %scan3A_51#3, %scan3A_158 = %scan3A_51#4, %scan3A_159 = %scan3A_51#5, %scan3A_160 = %scan3A_51#6, %scan3A_161 = %scan3A_51#7) -> (vector<16xf32>, vector<16xf32>, vector<16xf32>, vector<16xf32>, vector<16xf32>, vector<16xf32>, vector<16xf32>, vector<16xf32>)  : i32 {
      %mul3A_162 = arith.constant 512 : i32
      %mul3A_163 = arith.muli %scan3A_153, %mul3A_162 : i32
      %add3A_164 = arith.constant 0 : i32
      %add3A_165 = arith.addi %mul3A_163, %add3A_164 : i32
      %add3A_166 = arith.constant 0 : i32
      %add3A_167 = arith.addi %add3A_165, %add3A_166 : i32
      %get3A_168 = arith.index_cast %add3A_167 : i32 to index
      %get3A_169 = tpu.vector_load %arg6[%get3A_168] {strides = array<i32>} : memref<49152xf32, #tpu.memory_space<vmem>>, vector<16xf32>,
      %get3A_170 = vector.shape_cast %get3A_169 : vector<16xf32> to vector<16xf32>
      %add3A_171 = arith.addf %scan3A_154, %get3A_170 : vector<16xf32>
      %add3A_172 = arith.constant 16 : i32
      %add3A_173 = arith.addi %add3A_165, %add3A_172 : i32
      %get3A_174 = arith.index_cast %add3A_173 : i32 to index
      %get3A_175 = tpu.vector_load %arg6[%get3A_174] {strides = array<i32>} : memref<49152xf32, #tpu.memory_space<vmem>>, vector<16xf32>,
      %get3A_176 = vector.shape_cast %get3A_175 : vector<16xf32> to vector<16xf32>
      %add3A_177 = arith.addf %scan3A_155, %get3A_176 : vector<16xf32>
      %add3A_178 = arith.constant 32 : i32
      %add3A_179 = arith.addi %add3A_165, %add3A_178 : i32
      %get3A_180 = arith.index_cast %add3A_179 : i32 to index
      %get3A_181 = tpu.vector_load %arg6[%get3A_180] {strides = array<i32>} : memref<49152xf32, #tpu.memory_space<vmem>>, vector<16xf32>,
      %get3A_182 = vector.shape_cast %get3A_181 : vector<16xf32> to vector<16xf32>
      %add3A_183 = arith.addf %scan3A_156, %get3A_182 : vector<16xf32>
      %add3A_184 = arith.constant 48 : i32
      %add3A_185 = arith.addi %add3A_165, %add3A_184 : i32
      %get3A_186 = arith.index_cast %add3A_185 : i32 to index
      %get3A_187 = tpu.vector_load %arg6[%get3A_186] {strides = array<i32>} : memref<49152xf32, #tpu.memory_space<vmem>>, vector<16xf32>,
      %get3A_188 = vector.shape_cast %get3A_187 : vector<16xf32> to vector<16xf32>
      %add3A_189 = arith.addf %scan3A_157, %get3A_188 : vector<16xf32>
      %add3A_190 = arith.constant 64 : i32
      %add3A_191 = arith.addi %add3A_165, %add3A_190 : i32
      %get3A_192 = arith.index_cast %add3A_191 : i32 to index
      %get3A_193 = tpu.vector_load %arg6[%get3A_192] {strides = array<i32>} : memref<49152xf32, #tpu.memory_space<vmem>>, vector<16xf32>,
      %get3A_194 = vector.shape_cast %get3A_193 : vector<16xf32> to vector<16xf32>
      %add3A_195 = arith.addf %scan3A_158, %get3A_194 : vector<16xf32>
      %add3A_196 = arith.constant 80 : i32
      %add3A_197 = arith.addi %add3A_165, %add3A_196 : i32
      %get3A_198 = arith.index_cast %add3A_197 : i32 to index
      %get3A_199 = tpu.vector_load %arg6[%get3A_198] {strides = array<i32>} : memref<49152xf32, #tpu.memory_space<vmem>>, vector<16xf32>,
      %get3A_200 = vector.shape_cast %get3A_199 : vector<16xf32> to vector<16xf32>
      %add3A_201 = arith.addf %scan3A_159, %get3A_200 : vector<16xf32>
      %add3A_202 = arith.constant 96 : i32
      %add3A_203 = arith.addi %add3A_165, %add3A_202 : i32
      %get3A_204 = arith.index_cast %add3A_203 : i32 to index
      %get3A_205 = tpu.vector_load %arg6[%get3A_204] {strides = array<i32>} : memref<49152xf32, #tpu.memory_space<vmem>>, vector<16xf32>,
      %get3A_206 = vector.shape_cast %get3A_205 : vector<16xf32> to vector<16xf32>
      %add3A_207 = arith.addf %scan3A_160, %get3A_206 : vector<16xf32>
      %add3A_208 = arith.constant 112 : i32
      %add3A_209 = arith.addi %add3A_165, %add3A_208 : i32
      %get3A_210 = arith.index_cast %add3A_209 : i32 to index
      %get3A_211 = tpu.vector_load %arg6[%get3A_210] {strides = array<i32>} : memref<49152xf32, #tpu.memory_space<vmem>>, vector<16xf32>,
      %get3A_212 = vector.shape_cast %get3A_211 : vector<16xf32> to vector<16xf32>
      %add3A_213 = arith.addf %scan3A_161, %get3A_212 : vector<16xf32>
      %add3A_214 = arith.constant 128 : i32
      %add3A_215 = arith.addi %mul3A_163, %add3A_214 : i32
      %add3A_216 = arith.constant 0 : i32
      %add3A_217 = arith.addi %add3A_215, %add3A_216 : i32
      %get3A_218 = arith.index_cast %add3A_217 : i32 to index
      %get3A_219 = tpu.vector_load %arg6[%get3A_218] {strides = array<i32>} : memref<49152xf32, #tpu.memory_space<vmem>>, vector<16xf32>,
      %get3A_220 = vector.shape_cast %get3A_219 : vector<16xf32> to vector<16xf32>
      %add3A_221 = arith.addf %add3A_171, %get3A_220 : vector<16xf32>
      %add3A_222 = arith.constant 16 : i32
      %add3A_223 = arith.addi %add3A_215, %add3A_222 : i32
      %get3A_224 = arith.index_cast %add3A_223 : i32 to index
      %get3A_225 = tpu.vector_load %arg6[%get3A_224] {strides = array<i32>} : memref<49152xf32, #tpu.memory_space<vmem>>, vector<16xf32>,
      %get3A_226 = vector.shape_cast %get3A_225 : vector<16xf32> to vector<16xf32>
      %add3A_227 = arith.addf %add3A_177, %get3A_226 : vector<16xf32>
      %add3A_228 = arith.constant 32 : i32
      %add3A_229 = arith.addi %add3A_215, %add3A_228 : i32
      %get3A_230 = arith.index_cast %add3A_229 : i32 to index
      %get3A_231 = tpu.vector_load %arg6[%get3A_230] {strides = array<i32>} : memref<49152xf32, #tpu.memory_space<vmem>>, vector<16xf32>,
      %get3A_232 = vector.shape_cast %get3A_231 : vector<16xf32> to vector<16xf32>
      %add3A_233 = arith.addf %add3A_183, %get3A_232 : vector<16xf32>
      %add3A_234 = arith.constant 48 : i32
      %add3A_235 = arith.addi %add3A_215, %add3A_234 : i32
      %get3A_236 = arith.index_cast %add3A_235 : i32 to index
      %get3A_237 = tpu.vector_load %arg6[%get3A_236] {strides = array<i32>} : memref<49152xf32, #tpu.memory_space<vmem>>, vector<16xf32>,
      %get3A_238 = vector.shape_cast %get3A_237 : vector<16xf32> to vector<16xf32>
      %add3A_239 = arith.addf %add3A_189, %get3A_238 : vector<16xf32>
      %add3A_240 = arith.constant 64 : i32
      %add3A_241 = arith.addi %add3A_215, %add3A_240 : i32
      %get3A_242 = arith.index_cast %add3A_241 : i32 to index
      %get3A_243 = tpu.vector_load %arg6[%get3A_242] {strides = array<i32>} : memref<49152xf32, #tpu.memory_space<vmem>>, vector<16xf32>,
      %get3A_244 = vector.shape_cast %get3A_243 : vector<16xf32> to vector<16xf32>
      %add3A_245 = arith.addf %add3A_195, %get3A_244 : vector<16xf32>
      %add3A_246 = arith.constant 80 : i32
      %add3A_247 = arith.addi %add3A_215, %add3A_246 : i32
      %get3A_248 = arith.index_cast %add3A_247 : i32 to index
      %get3A_249 = tpu.vector_load %arg6[%get3A_248] {strides = array<i32>} : memref<49152xf32, #tpu.memory_space<vmem>>, vector<16xf32>,
      %get3A_250 = vector.shape_cast %get3A_249 : vector<16xf32> to vector<16xf32>
      %add3A_251 = arith.addf %add3A_201, %get3A_250 : vector<16xf32>
      %add3A_252 = arith.constant 96 : i32
      %add3A_253 = arith.addi %add3A_215, %add3A_252 : i32
      %get3A_254 = arith.index_cast %add3A_253 : i32 to index
      %get3A_255 = tpu.vector_load %arg6[%get3A_254] {strides = array<i32>} : memref<49152xf32, #tpu.memory_space<vmem>>, vector<16xf32>,
      %get3A_256 = vector.shape_cast %get3A_255 : vector<16xf32> to vector<16xf32>
      %add3A_257 = arith.addf %add3A_207, %get3A_256 : vector<16xf32>
      %add3A_258 = arith.constant 112 : i32
      %add3A_259 = arith.addi %add3A_215, %add3A_258 : i32
      %get3A_260 = arith.index_cast %add3A_259 : i32 to index
      %get3A_261 = tpu.vector_load %arg6[%get3A_260] {strides = array<i32>} : memref<49152xf32, #tpu.memory_space<vmem>>, vector<16xf32>,
      %get3A_262 = vector.shape_cast %get3A_261 : vector<16xf32> to vector<16xf32>
      %add3A_263 = arith.addf %add3A_213, %get3A_262 : vector<16xf32>
      %add3A_264 = arith.constant 256 : i32
      %add3A_265 = arith.addi %mul3A_163, %add3A_264 : i32
      %add3A_266 = arith.constant 0 : i32
      %add3A_267 = arith.addi %add3A_265, %add3A_266 : i32
      %get3A_268 = arith.index_cast %add3A_267 : i32 to index
      %get3A_269 = tpu.vector_load %arg6[%get3A_268] {strides = array<i32>} : memref<49152xf32, #tpu.memory_space<vmem>>, vector<16xf32>,
      %get3A_270 = vector.shape_cast %get3A_269 : vector<16xf32> to vector<16xf32>
      %add3A_271 = arith.addf %add3A_221, %get3A_270 : vector<16xf32>
      %add3A_272 = arith.constant 16 : i32
      %add3A_273 = arith.addi %add3A_265, %add3A_272 : i32
      %get3A_274 = arith.index_cast %add3A_273 : i32 to index
      %get3A_275 = tpu.vector_load %arg6[%get3A_274] {strides = array<i32>} : memref<49152xf32, #tpu.memory_space<vmem>>, vector<16xf32>,
      %get3A_276 = vector.shape_cast %get3A_275 : vector<16xf32> to vector<16xf32>
      %add3A_277 = arith.addf %add3A_227, %get3A_276 : vector<16xf32>
      %add3A_278 = arith.constant 32 : i32
      %add3A_279 = arith.addi %add3A_265, %add3A_278 : i32
      %get3A_280 = arith.index_cast %add3A_279 : i32 to index
      %get3A_281 = tpu.vector_load %arg6[%get3A_280] {strides = array<i32>} : memref<49152xf32, #tpu.memory_space<vmem>>, vector<16xf32>,
      %get3A_282 = vector.shape_cast %get3A_281 : vector<16xf32> to vector<16xf32>
      %add3A_283 = arith.addf %add3A_233, %get3A_282 : vector<16xf32>
      %add3A_284 = arith.constant 48 : i32
      %add3A_285 = arith.addi %add3A_265, %add3A_284 : i32
      %get3A_286 = arith.index_cast %add3A_285 : i32 to index
      %get3A_287 = tpu.vector_load %arg6[%get3A_286] {strides = array<i32>} : memref<49152xf32, #tpu.memory_space<vmem>>, vector<16xf32>,
      %get3A_288 = vector.shape_cast %get3A_287 : vector<16xf32> to vector<16xf32>
      %add3A_289 = arith.addf %add3A_239, %get3A_288 : vector<16xf32>
      %add3A_290 = arith.constant 64 : i32
      %add3A_291 = arith.addi %add3A_265, %add3A_290 : i32
      %get3A_292 = arith.index_cast %add3A_291 : i32 to index
      %get3A_293 = tpu.vector_load %arg6[%get3A_292] {strides = array<i32>} : memref<49152xf32, #tpu.memory_space<vmem>>, vector<16xf32>,
      %get3A_294 = vector.shape_cast %get3A_293 : vector<16xf32> to vector<16xf32>
      %add3A_295 = arith.addf %add3A_245, %get3A_294 : vector<16xf32>
      %add3A_296 = arith.constant 80 : i32
      %add3A_297 = arith.addi %add3A_265, %add3A_296 : i32
      %get3A_298 = arith.index_cast %add3A_297 : i32 to index
      %get3A_299 = tpu.vector_load %arg6[%get3A_298] {strides = array<i32>} : memref<49152xf32, #tpu.memory_space<vmem>>, vector<16xf32>,
      %get3A_300 = vector.shape_cast %get3A_299 : vector<16xf32> to vector<16xf32>
      %add3A_301 = arith.addf %add3A_251, %get3A_300 : vector<16xf32>
      %add3A_302 = arith.constant 96 : i32
      %add3A_303 = arith.addi %add3A_265, %add3A_302 : i32
      %get3A_304 = arith.index_cast %add3A_303 : i32 to index
      %get3A_305 = tpu.vector_load %arg6[%get3A_304] {strides = array<i32>} : memref<49152xf32, #tpu.memory_space<vmem>>, vector<16xf32>,
      %get3A_306 = vector.shape_cast %get3A_305 : vector<16xf32> to vector<16xf32>
      %add3A_307 = arith.addf %add3A_257, %get3A_306 : vector<16xf32>
      %add3A_308 = arith.constant 112 : i32
      %add3A_309 = arith.addi %add3A_265, %add3A_308 : i32
      %get3A_310 = arith.index_cast %add3A_309 : i32 to index
      %get3A_311 = tpu.vector_load %arg6[%get3A_310] {strides = array<i32>} : memref<49152xf32, #tpu.memory_space<vmem>>, vector<16xf32>,
      %get3A_312 = vector.shape_cast %get3A_311 : vector<16xf32> to vector<16xf32>
      %add3A_313 = arith.addf %add3A_263, %get3A_312 : vector<16xf32>
      %add3A_314 = arith.constant 384 : i32
      %add3A_315 = arith.addi %mul3A_163, %add3A_314 : i32
      %add3A_316 = arith.constant 0 : i32
      %add3A_317 = arith.addi %add3A_315, %add3A_316 : i32
      %get3A_318 = arith.index_cast %add3A_317 : i32 to index
      %get3A_319 = tpu.vector_load %arg6[%get3A_318] {strides = array<i32>} : memref<49152xf32, #tpu.memory_space<vmem>>, vector<16xf32>,
      %get3A_320 = vector.shape_cast %get3A_319 : vector<16xf32> to vector<16xf32>
      %add3A_321 = arith.addf %add3A_271, %get3A_320 : vector<16xf32>
      %add3A_322 = arith.constant 16 : i32
      %add3A_323 = arith.addi %add3A_315, %add3A_322 : i32
      %get3A_324 = arith.index_cast %add3A_323 : i32 to index
      %get3A_325 = tpu.vector_load %arg6[%get3A_324] {strides = array<i32>} : memref<49152xf32, #tpu.memory_space<vmem>>, vector<16xf32>,
      %get3A_326 = vector.shape_cast %get3A_325 : vector<16xf32> to vector<16xf32>
      %add3A_327 = arith.addf %add3A_277, %get3A_326 : vector<16xf32>
      %add3A_328 = arith.constant 32 : i32
      %add3A_329 = arith.addi %add3A_315, %add3A_328 : i32
      %get3A_330 = arith.index_cast %add3A_329 : i32 to index
      %get3A_331 = tpu.vector_load %arg6[%get3A_330] {strides = array<i32>} : memref<49152xf32, #tpu.memory_space<vmem>>, vector<16xf32>,
      %get3A_332 = vector.shape_cast %get3A_331 : vector<16xf32> to vector<16xf32>
      %add3A_333 = arith.addf %add3A_283, %get3A_332 : vector<16xf32>
      %add3A_334 = arith.constant 48 : i32
      %add3A_335 = arith.addi %add3A_315, %add3A_334 : i32
      %get3A_336 = arith.index_cast %add3A_335 : i32 to index
      %get3A_337 = tpu.vector_load %arg6[%get3A_336] {strides = array<i32>} : memref<49152xf32, #tpu.memory_space<vmem>>, vector<16xf32>,
      %get3A_338 = vector.shape_cast %get3A_337 : vector<16xf32> to vector<16xf32>
      %add3A_339 = arith.addf %add3A_289, %get3A_338 : vector<16xf32>
      %add3A_340 = arith.constant 64 : i32
      %add3A_341 = arith.addi %add3A_315, %add3A_340 : i32
      %get3A_342 = arith.index_cast %add3A_341 : i32 to index
      %get3A_343 = tpu.vector_load %arg6[%get3A_342] {strides = array<i32>} : memref<49152xf32, #tpu.memory_space<vmem>>, vector<16xf32>,
      %get3A_344 = vector.shape_cast %get3A_343 : vector<16xf32> to vector<16xf32>
      %add3A_345 = arith.addf %add3A_295, %get3A_344 : vector<16xf32>
      %add3A_346 = arith.constant 80 : i32
      %add3A_347 = arith.addi %add3A_315, %add3A_346 : i32
      %get3A_348 = arith.index_cast %add3A_347 : i32 to index
      %get3A_349 = tpu.vector_load %arg6[%get3A_348] {strides = array<i32>} : memref<49152xf32, #tpu.memory_space<vmem>>, vector<16xf32>,
      %get3A_350 = vector.shape_cast %get3A_349 : vector<16xf32> to vector<16xf32>
      %add3A_351 = arith.addf %add3A_301, %get3A_350 : vector<16xf32>
      %add3A_352 = arith.constant 96 : i32
      %add3A_353 = arith.addi %add3A_315, %add3A_352 : i32
      %get3A_354 = arith.index_cast %add3A_353 : i32 to index
      %get3A_355 = tpu.vector_load %arg6[%get3A_354] {strides = array<i32>} : memref<49152xf32, #tpu.memory_space<vmem>>, vector<16xf32>,
      %get3A_356 = vector.shape_cast %get3A_355 : vector<16xf32> to vector<16xf32>
      %add3A_357 = arith.addf %add3A_307, %get3A_356 : vector<16xf32>
      %add3A_358 = arith.constant 112 : i32
      %add3A_359 = arith.addi %add3A_315, %add3A_358 : i32
      %get3A_360 = arith.index_cast %add3A_359 : i32 to index
      %get3A_361 = tpu.vector_load %arg6[%get3A_360] {strides = array<i32>} : memref<49152xf32, #tpu.memory_space<vmem>>, vector<16xf32>,
      %get3A_362 = vector.shape_cast %get3A_361 : vector<16xf32> to vector<16xf32>
      %add3A_363 = arith.addf %add3A_313, %get3A_362 : vector<16xf32>
      scf.yield %add3A_321, %add3A_327, %add3A_333, %add3A_339, %add3A_345, %add3A_351, %add3A_357, %add3A_363 : vector<16xf32>, vector<16xf32>, vector<16xf32>, vector<16xf32>, vector<16xf32>, vector<16xf32>, vector<16xf32>, vector<16xf32>
    }
    %scan3A_64 = arith.constant 96 : i32
    %add3A_65 = arith.constant 245760 : i32
    %add3A_66 = arith.addi %mul3A_2, %add3A_65 : i32
    %dma_start3A_67 = tpu.memref_slice %arg2[%add3A_66] : memref<33554432xf32, #tpu.memory_space<hbm>> -> memref<49152xf32, #tpu.memory_space<hbm>>
    %dma_start3A_68 = tpu.memref_slice %arg2[%add3A_66] : memref<33554432xf32, #tpu.memory_space<hbm>> -> memref<49152xf32, #tpu.memory_space<hbm>>
    tpu.enqueue_dma source(%dma_start3A_68 : memref<49152xf32, #tpu.memory_space<hbm>>) target(%arg6 : memref<49152xf32, #tpu.memory_space<vmem>>) target_semaphore(%arg10 : memref<!tpu.dma_semaphore, #tpu.memory_space<semaphore_mem>>)
    %dma_wait3A_69 = tpu.memref_slice %arg2[%add3A_54] : memref<33554432xf32, #tpu.memory_space<hbm>> -> memref<49152xf32, #tpu.memory_space<hbm>>
    %dma_wait3A_70 = tpu.memref_slice %arg2[%add3A_54] : memref<33554432xf32, #tpu.memory_space<hbm>> -> memref<49152xf32, #tpu.memory_space<hbm>>
    tpu.wait_dma2 semaphore(%arg9 : memref<!tpu.dma_semaphore, #tpu.memory_space<semaphore_mem>>) src(%dma_wait3A_70 : memref<49152xf32, #tpu.memory_space<hbm>>) dst(%arg5 : memref<49152xf32, #tpu.memory_space<vmem>>)
    %scan3A_71 = arith.constant 0 : i32
    %scan3A_72 = arith.constant 96 : i32
    %scan3A_73 = arith.addi %scan3A_71, %scan3A_72 : i32
    %scan3A_74 = arith.constant 1 : i32
    %scan3A_75:8 = scf.for %scan3A_153 = %scan3A_71 to %scan3A_73 step %scan3A_74 iter_args(%scan3A_154 = %scan3A_63#0, %scan3A_155 = %scan3A_63#1, %scan3A_156 = %scan3A_63#2, %scan3A_157 = %scan3A_63#3, %scan3A_158 = %scan3A_63#4, %scan3A_159 = %scan3A_63#5, %scan3A_160 = %scan3A_63#6, %scan3A_161 = %scan3A_63#7) -> (vector<16xf32>, vector<16xf32>, vector<16xf32>, vector<16xf32>, vector<16xf32>, vector<16xf32>, vector<16xf32>, vector<16xf32>)  : i32 {
      %mul3A_162 = arith.constant 512 : i32
      %mul3A_163 = arith.muli %scan3A_153, %mul3A_162 : i32
      %add3A_164 = arith.constant 0 : i32
      %add3A_165 = arith.addi %mul3A_163, %add3A_164 : i32
      %add3A_166 = arith.constant 0 : i32
      %add3A_167 = arith.addi %add3A_165, %add3A_166 : i32
      %get3A_168 = arith.index_cast %add3A_167 : i32 to index
      %get3A_169 = tpu.vector_load %arg5[%get3A_168] {strides = array<i32>} : memref<49152xf32, #tpu.memory_space<vmem>>, vector<16xf32>,
      %get3A_170 = vector.shape_cast %get3A_169 : vector<16xf32> to vector<16xf32>
      %add3A_171 = arith.addf %scan3A_154, %get3A_170 : vector<16xf32>
      %add3A_172 = arith.constant 16 : i32
      %add3A_173 = arith.addi %add3A_165, %add3A_172 : i32
      %get3A_174 = arith.index_cast %add3A_173 : i32 to index
      %get3A_175 = tpu.vector_load %arg5[%get3A_174] {strides = array<i32>} : memref<49152xf32, #tpu.memory_space<vmem>>, vector<16xf32>,
      %get3A_176 = vector.shape_cast %get3A_175 : vector<16xf32> to vector<16xf32>
      %add3A_177 = arith.addf %scan3A_155, %get3A_176 : vector<16xf32>
      %add3A_178 = arith.constant 32 : i32
      %add3A_179 = arith.addi %add3A_165, %add3A_178 : i32
      %get3A_180 = arith.index_cast %add3A_179 : i32 to index
      %get3A_181 = tpu.vector_load %arg5[%get3A_180] {strides = array<i32>} : memref<49152xf32, #tpu.memory_space<vmem>>, vector<16xf32>,
      %get3A_182 = vector.shape_cast %get3A_181 : vector<16xf32> to vector<16xf32>
      %add3A_183 = arith.addf %scan3A_156, %get3A_182 : vector<16xf32>
      %add3A_184 = arith.constant 48 : i32
      %add3A_185 = arith.addi %add3A_165, %add3A_184 : i32
      %get3A_186 = arith.index_cast %add3A_185 : i32 to index
      %get3A_187 = tpu.vector_load %arg5[%get3A_186] {strides = array<i32>} : memref<49152xf32, #tpu.memory_space<vmem>>, vector<16xf32>,
      %get3A_188 = vector.shape_cast %get3A_187 : vector<16xf32> to vector<16xf32>
      %add3A_189 = arith.addf %scan3A_157, %get3A_188 : vector<16xf32>
      %add3A_190 = arith.constant 64 : i32
      %add3A_191 = arith.addi %add3A_165, %add3A_190 : i32
      %get3A_192 = arith.index_cast %add3A_191 : i32 to index
      %get3A_193 = tpu.vector_load %arg5[%get3A_192] {strides = array<i32>} : memref<49152xf32, #tpu.memory_space<vmem>>, vector<16xf32>,
      %get3A_194 = vector.shape_cast %get3A_193 : vector<16xf32> to vector<16xf32>
      %add3A_195 = arith.addf %scan3A_158, %get3A_194 : vector<16xf32>
      %add3A_196 = arith.constant 80 : i32
      %add3A_197 = arith.addi %add3A_165, %add3A_196 : i32
      %get3A_198 = arith.index_cast %add3A_197 : i32 to index
      %get3A_199 = tpu.vector_load %arg5[%get3A_198] {strides = array<i32>} : memref<49152xf32, #tpu.memory_space<vmem>>, vector<16xf32>,
      %get3A_200 = vector.shape_cast %get3A_199 : vector<16xf32> to vector<16xf32>
      %add3A_201 = arith.addf %scan3A_159, %get3A_200 : vector<16xf32>
      %add3A_202 = arith.constant 96 : i32
      %add3A_203 = arith.addi %add3A_165, %add3A_202 : i32
      %get3A_204 = arith.index_cast %add3A_203 : i32 to index
      %get3A_205 = tpu.vector_load %arg5[%get3A_204] {strides = array<i32>} : memref<49152xf32, #tpu.memory_space<vmem>>, vector<16xf32>,
      %get3A_206 = vector.shape_cast %get3A_205 : vector<16xf32> to vector<16xf32>
      %add3A_207 = arith.addf %scan3A_160, %get3A_206 : vector<16xf32>
      %add3A_208 = arith.constant 112 : i32
      %add3A_209 = arith.addi %add3A_165, %add3A_208 : i32
      %get3A_210 = arith.index_cast %add3A_209 : i32 to index
      %get3A_211 = tpu.vector_load %arg5[%get3A_210] {strides = array<i32>} : memref<49152xf32, #tpu.memory_space<vmem>>, vector<16xf32>,
      %get3A_212 = vector.shape_cast %get3A_211 : vector<16xf32> to vector<16xf32>
      %add3A_213 = arith.addf %scan3A_161, %get3A_212 : vector<16xf32>
      %add3A_214 = arith.constant 128 : i32
      %add3A_215 = arith.addi %mul3A_163, %add3A_214 : i32
      %add3A_216 = arith.constant 0 : i32
      %add3A_217 = arith.addi %add3A_215, %add3A_216 : i32
      %get3A_218 = arith.index_cast %add3A_217 : i32 to index
      %get3A_219 = tpu.vector_load %arg5[%get3A_218] {strides = array<i32>} : memref<49152xf32, #tpu.memory_space<vmem>>, vector<16xf32>,
      %get3A_220 = vector.shape_cast %get3A_219 : vector<16xf32> to vector<16xf32>
      %add3A_221 = arith.addf %add3A_171, %get3A_220 : vector<16xf32>
      %add3A_222 = arith.constant 16 : i32
      %add3A_223 = arith.addi %add3A_215, %add3A_222 : i32
      %get3A_224 = arith.index_cast %add3A_223 : i32 to index
      %get3A_225 = tpu.vector_load %arg5[%get3A_224] {strides = array<i32>} : memref<49152xf32, #tpu.memory_space<vmem>>, vector<16xf32>,
      %get3A_226 = vector.shape_cast %get3A_225 : vector<16xf32> to vector<16xf32>
      %add3A_227 = arith.addf %add3A_177, %get3A_226 : vector<16xf32>
      %add3A_228 = arith.constant 32 : i32
      %add3A_229 = arith.addi %add3A_215, %add3A_228 : i32
      %get3A_230 = arith.index_cast %add3A_229 : i32 to index
      %get3A_231 = tpu.vector_load %arg5[%get3A_230] {strides = array<i32>} : memref<49152xf32, #tpu.memory_space<vmem>>, vector<16xf32>,
      %get3A_232 = vector.shape_cast %get3A_231 : vector<16xf32> to vector<16xf32>
      %add3A_233 = arith.addf %add3A_183, %get3A_232 : vector<16xf32>
      %add3A_234 = arith.constant 48 : i32
      %add3A_235 = arith.addi %add3A_215, %add3A_234 : i32
      %get3A_236 = arith.index_cast %add3A_235 : i32 to index
      %get3A_237 = tpu.vector_load %arg5[%get3A_236] {strides = array<i32>} : memref<49152xf32, #tpu.memory_space<vmem>>, vector<16xf32>,
      %get3A_238 = vector.shape_cast %get3A_237 : vector<16xf32> to vector<16xf32>
      %add3A_239 = arith.addf %add3A_189, %get3A_238 : vector<16xf32>
      %add3A_240 = arith.constant 64 : i32
      %add3A_241 = arith.addi %add3A_215, %add3A_240 : i32
      %get3A_242 = arith.index_cast %add3A_241 : i32 to index
      %get3A_243 = tpu.vector_load %arg5[%get3A_242] {strides = array<i32>} : memref<49152xf32, #tpu.memory_space<vmem>>, vector<16xf32>,
      %get3A_244 = vector.shape_cast %get3A_243 : vector<16xf32> to vector<16xf32>
      %add3A_245 = arith.addf %add3A_195, %get3A_244 : vector<16xf32>
      %add3A_246 = arith.constant 80 : i32
      %add3A_247 = arith.addi %add3A_215, %add3A_246 : i32
      %get3A_248 = arith.index_cast %add3A_247 : i32 to index
      %get3A_249 = tpu.vector_load %arg5[%get3A_248] {strides = array<i32>} : memref<49152xf32, #tpu.memory_space<vmem>>, vector<16xf32>,
      %get3A_250 = vector.shape_cast %get3A_249 : vector<16xf32> to vector<16xf32>
      %add3A_251 = arith.addf %add3A_201, %get3A_250 : vector<16xf32>
      %add3A_252 = arith.constant 96 : i32
      %add3A_253 = arith.addi %add3A_215, %add3A_252 : i32
      %get3A_254 = arith.index_cast %add3A_253 : i32 to index
      %get3A_255 = tpu.vector_load %arg5[%get3A_254] {strides = array<i32>} : memref<49152xf32, #tpu.memory_space<vmem>>, vector<16xf32>,
      %get3A_256 = vector.shape_cast %get3A_255 : vector<16xf32> to vector<16xf32>
      %add3A_257 = arith.addf %add3A_207, %get3A_256 : vector<16xf32>
      %add3A_258 = arith.constant 112 : i32
      %add3A_259 = arith.addi %add3A_215, %add3A_258 : i32
      %get3A_260 = arith.index_cast %add3A_259 : i32 to index
      %get3A_261 = tpu.vector_load %arg5[%get3A_260] {strides = array<i32>} : memref<49152xf32, #tpu.memory_space<vmem>>, vector<16xf32>,
      %get3A_262 = vector.shape_cast %get3A_261 : vector<16xf32> to vector<16xf32>
      %add3A_263 = arith.addf %add3A_213, %get3A_262 : vector<16xf32>
      %add3A_264 = arith.constant 256 : i32
      %add3A_265 = arith.addi %mul3A_163, %add3A_264 : i32
      %add3A_266 = arith.constant 0 : i32
      %add3A_267 = arith.addi %add3A_265, %add3A_266 : i32
      %get3A_268 = arith.index_cast %add3A_267 : i32 to index
      %get3A_269 = tpu.vector_load %arg5[%get3A_268] {strides = array<i32>} : memref<49152xf32, #tpu.memory_space<vmem>>, vector<16xf32>,
      %get3A_270 = vector.shape_cast %get3A_269 : vector<16xf32> to vector<16xf32>
      %add3A_271 = arith.addf %add3A_221, %get3A_270 : vector<16xf32>
      %add3A_272 = arith.constant 16 : i32
      %add3A_273 = arith.addi %add3A_265, %add3A_272 : i32
      %get3A_274 = arith.index_cast %add3A_273 : i32 to index
      %get3A_275 = tpu.vector_load %arg5[%get3A_274] {strides = array<i32>} : memref<49152xf32, #tpu.memory_space<vmem>>, vector<16xf32>,
      %get3A_276 = vector.shape_cast %get3A_275 : vector<16xf32> to vector<16xf32>
      %add3A_277 = arith.addf %add3A_227, %get3A_276 : vector<16xf32>
      %add3A_278 = arith.constant 32 : i32
      %add3A_279 = arith.addi %add3A_265, %add3A_278 : i32
      %get3A_280 = arith.index_cast %add3A_279 : i32 to index
      %get3A_281 = tpu.vector_load %arg5[%get3A_280] {strides = array<i32>} : memref<49152xf32, #tpu.memory_space<vmem>>, vector<16xf32>,
      %get3A_282 = vector.shape_cast %get3A_281 : vector<16xf32> to vector<16xf32>
      %add3A_283 = arith.addf %add3A_233, %get3A_282 : vector<16xf32>
      %add3A_284 = arith.constant 48 : i32
      %add3A_285 = arith.addi %add3A_265, %add3A_284 : i32
      %get3A_286 = arith.index_cast %add3A_285 : i32 to index
      %get3A_287 = tpu.vector_load %arg5[%get3A_286] {strides = array<i32>} : memref<49152xf32, #tpu.memory_space<vmem>>, vector<16xf32>,
      %get3A_288 = vector.shape_cast %get3A_287 : vector<16xf32> to vector<16xf32>
      %add3A_289 = arith.addf %add3A_239, %get3A_288 : vector<16xf32>
      %add3A_290 = arith.constant 64 : i32
      %add3A_291 = arith.addi %add3A_265, %add3A_290 : i32
      %get3A_292 = arith.index_cast %add3A_291 : i32 to index
      %get3A_293 = tpu.vector_load %arg5[%get3A_292] {strides = array<i32>} : memref<49152xf32, #tpu.memory_space<vmem>>, vector<16xf32>,
      %get3A_294 = vector.shape_cast %get3A_293 : vector<16xf32> to vector<16xf32>
      %add3A_295 = arith.addf %add3A_245, %get3A_294 : vector<16xf32>
      %add3A_296 = arith.constant 80 : i32
      %add3A_297 = arith.addi %add3A_265, %add3A_296 : i32
      %get3A_298 = arith.index_cast %add3A_297 : i32 to index
      %get3A_299 = tpu.vector_load %arg5[%get3A_298] {strides = array<i32>} : memref<49152xf32, #tpu.memory_space<vmem>>, vector<16xf32>,
      %get3A_300 = vector.shape_cast %get3A_299 : vector<16xf32> to vector<16xf32>
      %add3A_301 = arith.addf %add3A_251, %get3A_300 : vector<16xf32>
      %add3A_302 = arith.constant 96 : i32
      %add3A_303 = arith.addi %add3A_265, %add3A_302 : i32
      %get3A_304 = arith.index_cast %add3A_303 : i32 to index
      %get3A_305 = tpu.vector_load %arg5[%get3A_304] {strides = array<i32>} : memref<49152xf32, #tpu.memory_space<vmem>>, vector<16xf32>,
      %get3A_306 = vector.shape_cast %get3A_305 : vector<16xf32> to vector<16xf32>
      %add3A_307 = arith.addf %add3A_257, %get3A_306 : vector<16xf32>
      %add3A_308 = arith.constant 112 : i32
      %add3A_309 = arith.addi %add3A_265, %add3A_308 : i32
      %get3A_310 = arith.index_cast %add3A_309 : i32 to index
      %get3A_311 = tpu.vector_load %arg5[%get3A_310] {strides = array<i32>} : memref<49152xf32, #tpu.memory_space<vmem>>, vector<16xf32>,
      %get3A_312 = vector.shape_cast %get3A_311 : vector<16xf32> to vector<16xf32>
      %add3A_313 = arith.addf %add3A_263, %get3A_312 : vector<16xf32>
      %add3A_314 = arith.constant 384 : i32
      %add3A_315 = arith.addi %mul3A_163, %add3A_314 : i32
      %add3A_316 = arith.constant 0 : i32
      %add3A_317 = arith.addi %add3A_315, %add3A_316 : i32
      %get3A_318 = arith.index_cast %add3A_317 : i32 to index
      %get3A_319 = tpu.vector_load %arg5[%get3A_318] {strides = array<i32>} : memref<49152xf32, #tpu.memory_space<vmem>>, vector<16xf32>,
      %get3A_320 = vector.shape_cast %get3A_319 : vector<16xf32> to vector<16xf32>
      %add3A_321 = arith.addf %add3A_271, %get3A_320 : vector<16xf32>
      %add3A_322 = arith.constant 16 : i32
      %add3A_323 = arith.addi %add3A_315, %add3A_322 : i32
      %get3A_324 = arith.index_cast %add3A_323 : i32 to index
      %get3A_325 = tpu.vector_load %arg5[%get3A_324] {strides = array<i32>} : memref<49152xf32, #tpu.memory_space<vmem>>, vector<16xf32>,
      %get3A_326 = vector.shape_cast %get3A_325 : vector<16xf32> to vector<16xf32>
      %add3A_327 = arith.addf %add3A_277, %get3A_326 : vector<16xf32>
      %add3A_328 = arith.constant 32 : i32
      %add3A_329 = arith.addi %add3A_315, %add3A_328 : i32
      %get3A_330 = arith.index_cast %add3A_329 : i32 to index
      %get3A_331 = tpu.vector_load %arg5[%get3A_330] {strides = array<i32>} : memref<49152xf32, #tpu.memory_space<vmem>>, vector<16xf32>,
      %get3A_332 = vector.shape_cast %get3A_331 : vector<16xf32> to vector<16xf32>
      %add3A_333 = arith.addf %add3A_283, %get3A_332 : vector<16xf32>
      %add3A_334 = arith.constant 48 : i32
      %add3A_335 = arith.addi %add3A_315, %add3A_334 : i32
      %get3A_336 = arith.index_cast %add3A_335 : i32 to index
      %get3A_337 = tpu.vector_load %arg5[%get3A_336] {strides = array<i32>} : memref<49152xf32, #tpu.memory_space<vmem>>, vector<16xf32>,
      %get3A_338 = vector.shape_cast %get3A_337 : vector<16xf32> to vector<16xf32>
      %add3A_339 = arith.addf %add3A_289, %get3A_338 : vector<16xf32>
      %add3A_340 = arith.constant 64 : i32
      %add3A_341 = arith.addi %add3A_315, %add3A_340 : i32
      %get3A_342 = arith.index_cast %add3A_341 : i32 to index
      %get3A_343 = tpu.vector_load %arg5[%get3A_342] {strides = array<i32>} : memref<49152xf32, #tpu.memory_space<vmem>>, vector<16xf32>,
      %get3A_344 = vector.shape_cast %get3A_343 : vector<16xf32> to vector<16xf32>
      %add3A_345 = arith.addf %add3A_295, %get3A_344 : vector<16xf32>
      %add3A_346 = arith.constant 80 : i32
      %add3A_347 = arith.addi %add3A_315, %add3A_346 : i32
      %get3A_348 = arith.index_cast %add3A_347 : i32 to index
      %get3A_349 = tpu.vector_load %arg5[%get3A_348] {strides = array<i32>} : memref<49152xf32, #tpu.memory_space<vmem>>, vector<16xf32>,
      %get3A_350 = vector.shape_cast %get3A_349 : vector<16xf32> to vector<16xf32>
      %add3A_351 = arith.addf %add3A_301, %get3A_350 : vector<16xf32>
      %add3A_352 = arith.constant 96 : i32
      %add3A_353 = arith.addi %add3A_315, %add3A_352 : i32
      %get3A_354 = arith.index_cast %add3A_353 : i32 to index
      %get3A_355 = tpu.vector_load %arg5[%get3A_354] {strides = array<i32>} : memref<49152xf32, #tpu.memory_space<vmem>>, vector<16xf32>,
      %get3A_356 = vector.shape_cast %get3A_355 : vector<16xf32> to vector<16xf32>
      %add3A_357 = arith.addf %add3A_307, %get3A_356 : vector<16xf32>
      %add3A_358 = arith.constant 112 : i32
      %add3A_359 = arith.addi %add3A_315, %add3A_358 : i32
      %get3A_360 = arith.index_cast %add3A_359 : i32 to index
      %get3A_361 = tpu.vector_load %arg5[%get3A_360] {strides = array<i32>} : memref<49152xf32, #tpu.memory_space<vmem>>, vector<16xf32>,
      %get3A_362 = vector.shape_cast %get3A_361 : vector<16xf32> to vector<16xf32>
      %add3A_363 = arith.addf %add3A_313, %get3A_362 : vector<16xf32>
      scf.yield %add3A_321, %add3A_327, %add3A_333, %add3A_339, %add3A_345, %add3A_351, %add3A_357, %add3A_363 : vector<16xf32>, vector<16xf32>, vector<16xf32>, vector<16xf32>, vector<16xf32>, vector<16xf32>, vector<16xf32>, vector<16xf32>
    }
    %scan3A_76 = arith.constant 96 : i32
    %add3A_77 = arith.constant 294912 : i32
    %add3A_78 = arith.addi %mul3A_2, %add3A_77 : i32
    %dma_start3A_79 = tpu.memref_slice %arg2[%add3A_78] : memref<33554432xf32, #tpu.memory_space<hbm>> -> memref<49152xf32, #tpu.memory_space<hbm>>
    %dma_start3A_80 = tpu.memref_slice %arg2[%add3A_78] : memref<33554432xf32, #tpu.memory_space<hbm>> -> memref<49152xf32, #tpu.memory_space<hbm>>
    tpu.enqueue_dma source(%dma_start3A_80 : memref<49152xf32, #tpu.memory_space<hbm>>) target(%arg5 : memref<49152xf32, #tpu.memory_space<vmem>>) target_semaphore(%arg9 : memref<!tpu.dma_semaphore, #tpu.memory_space<semaphore_mem>>)
    %dma_wait3A_81 = tpu.memref_slice %arg2[%add3A_66] : memref<33554432xf32, #tpu.memory_space<hbm>> -> memref<49152xf32, #tpu.memory_space<hbm>>
    %dma_wait3A_82 = tpu.memref_slice %arg2[%add3A_66] : memref<33554432xf32, #tpu.memory_space<hbm>> -> memref<49152xf32, #tpu.memory_space<hbm>>
    tpu.wait_dma2 semaphore(%arg10 : memref<!tpu.dma_semaphore, #tpu.memory_space<semaphore_mem>>) src(%dma_wait3A_82 : memref<49152xf32, #tpu.memory_space<hbm>>) dst(%arg6 : memref<49152xf32, #tpu.memory_space<vmem>>)
    %scan3A_83 = arith.constant 0 : i32
    %scan3A_84 = arith.constant 96 : i32
    %scan3A_85 = arith.addi %scan3A_83, %scan3A_84 : i32
    %scan3A_86 = arith.constant 1 : i32
    %scan3A_87:8 = scf.for %scan3A_153 = %scan3A_83 to %scan3A_85 step %scan3A_86 iter_args(%scan3A_154 = %scan3A_75#0, %scan3A_155 = %scan3A_75#1, %scan3A_156 = %scan3A_75#2, %scan3A_157 = %scan3A_75#3, %scan3A_158 = %scan3A_75#4, %scan3A_159 = %scan3A_75#5, %scan3A_160 = %scan3A_75#6, %scan3A_161 = %scan3A_75#7) -> (vector<16xf32>, vector<16xf32>, vector<16xf32>, vector<16xf32>, vector<16xf32>, vector<16xf32>, vector<16xf32>, vector<16xf32>)  : i32 {
      %mul3A_162 = arith.constant 512 : i32
      %mul3A_163 = arith.muli %scan3A_153, %mul3A_162 : i32
      %add3A_164 = arith.constant 0 : i32
      %add3A_165 = arith.addi %mul3A_163, %add3A_164 : i32
      %add3A_166 = arith.constant 0 : i32
      %add3A_167 = arith.addi %add3A_165, %add3A_166 : i32
      %get3A_168 = arith.index_cast %add3A_167 : i32 to index
      %get3A_169 = tpu.vector_load %arg6[%get3A_168] {strides = array<i32>} : memref<49152xf32, #tpu.memory_space<vmem>>, vector<16xf32>,
      %get3A_170 = vector.shape_cast %get3A_169 : vector<16xf32> to vector<16xf32>
      %add3A_171 = arith.addf %scan3A_154, %get3A_170 : vector<16xf32>
      %add3A_172 = arith.constant 16 : i32
      %add3A_173 = arith.addi %add3A_165, %add3A_172 : i32
      %get3A_174 = arith.index_cast %add3A_173 : i32 to index
      %get3A_175 = tpu.vector_load %arg6[%get3A_174] {strides = array<i32>} : memref<49152xf32, #tpu.memory_space<vmem>>, vector<16xf32>,
      %get3A_176 = vector.shape_cast %get3A_175 : vector<16xf32> to vector<16xf32>
      %add3A_177 = arith.addf %scan3A_155, %get3A_176 : vector<16xf32>
      %add3A_178 = arith.constant 32 : i32
      %add3A_179 = arith.addi %add3A_165, %add3A_178 : i32
      %get3A_180 = arith.index_cast %add3A_179 : i32 to index
      %get3A_181 = tpu.vector_load %arg6[%get3A_180] {strides = array<i32>} : memref<49152xf32, #tpu.memory_space<vmem>>, vector<16xf32>,
      %get3A_182 = vector.shape_cast %get3A_181 : vector<16xf32> to vector<16xf32>
      %add3A_183 = arith.addf %scan3A_156, %get3A_182 : vector<16xf32>
      %add3A_184 = arith.constant 48 : i32
      %add3A_185 = arith.addi %add3A_165, %add3A_184 : i32
      %get3A_186 = arith.index_cast %add3A_185 : i32 to index
      %get3A_187 = tpu.vector_load %arg6[%get3A_186] {strides = array<i32>} : memref<49152xf32, #tpu.memory_space<vmem>>, vector<16xf32>,
      %get3A_188 = vector.shape_cast %get3A_187 : vector<16xf32> to vector<16xf32>
      %add3A_189 = arith.addf %scan3A_157, %get3A_188 : vector<16xf32>
      %add3A_190 = arith.constant 64 : i32
      %add3A_191 = arith.addi %add3A_165, %add3A_190 : i32
      %get3A_192 = arith.index_cast %add3A_191 : i32 to index
      %get3A_193 = tpu.vector_load %arg6[%get3A_192] {strides = array<i32>} : memref<49152xf32, #tpu.memory_space<vmem>>, vector<16xf32>,
      %get3A_194 = vector.shape_cast %get3A_193 : vector<16xf32> to vector<16xf32>
      %add3A_195 = arith.addf %scan3A_158, %get3A_194 : vector<16xf32>
      %add3A_196 = arith.constant 80 : i32
      %add3A_197 = arith.addi %add3A_165, %add3A_196 : i32
      %get3A_198 = arith.index_cast %add3A_197 : i32 to index
      %get3A_199 = tpu.vector_load %arg6[%get3A_198] {strides = array<i32>} : memref<49152xf32, #tpu.memory_space<vmem>>, vector<16xf32>,
      %get3A_200 = vector.shape_cast %get3A_199 : vector<16xf32> to vector<16xf32>
      %add3A_201 = arith.addf %scan3A_159, %get3A_200 : vector<16xf32>
      %add3A_202 = arith.constant 96 : i32
      %add3A_203 = arith.addi %add3A_165, %add3A_202 : i32
      %get3A_204 = arith.index_cast %add3A_203 : i32 to index
      %get3A_205 = tpu.vector_load %arg6[%get3A_204] {strides = array<i32>} : memref<49152xf32, #tpu.memory_space<vmem>>, vector<16xf32>,
      %get3A_206 = vector.shape_cast %get3A_205 : vector<16xf32> to vector<16xf32>
      %add3A_207 = arith.addf %scan3A_160, %get3A_206 : vector<16xf32>
      %add3A_208 = arith.constant 112 : i32
      %add3A_209 = arith.addi %add3A_165, %add3A_208 : i32
      %get3A_210 = arith.index_cast %add3A_209 : i32 to index
      %get3A_211 = tpu.vector_load %arg6[%get3A_210] {strides = array<i32>} : memref<49152xf32, #tpu.memory_space<vmem>>, vector<16xf32>,
      %get3A_212 = vector.shape_cast %get3A_211 : vector<16xf32> to vector<16xf32>
      %add3A_213 = arith.addf %scan3A_161, %get3A_212 : vector<16xf32>
      %add3A_214 = arith.constant 128 : i32
      %add3A_215 = arith.addi %mul3A_163, %add3A_214 : i32
      %add3A_216 = arith.constant 0 : i32
      %add3A_217 = arith.addi %add3A_215, %add3A_216 : i32
      %get3A_218 = arith.index_cast %add3A_217 : i32 to index
      %get3A_219 = tpu.vector_load %arg6[%get3A_218] {strides = array<i32>} : memref<49152xf32, #tpu.memory_space<vmem>>, vector<16xf32>,
      %get3A_220 = vector.shape_cast %get3A_219 : vector<16xf32> to vector<16xf32>
      %add3A_221 = arith.addf %add3A_171, %get3A_220 : vector<16xf32>
      %add3A_222 = arith.constant 16 : i32
      %add3A_223 = arith.addi %add3A_215, %add3A_222 : i32
      %get3A_224 = arith.index_cast %add3A_223 : i32 to index
      %get3A_225 = tpu.vector_load %arg6[%get3A_224] {strides = array<i32>} : memref<49152xf32, #tpu.memory_space<vmem>>, vector<16xf32>,
      %get3A_226 = vector.shape_cast %get3A_225 : vector<16xf32> to vector<16xf32>
      %add3A_227 = arith.addf %add3A_177, %get3A_226 : vector<16xf32>
      %add3A_228 = arith.constant 32 : i32
      %add3A_229 = arith.addi %add3A_215, %add3A_228 : i32
      %get3A_230 = arith.index_cast %add3A_229 : i32 to index
      %get3A_231 = tpu.vector_load %arg6[%get3A_230] {strides = array<i32>} : memref<49152xf32, #tpu.memory_space<vmem>>, vector<16xf32>,
      %get3A_232 = vector.shape_cast %get3A_231 : vector<16xf32> to vector<16xf32>
      %add3A_233 = arith.addf %add3A_183, %get3A_232 : vector<16xf32>
      %add3A_234 = arith.constant 48 : i32
      %add3A_235 = arith.addi %add3A_215, %add3A_234 : i32
      %get3A_236 = arith.index_cast %add3A_235 : i32 to index
      %get3A_237 = tpu.vector_load %arg6[%get3A_236] {strides = array<i32>} : memref<49152xf32, #tpu.memory_space<vmem>>, vector<16xf32>,
      %get3A_238 = vector.shape_cast %get3A_237 : vector<16xf32> to vector<16xf32>
      %add3A_239 = arith.addf %add3A_189, %get3A_238 : vector<16xf32>
      %add3A_240 = arith.constant 64 : i32
      %add3A_241 = arith.addi %add3A_215, %add3A_240 : i32
      %get3A_242 = arith.index_cast %add3A_241 : i32 to index
      %get3A_243 = tpu.vector_load %arg6[%get3A_242] {strides = array<i32>} : memref<49152xf32, #tpu.memory_space<vmem>>, vector<16xf32>,
      %get3A_244 = vector.shape_cast %get3A_243 : vector<16xf32> to vector<16xf32>
      %add3A_245 = arith.addf %add3A_195, %get3A_244 : vector<16xf32>
      %add3A_246 = arith.constant 80 : i32
      %add3A_247 = arith.addi %add3A_215, %add3A_246 : i32
      %get3A_248 = arith.index_cast %add3A_247 : i32 to index
      %get3A_249 = tpu.vector_load %arg6[%get3A_248] {strides = array<i32>} : memref<49152xf32, #tpu.memory_space<vmem>>, vector<16xf32>,
      %get3A_250 = vector.shape_cast %get3A_249 : vector<16xf32> to vector<16xf32>
      %add3A_251 = arith.addf %add3A_201, %get3A_250 : vector<16xf32>
      %add3A_252 = arith.constant 96 : i32
      %add3A_253 = arith.addi %add3A_215, %add3A_252 : i32
      %get3A_254 = arith.index_cast %add3A_253 : i32 to index
      %get3A_255 = tpu.vector_load %arg6[%get3A_254] {strides = array<i32>} : memref<49152xf32, #tpu.memory_space<vmem>>, vector<16xf32>,
      %get3A_256 = vector.shape_cast %get3A_255 : vector<16xf32> to vector<16xf32>
      %add3A_257 = arith.addf %add3A_207, %get3A_256 : vector<16xf32>
      %add3A_258 = arith.constant 112 : i32
      %add3A_259 = arith.addi %add3A_215, %add3A_258 : i32
      %get3A_260 = arith.index_cast %add3A_259 : i32 to index
      %get3A_261 = tpu.vector_load %arg6[%get3A_260] {strides = array<i32>} : memref<49152xf32, #tpu.memory_space<vmem>>, vector<16xf32>,
      %get3A_262 = vector.shape_cast %get3A_261 : vector<16xf32> to vector<16xf32>
      %add3A_263 = arith.addf %add3A_213, %get3A_262 : vector<16xf32>
      %add3A_264 = arith.constant 256 : i32
      %add3A_265 = arith.addi %mul3A_163, %add3A_264 : i32
      %add3A_266 = arith.constant 0 : i32
      %add3A_267 = arith.addi %add3A_265, %add3A_266 : i32
      %get3A_268 = arith.index_cast %add3A_267 : i32 to index
      %get3A_269 = tpu.vector_load %arg6[%get3A_268] {strides = array<i32>} : memref<49152xf32, #tpu.memory_space<vmem>>, vector<16xf32>,
      %get3A_270 = vector.shape_cast %get3A_269 : vector<16xf32> to vector<16xf32>
      %add3A_271 = arith.addf %add3A_221, %get3A_270 : vector<16xf32>
      %add3A_272 = arith.constant 16 : i32
      %add3A_273 = arith.addi %add3A_265, %add3A_272 : i32
      %get3A_274 = arith.index_cast %add3A_273 : i32 to index
      %get3A_275 = tpu.vector_load %arg6[%get3A_274] {strides = array<i32>} : memref<49152xf32, #tpu.memory_space<vmem>>, vector<16xf32>,
      %get3A_276 = vector.shape_cast %get3A_275 : vector<16xf32> to vector<16xf32>
      %add3A_277 = arith.addf %add3A_227, %get3A_276 : vector<16xf32>
      %add3A_278 = arith.constant 32 : i32
      %add3A_279 = arith.addi %add3A_265, %add3A_278 : i32
      %get3A_280 = arith.index_cast %add3A_279 : i32 to index
      %get3A_281 = tpu.vector_load %arg6[%get3A_280] {strides = array<i32>} : memref<49152xf32, #tpu.memory_space<vmem>>, vector<16xf32>,
      %get3A_282 = vector.shape_cast %get3A_281 : vector<16xf32> to vector<16xf32>
      %add3A_283 = arith.addf %add3A_233, %get3A_282 : vector<16xf32>
      %add3A_284 = arith.constant 48 : i32
      %add3A_285 = arith.addi %add3A_265, %add3A_284 : i32
      %get3A_286 = arith.index_cast %add3A_285 : i32 to index
      %get3A_287 = tpu.vector_load %arg6[%get3A_286] {strides = array<i32>} : memref<49152xf32, #tpu.memory_space<vmem>>, vector<16xf32>,
      %get3A_288 = vector.shape_cast %get3A_287 : vector<16xf32> to vector<16xf32>
      %add3A_289 = arith.addf %add3A_239, %get3A_288 : vector<16xf32>
      %add3A_290 = arith.constant 64 : i32
      %add3A_291 = arith.addi %add3A_265, %add3A_290 : i32
      %get3A_292 = arith.index_cast %add3A_291 : i32 to index
      %get3A_293 = tpu.vector_load %arg6[%get3A_292] {strides = array<i32>} : memref<49152xf32, #tpu.memory_space<vmem>>, vector<16xf32>,
      %get3A_294 = vector.shape_cast %get3A_293 : vector<16xf32> to vector<16xf32>
      %add3A_295 = arith.addf %add3A_245, %get3A_294 : vector<16xf32>
      %add3A_296 = arith.constant 80 : i32
      %add3A_297 = arith.addi %add3A_265, %add3A_296 : i32
      %get3A_298 = arith.index_cast %add3A_297 : i32 to index
      %get3A_299 = tpu.vector_load %arg6[%get3A_298] {strides = array<i32>} : memref<49152xf32, #tpu.memory_space<vmem>>, vector<16xf32>,
      %get3A_300 = vector.shape_cast %get3A_299 : vector<16xf32> to vector<16xf32>
      %add3A_301 = arith.addf %add3A_251, %get3A_300 : vector<16xf32>
      %add3A_302 = arith.constant 96 : i32
      %add3A_303 = arith.addi %add3A_265, %add3A_302 : i32
      %get3A_304 = arith.index_cast %add3A_303 : i32 to index
      %get3A_305 = tpu.vector_load %arg6[%get3A_304] {strides = array<i32>} : memref<49152xf32, #tpu.memory_space<vmem>>, vector<16xf32>,
      %get3A_306 = vector.shape_cast %get3A_305 : vector<16xf32> to vector<16xf32>
      %add3A_307 = arith.addf %add3A_257, %get3A_306 : vector<16xf32>
      %add3A_308 = arith.constant 112 : i32
      %add3A_309 = arith.addi %add3A_265, %add3A_308 : i32
      %get3A_310 = arith.index_cast %add3A_309 : i32 to index
      %get3A_311 = tpu.vector_load %arg6[%get3A_310] {strides = array<i32>} : memref<49152xf32, #tpu.memory_space<vmem>>, vector<16xf32>,
      %get3A_312 = vector.shape_cast %get3A_311 : vector<16xf32> to vector<16xf32>
      %add3A_313 = arith.addf %add3A_263, %get3A_312 : vector<16xf32>
      %add3A_314 = arith.constant 384 : i32
      %add3A_315 = arith.addi %mul3A_163, %add3A_314 : i32
      %add3A_316 = arith.constant 0 : i32
      %add3A_317 = arith.addi %add3A_315, %add3A_316 : i32
      %get3A_318 = arith.index_cast %add3A_317 : i32 to index
      %get3A_319 = tpu.vector_load %arg6[%get3A_318] {strides = array<i32>} : memref<49152xf32, #tpu.memory_space<vmem>>, vector<16xf32>,
      %get3A_320 = vector.shape_cast %get3A_319 : vector<16xf32> to vector<16xf32>
      %add3A_321 = arith.addf %add3A_271, %get3A_320 : vector<16xf32>
      %add3A_322 = arith.constant 16 : i32
      %add3A_323 = arith.addi %add3A_315, %add3A_322 : i32
      %get3A_324 = arith.index_cast %add3A_323 : i32 to index
      %get3A_325 = tpu.vector_load %arg6[%get3A_324] {strides = array<i32>} : memref<49152xf32, #tpu.memory_space<vmem>>, vector<16xf32>,
      %get3A_326 = vector.shape_cast %get3A_325 : vector<16xf32> to vector<16xf32>
      %add3A_327 = arith.addf %add3A_277, %get3A_326 : vector<16xf32>
      %add3A_328 = arith.constant 32 : i32
      %add3A_329 = arith.addi %add3A_315, %add3A_328 : i32
      %get3A_330 = arith.index_cast %add3A_329 : i32 to index
      %get3A_331 = tpu.vector_load %arg6[%get3A_330] {strides = array<i32>} : memref<49152xf32, #tpu.memory_space<vmem>>, vector<16xf32>,
      %get3A_332 = vector.shape_cast %get3A_331 : vector<16xf32> to vector<16xf32>
      %add3A_333 = arith.addf %add3A_283, %get3A_332 : vector<16xf32>
      %add3A_334 = arith.constant 48 : i32
      %add3A_335 = arith.addi %add3A_315, %add3A_334 : i32
      %get3A_336 = arith.index_cast %add3A_335 : i32 to index
      %get3A_337 = tpu.vector_load %arg6[%get3A_336] {strides = array<i32>} : memref<49152xf32, #tpu.memory_space<vmem>>, vector<16xf32>,
      %get3A_338 = vector.shape_cast %get3A_337 : vector<16xf32> to vector<16xf32>
      %add3A_339 = arith.addf %add3A_289, %get3A_338 : vector<16xf32>
      %add3A_340 = arith.constant 64 : i32
      %add3A_341 = arith.addi %add3A_315, %add3A_340 : i32
      %get3A_342 = arith.index_cast %add3A_341 : i32 to index
      %get3A_343 = tpu.vector_load %arg6[%get3A_342] {strides = array<i32>} : memref<49152xf32, #tpu.memory_space<vmem>>, vector<16xf32>,
      %get3A_344 = vector.shape_cast %get3A_343 : vector<16xf32> to vector<16xf32>
      %add3A_345 = arith.addf %add3A_295, %get3A_344 : vector<16xf32>
      %add3A_346 = arith.constant 80 : i32
      %add3A_347 = arith.addi %add3A_315, %add3A_346 : i32
      %get3A_348 = arith.index_cast %add3A_347 : i32 to index
      %get3A_349 = tpu.vector_load %arg6[%get3A_348] {strides = array<i32>} : memref<49152xf32, #tpu.memory_space<vmem>>, vector<16xf32>,
      %get3A_350 = vector.shape_cast %get3A_349 : vector<16xf32> to vector<16xf32>
      %add3A_351 = arith.addf %add3A_301, %get3A_350 : vector<16xf32>
      %add3A_352 = arith.constant 96 : i32
      %add3A_353 = arith.addi %add3A_315, %add3A_352 : i32
      %get3A_354 = arith.index_cast %add3A_353 : i32 to index
      %get3A_355 = tpu.vector_load %arg6[%get3A_354] {strides = array<i32>} : memref<49152xf32, #tpu.memory_space<vmem>>, vector<16xf32>,
      %get3A_356 = vector.shape_cast %get3A_355 : vector<16xf32> to vector<16xf32>
      %add3A_357 = arith.addf %add3A_307, %get3A_356 : vector<16xf32>
      %add3A_358 = arith.constant 112 : i32
      %add3A_359 = arith.addi %add3A_315, %add3A_358 : i32
      %get3A_360 = arith.index_cast %add3A_359 : i32 to index
      %get3A_361 = tpu.vector_load %arg6[%get3A_360] {strides = array<i32>} : memref<49152xf32, #tpu.memory_space<vmem>>, vector<16xf32>,
      %get3A_362 = vector.shape_cast %get3A_361 : vector<16xf32> to vector<16xf32>
      %add3A_363 = arith.addf %add3A_313, %get3A_362 : vector<16xf32>
      scf.yield %add3A_321, %add3A_327, %add3A_333, %add3A_339, %add3A_345, %add3A_351, %add3A_357, %add3A_363 : vector<16xf32>, vector<16xf32>, vector<16xf32>, vector<16xf32>, vector<16xf32>, vector<16xf32>, vector<16xf32>, vector<16xf32>
    }
    %scan3A_88 = arith.constant 96 : i32
    %add3A_89 = arith.constant 344064 : i32
    %add3A_90 = arith.addi %mul3A_2, %add3A_89 : i32
    %dma_start3A_91 = tpu.memref_slice %arg2[%add3A_90] : memref<33554432xf32, #tpu.memory_space<hbm>> -> memref<49152xf32, #tpu.memory_space<hbm>>
    %dma_start3A_92 = tpu.memref_slice %arg2[%add3A_90] : memref<33554432xf32, #tpu.memory_space<hbm>> -> memref<49152xf32, #tpu.memory_space<hbm>>
    tpu.enqueue_dma source(%dma_start3A_92 : memref<49152xf32, #tpu.memory_space<hbm>>) target(%arg6 : memref<49152xf32, #tpu.memory_space<vmem>>) target_semaphore(%arg10 : memref<!tpu.dma_semaphore, #tpu.memory_space<semaphore_mem>>)
    %dma_wait3A_93 = tpu.memref_slice %arg2[%add3A_78] : memref<33554432xf32, #tpu.memory_space<hbm>> -> memref<49152xf32, #tpu.memory_space<hbm>>
    %dma_wait3A_94 = tpu.memref_slice %arg2[%add3A_78] : memref<33554432xf32, #tpu.memory_space<hbm>> -> memref<49152xf32, #tpu.memory_space<hbm>>
    tpu.wait_dma2 semaphore(%arg9 : memref<!tpu.dma_semaphore, #tpu.memory_space<semaphore_mem>>) src(%dma_wait3A_94 : memref<49152xf32, #tpu.memory_space<hbm>>) dst(%arg5 : memref<49152xf32, #tpu.memory_space<vmem>>)
    %scan3A_95 = arith.constant 0 : i32
    %scan3A_96 = arith.constant 96 : i32
    %scan3A_97 = arith.addi %scan3A_95, %scan3A_96 : i32
    %scan3A_98 = arith.constant 1 : i32
    %scan3A_99:8 = scf.for %scan3A_153 = %scan3A_95 to %scan3A_97 step %scan3A_98 iter_args(%scan3A_154 = %scan3A_87#0, %scan3A_155 = %scan3A_87#1, %scan3A_156 = %scan3A_87#2, %scan3A_157 = %scan3A_87#3, %scan3A_158 = %scan3A_87#4, %scan3A_159 = %scan3A_87#5, %scan3A_160 = %scan3A_87#6, %scan3A_161 = %scan3A_87#7) -> (vector<16xf32>, vector<16xf32>, vector<16xf32>, vector<16xf32>, vector<16xf32>, vector<16xf32>, vector<16xf32>, vector<16xf32>)  : i32 {
      %mul3A_162 = arith.constant 512 : i32
      %mul3A_163 = arith.muli %scan3A_153, %mul3A_162 : i32
      %add3A_164 = arith.constant 0 : i32
      %add3A_165 = arith.addi %mul3A_163, %add3A_164 : i32
      %add3A_166 = arith.constant 0 : i32
      %add3A_167 = arith.addi %add3A_165, %add3A_166 : i32
      %get3A_168 = arith.index_cast %add3A_167 : i32 to index
      %get3A_169 = tpu.vector_load %arg5[%get3A_168] {strides = array<i32>} : memref<49152xf32, #tpu.memory_space<vmem>>, vector<16xf32>,
      %get3A_170 = vector.shape_cast %get3A_169 : vector<16xf32> to vector<16xf32>
      %add3A_171 = arith.addf %scan3A_154, %get3A_170 : vector<16xf32>
      %add3A_172 = arith.constant 16 : i32
      %add3A_173 = arith.addi %add3A_165, %add3A_172 : i32
      %get3A_174 = arith.index_cast %add3A_173 : i32 to index
      %get3A_175 = tpu.vector_load %arg5[%get3A_174] {strides = array<i32>} : memref<49152xf32, #tpu.memory_space<vmem>>, vector<16xf32>,
      %get3A_176 = vector.shape_cast %get3A_175 : vector<16xf32> to vector<16xf32>
      %add3A_177 = arith.addf %scan3A_155, %get3A_176 : vector<16xf32>
      %add3A_178 = arith.constant 32 : i32
      %add3A_179 = arith.addi %add3A_165, %add3A_178 : i32
      %get3A_180 = arith.index_cast %add3A_179 : i32 to index
      %get3A_181 = tpu.vector_load %arg5[%get3A_180] {strides = array<i32>} : memref<49152xf32, #tpu.memory_space<vmem>>, vector<16xf32>,
      %get3A_182 = vector.shape_cast %get3A_181 : vector<16xf32> to vector<16xf32>
      %add3A_183 = arith.addf %scan3A_156, %get3A_182 : vector<16xf32>
      %add3A_184 = arith.constant 48 : i32
      %add3A_185 = arith.addi %add3A_165, %add3A_184 : i32
      %get3A_186 = arith.index_cast %add3A_185 : i32 to index
      %get3A_187 = tpu.vector_load %arg5[%get3A_186] {strides = array<i32>} : memref<49152xf32, #tpu.memory_space<vmem>>, vector<16xf32>,
      %get3A_188 = vector.shape_cast %get3A_187 : vector<16xf32> to vector<16xf32>
      %add3A_189 = arith.addf %scan3A_157, %get3A_188 : vector<16xf32>
      %add3A_190 = arith.constant 64 : i32
      %add3A_191 = arith.addi %add3A_165, %add3A_190 : i32
      %get3A_192 = arith.index_cast %add3A_191 : i32 to index
      %get3A_193 = tpu.vector_load %arg5[%get3A_192] {strides = array<i32>} : memref<49152xf32, #tpu.memory_space<vmem>>, vector<16xf32>,
      %get3A_194 = vector.shape_cast %get3A_193 : vector<16xf32> to vector<16xf32>
      %add3A_195 = arith.addf %scan3A_158, %get3A_194 : vector<16xf32>
      %add3A_196 = arith.constant 80 : i32
      %add3A_197 = arith.addi %add3A_165, %add3A_196 : i32
      %get3A_198 = arith.index_cast %add3A_197 : i32 to index
      %get3A_199 = tpu.vector_load %arg5[%get3A_198] {strides = array<i32>} : memref<49152xf32, #tpu.memory_space<vmem>>, vector<16xf32>,
      %get3A_200 = vector.shape_cast %get3A_199 : vector<16xf32> to vector<16xf32>
      %add3A_201 = arith.addf %scan3A_159, %get3A_200 : vector<16xf32>
      %add3A_202 = arith.constant 96 : i32
      %add3A_203 = arith.addi %add3A_165, %add3A_202 : i32
      %get3A_204 = arith.index_cast %add3A_203 : i32 to index
      %get3A_205 = tpu.vector_load %arg5[%get3A_204] {strides = array<i32>} : memref<49152xf32, #tpu.memory_space<vmem>>, vector<16xf32>,
      %get3A_206 = vector.shape_cast %get3A_205 : vector<16xf32> to vector<16xf32>
      %add3A_207 = arith.addf %scan3A_160, %get3A_206 : vector<16xf32>
      %add3A_208 = arith.constant 112 : i32
      %add3A_209 = arith.addi %add3A_165, %add3A_208 : i32
      %get3A_210 = arith.index_cast %add3A_209 : i32 to index
      %get3A_211 = tpu.vector_load %arg5[%get3A_210] {strides = array<i32>} : memref<49152xf32, #tpu.memory_space<vmem>>, vector<16xf32>,
      %get3A_212 = vector.shape_cast %get3A_211 : vector<16xf32> to vector<16xf32>
      %add3A_213 = arith.addf %scan3A_161, %get3A_212 : vector<16xf32>
      %add3A_214 = arith.constant 128 : i32
      %add3A_215 = arith.addi %mul3A_163, %add3A_214 : i32
      %add3A_216 = arith.constant 0 : i32
      %add3A_217 = arith.addi %add3A_215, %add3A_216 : i32
      %get3A_218 = arith.index_cast %add3A_217 : i32 to index
      %get3A_219 = tpu.vector_load %arg5[%get3A_218] {strides = array<i32>} : memref<49152xf32, #tpu.memory_space<vmem>>, vector<16xf32>,
      %get3A_220 = vector.shape_cast %get3A_219 : vector<16xf32> to vector<16xf32>
      %add3A_221 = arith.addf %add3A_171, %get3A_220 : vector<16xf32>
      %add3A_222 = arith.constant 16 : i32
      %add3A_223 = arith.addi %add3A_215, %add3A_222 : i32
      %get3A_224 = arith.index_cast %add3A_223 : i32 to index
      %get3A_225 = tpu.vector_load %arg5[%get3A_224] {strides = array<i32>} : memref<49152xf32, #tpu.memory_space<vmem>>, vector<16xf32>,
      %get3A_226 = vector.shape_cast %get3A_225 : vector<16xf32> to vector<16xf32>
      %add3A_227 = arith.addf %add3A_177, %get3A_226 : vector<16xf32>
      %add3A_228 = arith.constant 32 : i32
      %add3A_229 = arith.addi %add3A_215, %add3A_228 : i32
      %get3A_230 = arith.index_cast %add3A_229 : i32 to index
      %get3A_231 = tpu.vector_load %arg5[%get3A_230] {strides = array<i32>} : memref<49152xf32, #tpu.memory_space<vmem>>, vector<16xf32>,
      %get3A_232 = vector.shape_cast %get3A_231 : vector<16xf32> to vector<16xf32>
      %add3A_233 = arith.addf %add3A_183, %get3A_232 : vector<16xf32>
      %add3A_234 = arith.constant 48 : i32
      %add3A_235 = arith.addi %add3A_215, %add3A_234 : i32
      %get3A_236 = arith.index_cast %add3A_235 : i32 to index
      %get3A_237 = tpu.vector_load %arg5[%get3A_236] {strides = array<i32>} : memref<49152xf32, #tpu.memory_space<vmem>>, vector<16xf32>,
      %get3A_238 = vector.shape_cast %get3A_237 : vector<16xf32> to vector<16xf32>
      %add3A_239 = arith.addf %add3A_189, %get3A_238 : vector<16xf32>
      %add3A_240 = arith.constant 64 : i32
      %add3A_241 = arith.addi %add3A_215, %add3A_240 : i32
      %get3A_242 = arith.index_cast %add3A_241 : i32 to index
      %get3A_243 = tpu.vector_load %arg5[%get3A_242] {strides = array<i32>} : memref<49152xf32, #tpu.memory_space<vmem>>, vector<16xf32>,
      %get3A_244 = vector.shape_cast %get3A_243 : vector<16xf32> to vector<16xf32>
      %add3A_245 = arith.addf %add3A_195, %get3A_244 : vector<16xf32>
      %add3A_246 = arith.constant 80 : i32
      %add3A_247 = arith.addi %add3A_215, %add3A_246 : i32
      %get3A_248 = arith.index_cast %add3A_247 : i32 to index
      %get3A_249 = tpu.vector_load %arg5[%get3A_248] {strides = array<i32>} : memref<49152xf32, #tpu.memory_space<vmem>>, vector<16xf32>,
      %get3A_250 = vector.shape_cast %get3A_249 : vector<16xf32> to vector<16xf32>
      %add3A_251 = arith.addf %add3A_201, %get3A_250 : vector<16xf32>
      %add3A_252 = arith.constant 96 : i32
      %add3A_253 = arith.addi %add3A_215, %add3A_252 : i32
      %get3A_254 = arith.index_cast %add3A_253 : i32 to index
      %get3A_255 = tpu.vector_load %arg5[%get3A_254] {strides = array<i32>} : memref<49152xf32, #tpu.memory_space<vmem>>, vector<16xf32>,
      %get3A_256 = vector.shape_cast %get3A_255 : vector<16xf32> to vector<16xf32>
      %add3A_257 = arith.addf %add3A_207, %get3A_256 : vector<16xf32>
      %add3A_258 = arith.constant 112 : i32
      %add3A_259 = arith.addi %add3A_215, %add3A_258 : i32
      %get3A_260 = arith.index_cast %add3A_259 : i32 to index
      %get3A_261 = tpu.vector_load %arg5[%get3A_260] {strides = array<i32>} : memref<49152xf32, #tpu.memory_space<vmem>>, vector<16xf32>,
      %get3A_262 = vector.shape_cast %get3A_261 : vector<16xf32> to vector<16xf32>
      %add3A_263 = arith.addf %add3A_213, %get3A_262 : vector<16xf32>
      %add3A_264 = arith.constant 256 : i32
      %add3A_265 = arith.addi %mul3A_163, %add3A_264 : i32
      %add3A_266 = arith.constant 0 : i32
      %add3A_267 = arith.addi %add3A_265, %add3A_266 : i32
      %get3A_268 = arith.index_cast %add3A_267 : i32 to index
      %get3A_269 = tpu.vector_load %arg5[%get3A_268] {strides = array<i32>} : memref<49152xf32, #tpu.memory_space<vmem>>, vector<16xf32>,
      %get3A_270 = vector.shape_cast %get3A_269 : vector<16xf32> to vector<16xf32>
      %add3A_271 = arith.addf %add3A_221, %get3A_270 : vector<16xf32>
      %add3A_272 = arith.constant 16 : i32
      %add3A_273 = arith.addi %add3A_265, %add3A_272 : i32
      %get3A_274 = arith.index_cast %add3A_273 : i32 to index
      %get3A_275 = tpu.vector_load %arg5[%get3A_274] {strides = array<i32>} : memref<49152xf32, #tpu.memory_space<vmem>>, vector<16xf32>,
      %get3A_276 = vector.shape_cast %get3A_275 : vector<16xf32> to vector<16xf32>
      %add3A_277 = arith.addf %add3A_227, %get3A_276 : vector<16xf32>
      %add3A_278 = arith.constant 32 : i32
      %add3A_279 = arith.addi %add3A_265, %add3A_278 : i32
      %get3A_280 = arith.index_cast %add3A_279 : i32 to index
      %get3A_281 = tpu.vector_load %arg5[%get3A_280] {strides = array<i32>} : memref<49152xf32, #tpu.memory_space<vmem>>, vector<16xf32>,
      %get3A_282 = vector.shape_cast %get3A_281 : vector<16xf32> to vector<16xf32>
      %add3A_283 = arith.addf %add3A_233, %get3A_282 : vector<16xf32>
      %add3A_284 = arith.constant 48 : i32
      %add3A_285 = arith.addi %add3A_265, %add3A_284 : i32
      %get3A_286 = arith.index_cast %add3A_285 : i32 to index
      %get3A_287 = tpu.vector_load %arg5[%get3A_286] {strides = array<i32>} : memref<49152xf32, #tpu.memory_space<vmem>>, vector<16xf32>,
      %get3A_288 = vector.shape_cast %get3A_287 : vector<16xf32> to vector<16xf32>
      %add3A_289 = arith.addf %add3A_239, %get3A_288 : vector<16xf32>
      %add3A_290 = arith.constant 64 : i32
      %add3A_291 = arith.addi %add3A_265, %add3A_290 : i32
      %get3A_292 = arith.index_cast %add3A_291 : i32 to index
      %get3A_293 = tpu.vector_load %arg5[%get3A_292] {strides = array<i32>} : memref<49152xf32, #tpu.memory_space<vmem>>, vector<16xf32>,
      %get3A_294 = vector.shape_cast %get3A_293 : vector<16xf32> to vector<16xf32>
      %add3A_295 = arith.addf %add3A_245, %get3A_294 : vector<16xf32>
      %add3A_296 = arith.constant 80 : i32
      %add3A_297 = arith.addi %add3A_265, %add3A_296 : i32
      %get3A_298 = arith.index_cast %add3A_297 : i32 to index
      %get3A_299 = tpu.vector_load %arg5[%get3A_298] {strides = array<i32>} : memref<49152xf32, #tpu.memory_space<vmem>>, vector<16xf32>,
      %get3A_300 = vector.shape_cast %get3A_299 : vector<16xf32> to vector<16xf32>
      %add3A_301 = arith.addf %add3A_251, %get3A_300 : vector<16xf32>
      %add3A_302 = arith.constant 96 : i32
      %add3A_303 = arith.addi %add3A_265, %add3A_302 : i32
      %get3A_304 = arith.index_cast %add3A_303 : i32 to index
      %get3A_305 = tpu.vector_load %arg5[%get3A_304] {strides = array<i32>} : memref<49152xf32, #tpu.memory_space<vmem>>, vector<16xf32>,
      %get3A_306 = vector.shape_cast %get3A_305 : vector<16xf32> to vector<16xf32>
      %add3A_307 = arith.addf %add3A_257, %get3A_306 : vector<16xf32>
      %add3A_308 = arith.constant 112 : i32
      %add3A_309 = arith.addi %add3A_265, %add3A_308 : i32
      %get3A_310 = arith.index_cast %add3A_309 : i32 to index
      %get3A_311 = tpu.vector_load %arg5[%get3A_310] {strides = array<i32>} : memref<49152xf32, #tpu.memory_space<vmem>>, vector<16xf32>,
      %get3A_312 = vector.shape_cast %get3A_311 : vector<16xf32> to vector<16xf32>
      %add3A_313 = arith.addf %add3A_263, %get3A_312 : vector<16xf32>
      %add3A_314 = arith.constant 384 : i32
      %add3A_315 = arith.addi %mul3A_163, %add3A_314 : i32
      %add3A_316 = arith.constant 0 : i32
      %add3A_317 = arith.addi %add3A_315, %add3A_316 : i32
      %get3A_318 = arith.index_cast %add3A_317 : i32 to index
      %get3A_319 = tpu.vector_load %arg5[%get3A_318] {strides = array<i32>} : memref<49152xf32, #tpu.memory_space<vmem>>, vector<16xf32>,
      %get3A_320 = vector.shape_cast %get3A_319 : vector<16xf32> to vector<16xf32>
      %add3A_321 = arith.addf %add3A_271, %get3A_320 : vector<16xf32>
      %add3A_322 = arith.constant 16 : i32
      %add3A_323 = arith.addi %add3A_315, %add3A_322 : i32
      %get3A_324 = arith.index_cast %add3A_323 : i32 to index
      %get3A_325 = tpu.vector_load %arg5[%get3A_324] {strides = array<i32>} : memref<49152xf32, #tpu.memory_space<vmem>>, vector<16xf32>,
      %get3A_326 = vector.shape_cast %get3A_325 : vector<16xf32> to vector<16xf32>
      %add3A_327 = arith.addf %add3A_277, %get3A_326 : vector<16xf32>
      %add3A_328 = arith.constant 32 : i32
      %add3A_329 = arith.addi %add3A_315, %add3A_328 : i32
      %get3A_330 = arith.index_cast %add3A_329 : i32 to index
      %get3A_331 = tpu.vector_load %arg5[%get3A_330] {strides = array<i32>} : memref<49152xf32, #tpu.memory_space<vmem>>, vector<16xf32>,
      %get3A_332 = vector.shape_cast %get3A_331 : vector<16xf32> to vector<16xf32>
      %add3A_333 = arith.addf %add3A_283, %get3A_332 : vector<16xf32>
      %add3A_334 = arith.constant 48 : i32
      %add3A_335 = arith.addi %add3A_315, %add3A_334 : i32
      %get3A_336 = arith.index_cast %add3A_335 : i32 to index
      %get3A_337 = tpu.vector_load %arg5[%get3A_336] {strides = array<i32>} : memref<49152xf32, #tpu.memory_space<vmem>>, vector<16xf32>,
      %get3A_338 = vector.shape_cast %get3A_337 : vector<16xf32> to vector<16xf32>
      %add3A_339 = arith.addf %add3A_289, %get3A_338 : vector<16xf32>
      %add3A_340 = arith.constant 64 : i32
      %add3A_341 = arith.addi %add3A_315, %add3A_340 : i32
      %get3A_342 = arith.index_cast %add3A_341 : i32 to index
      %get3A_343 = tpu.vector_load %arg5[%get3A_342] {strides = array<i32>} : memref<49152xf32, #tpu.memory_space<vmem>>, vector<16xf32>,
      %get3A_344 = vector.shape_cast %get3A_343 : vector<16xf32> to vector<16xf32>
      %add3A_345 = arith.addf %add3A_295, %get3A_344 : vector<16xf32>
      %add3A_346 = arith.constant 80 : i32
      %add3A_347 = arith.addi %add3A_315, %add3A_346 : i32
      %get3A_348 = arith.index_cast %add3A_347 : i32 to index
      %get3A_349 = tpu.vector_load %arg5[%get3A_348] {strides = array<i32>} : memref<49152xf32, #tpu.memory_space<vmem>>, vector<16xf32>,
      %get3A_350 = vector.shape_cast %get3A_349 : vector<16xf32> to vector<16xf32>
      %add3A_351 = arith.addf %add3A_301, %get3A_350 : vector<16xf32>
      %add3A_352 = arith.constant 96 : i32
      %add3A_353 = arith.addi %add3A_315, %add3A_352 : i32
      %get3A_354 = arith.index_cast %add3A_353 : i32 to index
      %get3A_355 = tpu.vector_load %arg5[%get3A_354] {strides = array<i32>} : memref<49152xf32, #tpu.memory_space<vmem>>, vector<16xf32>,
      %get3A_356 = vector.shape_cast %get3A_355 : vector<16xf32> to vector<16xf32>
      %add3A_357 = arith.addf %add3A_307, %get3A_356 : vector<16xf32>
      %add3A_358 = arith.constant 112 : i32
      %add3A_359 = arith.addi %add3A_315, %add3A_358 : i32
      %get3A_360 = arith.index_cast %add3A_359 : i32 to index
      %get3A_361 = tpu.vector_load %arg5[%get3A_360] {strides = array<i32>} : memref<49152xf32, #tpu.memory_space<vmem>>, vector<16xf32>,
      %get3A_362 = vector.shape_cast %get3A_361 : vector<16xf32> to vector<16xf32>
      %add3A_363 = arith.addf %add3A_313, %get3A_362 : vector<16xf32>
      scf.yield %add3A_321, %add3A_327, %add3A_333, %add3A_339, %add3A_345, %add3A_351, %add3A_357, %add3A_363 : vector<16xf32>, vector<16xf32>, vector<16xf32>, vector<16xf32>, vector<16xf32>, vector<16xf32>, vector<16xf32>, vector<16xf32>
    }
    %scan3A_100 = arith.constant 96 : i32
    %dma_wait3A_101 = tpu.memref_slice %arg2[%add3A_90] : memref<33554432xf32, #tpu.memory_space<hbm>> -> memref<49152xf32, #tpu.memory_space<hbm>>
    %dma_wait3A_102 = tpu.memref_slice %arg2[%add3A_90] : memref<33554432xf32, #tpu.memory_space<hbm>> -> memref<49152xf32, #tpu.memory_space<hbm>>
    tpu.wait_dma2 semaphore(%arg10 : memref<!tpu.dma_semaphore, #tpu.memory_space<semaphore_mem>>) src(%dma_wait3A_102 : memref<49152xf32, #tpu.memory_space<hbm>>) dst(%arg6 : memref<49152xf32, #tpu.memory_space<vmem>>)
    %scan3A_103 = arith.constant 0 : i32
    %scan3A_104 = arith.constant 96 : i32
    %scan3A_105 = arith.addi %scan3A_103, %scan3A_104 : i32
    %scan3A_106 = arith.constant 1 : i32
    %scan3A_107:8 = scf.for %scan3A_153 = %scan3A_103 to %scan3A_105 step %scan3A_106 iter_args(%scan3A_154 = %scan3A_99#0, %scan3A_155 = %scan3A_99#1, %scan3A_156 = %scan3A_99#2, %scan3A_157 = %scan3A_99#3, %scan3A_158 = %scan3A_99#4, %scan3A_159 = %scan3A_99#5, %scan3A_160 = %scan3A_99#6, %scan3A_161 = %scan3A_99#7) -> (vector<16xf32>, vector<16xf32>, vector<16xf32>, vector<16xf32>, vector<16xf32>, vector<16xf32>, vector<16xf32>, vector<16xf32>)  : i32 {
      %mul3A_162 = arith.constant 512 : i32
      %mul3A_163 = arith.muli %scan3A_153, %mul3A_162 : i32
      %add3A_164 = arith.constant 0 : i32
      %add3A_165 = arith.addi %mul3A_163, %add3A_164 : i32
      %add3A_166 = arith.constant 0 : i32
      %add3A_167 = arith.addi %add3A_165, %add3A_166 : i32
      %get3A_168 = arith.index_cast %add3A_167 : i32 to index
      %get3A_169 = tpu.vector_load %arg6[%get3A_168] {strides = array<i32>} : memref<49152xf32, #tpu.memory_space<vmem>>, vector<16xf32>,
      %get3A_170 = vector.shape_cast %get3A_169 : vector<16xf32> to vector<16xf32>
      %add3A_171 = arith.addf %scan3A_154, %get3A_170 : vector<16xf32>
      %add3A_172 = arith.constant 16 : i32
      %add3A_173 = arith.addi %add3A_165, %add3A_172 : i32
      %get3A_174 = arith.index_cast %add3A_173 : i32 to index
      %get3A_175 = tpu.vector_load %arg6[%get3A_174] {strides = array<i32>} : memref<49152xf32, #tpu.memory_space<vmem>>, vector<16xf32>,
      %get3A_176 = vector.shape_cast %get3A_175 : vector<16xf32> to vector<16xf32>
      %add3A_177 = arith.addf %scan3A_155, %get3A_176 : vector<16xf32>
      %add3A_178 = arith.constant 32 : i32
      %add3A_179 = arith.addi %add3A_165, %add3A_178 : i32
      %get3A_180 = arith.index_cast %add3A_179 : i32 to index
      %get3A_181 = tpu.vector_load %arg6[%get3A_180] {strides = array<i32>} : memref<49152xf32, #tpu.memory_space<vmem>>, vector<16xf32>,
      %get3A_182 = vector.shape_cast %get3A_181 : vector<16xf32> to vector<16xf32>
      %add3A_183 = arith.addf %scan3A_156, %get3A_182 : vector<16xf32>
      %add3A_184 = arith.constant 48 : i32
      %add3A_185 = arith.addi %add3A_165, %add3A_184 : i32
      %get3A_186 = arith.index_cast %add3A_185 : i32 to index
      %get3A_187 = tpu.vector_load %arg6[%get3A_186] {strides = array<i32>} : memref<49152xf32, #tpu.memory_space<vmem>>, vector<16xf32>,
      %get3A_188 = vector.shape_cast %get3A_187 : vector<16xf32> to vector<16xf32>
      %add3A_189 = arith.addf %scan3A_157, %get3A_188 : vector<16xf32>
      %add3A_190 = arith.constant 64 : i32
      %add3A_191 = arith.addi %add3A_165, %add3A_190 : i32
      %get3A_192 = arith.index_cast %add3A_191 : i32 to index
      %get3A_193 = tpu.vector_load %arg6[%get3A_192] {strides = array<i32>} : memref<49152xf32, #tpu.memory_space<vmem>>, vector<16xf32>,
      %get3A_194 = vector.shape_cast %get3A_193 : vector<16xf32> to vector<16xf32>
      %add3A_195 = arith.addf %scan3A_158, %get3A_194 : vector<16xf32>
      %add3A_196 = arith.constant 80 : i32
      %add3A_197 = arith.addi %add3A_165, %add3A_196 : i32
      %get3A_198 = arith.index_cast %add3A_197 : i32 to index
      %get3A_199 = tpu.vector_load %arg6[%get3A_198] {strides = array<i32>} : memref<49152xf32, #tpu.memory_space<vmem>>, vector<16xf32>,
      %get3A_200 = vector.shape_cast %get3A_199 : vector<16xf32> to vector<16xf32>
      %add3A_201 = arith.addf %scan3A_159, %get3A_200 : vector<16xf32>
      %add3A_202 = arith.constant 96 : i32
      %add3A_203 = arith.addi %add3A_165, %add3A_202 : i32
      %get3A_204 = arith.index_cast %add3A_203 : i32 to index
      %get3A_205 = tpu.vector_load %arg6[%get3A_204] {strides = array<i32>} : memref<49152xf32, #tpu.memory_space<vmem>>, vector<16xf32>,
      %get3A_206 = vector.shape_cast %get3A_205 : vector<16xf32> to vector<16xf32>
      %add3A_207 = arith.addf %scan3A_160, %get3A_206 : vector<16xf32>
      %add3A_208 = arith.constant 112 : i32
      %add3A_209 = arith.addi %add3A_165, %add3A_208 : i32
      %get3A_210 = arith.index_cast %add3A_209 : i32 to index
      %get3A_211 = tpu.vector_load %arg6[%get3A_210] {strides = array<i32>} : memref<49152xf32, #tpu.memory_space<vmem>>, vector<16xf32>,
      %get3A_212 = vector.shape_cast %get3A_211 : vector<16xf32> to vector<16xf32>
      %add3A_213 = arith.addf %scan3A_161, %get3A_212 : vector<16xf32>
      %add3A_214 = arith.constant 128 : i32
      %add3A_215 = arith.addi %mul3A_163, %add3A_214 : i32
      %add3A_216 = arith.constant 0 : i32
      %add3A_217 = arith.addi %add3A_215, %add3A_216 : i32
      %get3A_218 = arith.index_cast %add3A_217 : i32 to index
      %get3A_219 = tpu.vector_load %arg6[%get3A_218] {strides = array<i32>} : memref<49152xf32, #tpu.memory_space<vmem>>, vector<16xf32>,
      %get3A_220 = vector.shape_cast %get3A_219 : vector<16xf32> to vector<16xf32>
      %add3A_221 = arith.addf %add3A_171, %get3A_220 : vector<16xf32>
      %add3A_222 = arith.constant 16 : i32
      %add3A_223 = arith.addi %add3A_215, %add3A_222 : i32
      %get3A_224 = arith.index_cast %add3A_223 : i32 to index
      %get3A_225 = tpu.vector_load %arg6[%get3A_224] {strides = array<i32>} : memref<49152xf32, #tpu.memory_space<vmem>>, vector<16xf32>,
      %get3A_226 = vector.shape_cast %get3A_225 : vector<16xf32> to vector<16xf32>
      %add3A_227 = arith.addf %add3A_177, %get3A_226 : vector<16xf32>
      %add3A_228 = arith.constant 32 : i32
      %add3A_229 = arith.addi %add3A_215, %add3A_228 : i32
      %get3A_230 = arith.index_cast %add3A_229 : i32 to index
      %get3A_231 = tpu.vector_load %arg6[%get3A_230] {strides = array<i32>} : memref<49152xf32, #tpu.memory_space<vmem>>, vector<16xf32>,
      %get3A_232 = vector.shape_cast %get3A_231 : vector<16xf32> to vector<16xf32>
      %add3A_233 = arith.addf %add3A_183, %get3A_232 : vector<16xf32>
      %add3A_234 = arith.constant 48 : i32
      %add3A_235 = arith.addi %add3A_215, %add3A_234 : i32
      %get3A_236 = arith.index_cast %add3A_235 : i32 to index
      %get3A_237 = tpu.vector_load %arg6[%get3A_236] {strides = array<i32>} : memref<49152xf32, #tpu.memory_space<vmem>>, vector<16xf32>,
      %get3A_238 = vector.shape_cast %get3A_237 : vector<16xf32> to vector<16xf32>
      %add3A_239 = arith.addf %add3A_189, %get3A_238 : vector<16xf32>
      %add3A_240 = arith.constant 64 : i32
      %add3A_241 = arith.addi %add3A_215, %add3A_240 : i32
      %get3A_242 = arith.index_cast %add3A_241 : i32 to index
      %get3A_243 = tpu.vector_load %arg6[%get3A_242] {strides = array<i32>} : memref<49152xf32, #tpu.memory_space<vmem>>, vector<16xf32>,
      %get3A_244 = vector.shape_cast %get3A_243 : vector<16xf32> to vector<16xf32>
      %add3A_245 = arith.addf %add3A_195, %get3A_244 : vector<16xf32>
      %add3A_246 = arith.constant 80 : i32
      %add3A_247 = arith.addi %add3A_215, %add3A_246 : i32
      %get3A_248 = arith.index_cast %add3A_247 : i32 to index
      %get3A_249 = tpu.vector_load %arg6[%get3A_248] {strides = array<i32>} : memref<49152xf32, #tpu.memory_space<vmem>>, vector<16xf32>,
      %get3A_250 = vector.shape_cast %get3A_249 : vector<16xf32> to vector<16xf32>
      %add3A_251 = arith.addf %add3A_201, %get3A_250 : vector<16xf32>
      %add3A_252 = arith.constant 96 : i32
      %add3A_253 = arith.addi %add3A_215, %add3A_252 : i32
      %get3A_254 = arith.index_cast %add3A_253 : i32 to index
      %get3A_255 = tpu.vector_load %arg6[%get3A_254] {strides = array<i32>} : memref<49152xf32, #tpu.memory_space<vmem>>, vector<16xf32>,
      %get3A_256 = vector.shape_cast %get3A_255 : vector<16xf32> to vector<16xf32>
      %add3A_257 = arith.addf %add3A_207, %get3A_256 : vector<16xf32>
      %add3A_258 = arith.constant 112 : i32
      %add3A_259 = arith.addi %add3A_215, %add3A_258 : i32
      %get3A_260 = arith.index_cast %add3A_259 : i32 to index
      %get3A_261 = tpu.vector_load %arg6[%get3A_260] {strides = array<i32>} : memref<49152xf32, #tpu.memory_space<vmem>>, vector<16xf32>,
      %get3A_262 = vector.shape_cast %get3A_261 : vector<16xf32> to vector<16xf32>
      %add3A_263 = arith.addf %add3A_213, %get3A_262 : vector<16xf32>
      %add3A_264 = arith.constant 256 : i32
      %add3A_265 = arith.addi %mul3A_163, %add3A_264 : i32
      %add3A_266 = arith.constant 0 : i32
      %add3A_267 = arith.addi %add3A_265, %add3A_266 : i32
      %get3A_268 = arith.index_cast %add3A_267 : i32 to index
      %get3A_269 = tpu.vector_load %arg6[%get3A_268] {strides = array<i32>} : memref<49152xf32, #tpu.memory_space<vmem>>, vector<16xf32>,
      %get3A_270 = vector.shape_cast %get3A_269 : vector<16xf32> to vector<16xf32>
      %add3A_271 = arith.addf %add3A_221, %get3A_270 : vector<16xf32>
      %add3A_272 = arith.constant 16 : i32
      %add3A_273 = arith.addi %add3A_265, %add3A_272 : i32
      %get3A_274 = arith.index_cast %add3A_273 : i32 to index
      %get3A_275 = tpu.vector_load %arg6[%get3A_274] {strides = array<i32>} : memref<49152xf32, #tpu.memory_space<vmem>>, vector<16xf32>,
      %get3A_276 = vector.shape_cast %get3A_275 : vector<16xf32> to vector<16xf32>
      %add3A_277 = arith.addf %add3A_227, %get3A_276 : vector<16xf32>
      %add3A_278 = arith.constant 32 : i32
      %add3A_279 = arith.addi %add3A_265, %add3A_278 : i32
      %get3A_280 = arith.index_cast %add3A_279 : i32 to index
      %get3A_281 = tpu.vector_load %arg6[%get3A_280] {strides = array<i32>} : memref<49152xf32, #tpu.memory_space<vmem>>, vector<16xf32>,
      %get3A_282 = vector.shape_cast %get3A_281 : vector<16xf32> to vector<16xf32>
      %add3A_283 = arith.addf %add3A_233, %get3A_282 : vector<16xf32>
      %add3A_284 = arith.constant 48 : i32
      %add3A_285 = arith.addi %add3A_265, %add3A_284 : i32
      %get3A_286 = arith.index_cast %add3A_285 : i32 to index
      %get3A_287 = tpu.vector_load %arg6[%get3A_286] {strides = array<i32>} : memref<49152xf32, #tpu.memory_space<vmem>>, vector<16xf32>,
      %get3A_288 = vector.shape_cast %get3A_287 : vector<16xf32> to vector<16xf32>
      %add3A_289 = arith.addf %add3A_239, %get3A_288 : vector<16xf32>
      %add3A_290 = arith.constant 64 : i32
      %add3A_291 = arith.addi %add3A_265, %add3A_290 : i32
      %get3A_292 = arith.index_cast %add3A_291 : i32 to index
      %get3A_293 = tpu.vector_load %arg6[%get3A_292] {strides = array<i32>} : memref<49152xf32, #tpu.memory_space<vmem>>, vector<16xf32>,
      %get3A_294 = vector.shape_cast %get3A_293 : vector<16xf32> to vector<16xf32>
      %add3A_295 = arith.addf %add3A_245, %get3A_294 : vector<16xf32>
      %add3A_296 = arith.constant 80 : i32
      %add3A_297 = arith.addi %add3A_265, %add3A_296 : i32
      %get3A_298 = arith.index_cast %add3A_297 : i32 to index
      %get3A_299 = tpu.vector_load %arg6[%get3A_298] {strides = array<i32>} : memref<49152xf32, #tpu.memory_space<vmem>>, vector<16xf32>,
      %get3A_300 = vector.shape_cast %get3A_299 : vector<16xf32> to vector<16xf32>
      %add3A_301 = arith.addf %add3A_251, %get3A_300 : vector<16xf32>
      %add3A_302 = arith.constant 96 : i32
      %add3A_303 = arith.addi %add3A_265, %add3A_302 : i32
      %get3A_304 = arith.index_cast %add3A_303 : i32 to index
      %get3A_305 = tpu.vector_load %arg6[%get3A_304] {strides = array<i32>} : memref<49152xf32, #tpu.memory_space<vmem>>, vector<16xf32>,
      %get3A_306 = vector.shape_cast %get3A_305 : vector<16xf32> to vector<16xf32>
      %add3A_307 = arith.addf %add3A_257, %get3A_306 : vector<16xf32>
      %add3A_308 = arith.constant 112 : i32
      %add3A_309 = arith.addi %add3A_265, %add3A_308 : i32
      %get3A_310 = arith.index_cast %add3A_309 : i32 to index
      %get3A_311 = tpu.vector_load %arg6[%get3A_310] {strides = array<i32>} : memref<49152xf32, #tpu.memory_space<vmem>>, vector<16xf32>,
      %get3A_312 = vector.shape_cast %get3A_311 : vector<16xf32> to vector<16xf32>
      %add3A_313 = arith.addf %add3A_263, %get3A_312 : vector<16xf32>
      %add3A_314 = arith.constant 384 : i32
      %add3A_315 = arith.addi %mul3A_163, %add3A_314 : i32
      %add3A_316 = arith.constant 0 : i32
      %add3A_317 = arith.addi %add3A_315, %add3A_316 : i32
      %get3A_318 = arith.index_cast %add3A_317 : i32 to index
      %get3A_319 = tpu.vector_load %arg6[%get3A_318] {strides = array<i32>} : memref<49152xf32, #tpu.memory_space<vmem>>, vector<16xf32>,
      %get3A_320 = vector.shape_cast %get3A_319 : vector<16xf32> to vector<16xf32>
      %add3A_321 = arith.addf %add3A_271, %get3A_320 : vector<16xf32>
      %add3A_322 = arith.constant 16 : i32
      %add3A_323 = arith.addi %add3A_315, %add3A_322 : i32
      %get3A_324 = arith.index_cast %add3A_323 : i32 to index
      %get3A_325 = tpu.vector_load %arg6[%get3A_324] {strides = array<i32>} : memref<49152xf32, #tpu.memory_space<vmem>>, vector<16xf32>,
      %get3A_326 = vector.shape_cast %get3A_325 : vector<16xf32> to vector<16xf32>
      %add3A_327 = arith.addf %add3A_277, %get3A_326 : vector<16xf32>
      %add3A_328 = arith.constant 32 : i32
      %add3A_329 = arith.addi %add3A_315, %add3A_328 : i32
      %get3A_330 = arith.index_cast %add3A_329 : i32 to index
      %get3A_331 = tpu.vector_load %arg6[%get3A_330] {strides = array<i32>} : memref<49152xf32, #tpu.memory_space<vmem>>, vector<16xf32>,
      %get3A_332 = vector.shape_cast %get3A_331 : vector<16xf32> to vector<16xf32>
      %add3A_333 = arith.addf %add3A_283, %get3A_332 : vector<16xf32>
      %add3A_334 = arith.constant 48 : i32
      %add3A_335 = arith.addi %add3A_315, %add3A_334 : i32
      %get3A_336 = arith.index_cast %add3A_335 : i32 to index
      %get3A_337 = tpu.vector_load %arg6[%get3A_336] {strides = array<i32>} : memref<49152xf32, #tpu.memory_space<vmem>>, vector<16xf32>,
      %get3A_338 = vector.shape_cast %get3A_337 : vector<16xf32> to vector<16xf32>
      %add3A_339 = arith.addf %add3A_289, %get3A_338 : vector<16xf32>
      %add3A_340 = arith.constant 64 : i32
      %add3A_341 = arith.addi %add3A_315, %add3A_340 : i32
      %get3A_342 = arith.index_cast %add3A_341 : i32 to index
      %get3A_343 = tpu.vector_load %arg6[%get3A_342] {strides = array<i32>} : memref<49152xf32, #tpu.memory_space<vmem>>, vector<16xf32>,
      %get3A_344 = vector.shape_cast %get3A_343 : vector<16xf32> to vector<16xf32>
      %add3A_345 = arith.addf %add3A_295, %get3A_344 : vector<16xf32>
      %add3A_346 = arith.constant 80 : i32
      %add3A_347 = arith.addi %add3A_315, %add3A_346 : i32
      %get3A_348 = arith.index_cast %add3A_347 : i32 to index
      %get3A_349 = tpu.vector_load %arg6[%get3A_348] {strides = array<i32>} : memref<49152xf32, #tpu.memory_space<vmem>>, vector<16xf32>,
      %get3A_350 = vector.shape_cast %get3A_349 : vector<16xf32> to vector<16xf32>
      %add3A_351 = arith.addf %add3A_301, %get3A_350 : vector<16xf32>
      %add3A_352 = arith.constant 96 : i32
      %add3A_353 = arith.addi %add3A_315, %add3A_352 : i32
      %get3A_354 = arith.index_cast %add3A_353 : i32 to index
      %get3A_355 = tpu.vector_load %arg6[%get3A_354] {strides = array<i32>} : memref<49152xf32, #tpu.memory_space<vmem>>, vector<16xf32>,
      %get3A_356 = vector.shape_cast %get3A_355 : vector<16xf32> to vector<16xf32>
      %add3A_357 = arith.addf %add3A_307, %get3A_356 : vector<16xf32>
      %add3A_358 = arith.constant 112 : i32
      %add3A_359 = arith.addi %add3A_315, %add3A_358 : i32
      %get3A_360 = arith.index_cast %add3A_359 : i32 to index
      %get3A_361 = tpu.vector_load %arg6[%get3A_360] {strides = array<i32>} : memref<49152xf32, #tpu.memory_space<vmem>>, vector<16xf32>,
      %get3A_362 = vector.shape_cast %get3A_361 : vector<16xf32> to vector<16xf32>
      %add3A_363 = arith.addf %add3A_313, %get3A_362 : vector<16xf32>
      scf.yield %add3A_321, %add3A_327, %add3A_333, %add3A_339, %add3A_345, %add3A_351, %add3A_357, %add3A_363 : vector<16xf32>, vector<16xf32>, vector<16xf32>, vector<16xf32>, vector<16xf32>, vector<16xf32>, vector<16xf32>, vector<16xf32>
    }
    %scan3A_108 = arith.constant 96 : i32
    %broadcast_in_dim3A_109 = arith.constant 0.000000e+00 : f32
    %broadcast_in_dim3A_110 = vector.broadcast %broadcast_in_dim3A_109 : f32 to vector<16xf32>
    %get3A = arith.constant 0 : index
    %get3A_111 = tpu.vector_load %arg7[%get3A] {strides = array<i32>} : memref<128xf32, #tpu.memory_space<vmem>>, vector<16xf32>,
    %get3A_112 = vector.shape_cast %get3A_111 : vector<16xf32> to vector<16xf32>
    %mul3A_113 = arith.mulf %scan3A_107#0, %get3A_112 : vector<16xf32>
    %add3A_114 = arith.addf %broadcast_in_dim3A_110, %mul3A_113 : vector<16xf32>
    %get3A_115 = arith.constant 16 : index
    %get3A_116 = tpu.vector_load %arg7[%get3A_115] {strides = array<i32>} : memref<128xf32, #tpu.memory_space<vmem>>, vector<16xf32>,
    %get3A_117 = vector.shape_cast %get3A_116 : vector<16xf32> to vector<16xf32>
    %mul3A_118 = arith.mulf %scan3A_107#1, %get3A_117 : vector<16xf32>
    %add3A_119 = arith.addf %add3A_114, %mul3A_118 : vector<16xf32>
    %get3A_120 = arith.constant 32 : index
    %get3A_121 = tpu.vector_load %arg7[%get3A_120] {strides = array<i32>} : memref<128xf32, #tpu.memory_space<vmem>>, vector<16xf32>,
    %get3A_122 = vector.shape_cast %get3A_121 : vector<16xf32> to vector<16xf32>
    %mul3A_123 = arith.mulf %scan3A_107#2, %get3A_122 : vector<16xf32>
    %add3A_124 = arith.addf %add3A_119, %mul3A_123 : vector<16xf32>
    %get3A_125 = arith.constant 48 : index
    %get3A_126 = tpu.vector_load %arg7[%get3A_125] {strides = array<i32>} : memref<128xf32, #tpu.memory_space<vmem>>, vector<16xf32>,
    %get3A_127 = vector.shape_cast %get3A_126 : vector<16xf32> to vector<16xf32>
    %mul3A_128 = arith.mulf %scan3A_107#3, %get3A_127 : vector<16xf32>
    %add3A_129 = arith.addf %add3A_124, %mul3A_128 : vector<16xf32>
    %get3A_130 = arith.constant 64 : index
    %get3A_131 = tpu.vector_load %arg7[%get3A_130] {strides = array<i32>} : memref<128xf32, #tpu.memory_space<vmem>>, vector<16xf32>,
    %get3A_132 = vector.shape_cast %get3A_131 : vector<16xf32> to vector<16xf32>
    %mul3A_133 = arith.mulf %scan3A_107#4, %get3A_132 : vector<16xf32>
    %add3A_134 = arith.addf %add3A_129, %mul3A_133 : vector<16xf32>
    %get3A_135 = arith.constant 80 : index
    %get3A_136 = tpu.vector_load %arg7[%get3A_135] {strides = array<i32>} : memref<128xf32, #tpu.memory_space<vmem>>, vector<16xf32>,
    %get3A_137 = vector.shape_cast %get3A_136 : vector<16xf32> to vector<16xf32>
    %mul3A_138 = arith.mulf %scan3A_107#5, %get3A_137 : vector<16xf32>
    %add3A_139 = arith.addf %add3A_134, %mul3A_138 : vector<16xf32>
    %get3A_140 = arith.constant 96 : index
    %get3A_141 = tpu.vector_load %arg7[%get3A_140] {strides = array<i32>} : memref<128xf32, #tpu.memory_space<vmem>>, vector<16xf32>,
    %get3A_142 = vector.shape_cast %get3A_141 : vector<16xf32> to vector<16xf32>
    %mul3A_143 = arith.mulf %scan3A_107#6, %get3A_142 : vector<16xf32>
    %add3A_144 = arith.addf %add3A_139, %mul3A_143 : vector<16xf32>
    %get3A_145 = arith.constant 112 : index
    %get3A_146 = tpu.vector_load %arg7[%get3A_145] {strides = array<i32>} : memref<128xf32, #tpu.memory_space<vmem>>, vector<16xf32>,
    %get3A_147 = vector.shape_cast %get3A_146 : vector<16xf32> to vector<16xf32>
    %mul3A_148 = arith.mulf %scan3A_107#7, %get3A_147 : vector<16xf32>
    %add3A_149 = arith.addf %add3A_144, %mul3A_148 : vector<16xf32>
    %swap3A = arith.constant 0 : index
    %swap3A_150 = tpu.vector_load %arg8[%swap3A] {strides = array<i32>} : memref<16xf32, #tpu.memory_space<vmem>>, vector<16xf32>,
    %swap3A_151 = vector.shape_cast %swap3A_150 : vector<16xf32> to vector<16xf32>
    %swap3A_152 = vector.shape_cast %add3A_149 : vector<16xf32> to vector<16xf32>
    tpu.vector_store %arg8[%swap3A], %swap3A_152 {strides = array<i32>} : memref<16xf32, #tpu.memory_space<vmem>>, vector<16xf32>,
    "tpu.region"() ({
      %run_scoped3A = tpu.sem_alloc : memref<!tpu.dma_semaphore, #tpu.memory_space<semaphore_mem>>
      %dma_start3A_153 = arith.constant 0 : i32
      %dma_start3A_154 = tpu.memref_slice %arg4[%add3A, %dma_start3A_153] : memref<32x16xf32, #tpu.memory_space<hbm>> -> memref<1x16xf32, #tpu.memory_space<hbm>>
      %dma_start3A_155 = tpu.memref_squeeze %dma_start3A_154 : memref<1x16xf32, #tpu.memory_space<hbm>> -> memref<16xf32, #tpu.memory_space<hbm>>
      %dma_start3A_156 = arith.constant 0 : i32
      %dma_start3A_157 = tpu.memref_slice %arg4[%add3A, %dma_start3A_156] : memref<32x16xf32, #tpu.memory_space<hbm>> -> memref<1x16xf32, #tpu.memory_space<hbm>>
      %dma_start3A_158 = tpu.memref_squeeze %dma_start3A_157 : memref<1x16xf32, #tpu.memory_space<hbm>> -> memref<16xf32, #tpu.memory_space<hbm>>
      tpu.enqueue_dma source(%arg8 : memref<16xf32, #tpu.memory_space<vmem>>) target(%dma_start3A_158 : memref<16xf32, #tpu.memory_space<hbm>>) target_semaphore(%run_scoped3A : memref<!tpu.dma_semaphore, #tpu.memory_space<semaphore_mem>>)
      %dma_wait3A_159 = arith.constant 0 : i32
      %dma_wait3A_160 = tpu.memref_slice %arg4[%add3A, %dma_wait3A_159] : memref<32x16xf32, #tpu.memory_space<hbm>> -> memref<1x16xf32, #tpu.memory_space<hbm>>
      %dma_wait3A_161 = tpu.memref_squeeze %dma_wait3A_160 : memref<1x16xf32, #tpu.memory_space<hbm>> -> memref<16xf32, #tpu.memory_space<hbm>>
      %dma_wait3A_162 = arith.constant 0 : i32
      %dma_wait3A_163 = tpu.memref_slice %arg4[%add3A, %dma_wait3A_162] : memref<32x16xf32, #tpu.memory_space<hbm>> -> memref<1x16xf32, #tpu.memory_space<hbm>>
      %dma_wait3A_164 = tpu.memref_squeeze %dma_wait3A_163 : memref<1x16xf32, #tpu.memory_space<hbm>> -> memref<16xf32, #tpu.memory_space<hbm>>
      tpu.wait_dma2 semaphore(%run_scoped3A : memref<!tpu.dma_semaphore, #tpu.memory_space<semaphore_mem>>) src(%arg8 : memref<16xf32, #tpu.memory_space<vmem>>) dst(%dma_wait3A_164 : memref<16xf32, #tpu.memory_space<hbm>>)
      tpu.yield
    }) : () -> ()
    return
  }
}

module attributes {stable_mosaic.version = 14 : i64} {
  func.func @_finish_body(%arg0: memref<32x16xf32, #tpu.memory_space<vmem>>, %arg1: memref<8x128xf32, #tpu.memory_space<vmem>>, %arg2: memref<1x1xf32, #tpu.memory_space<vmem>>) attributes {dimension_semantics = [], scalar_prefetch = 0 : i64, scratch_operands = 0 : i64, tpu.core_type = #tpu.core_type<tc>} {
    %get3A = arith.constant 0 : index
    %get3A_0 = arith.constant 0 : index
    %get3A_1 = vector.load %arg0[%get3A, %get3A_0] : memref<32x16xf32, #tpu.memory_space<vmem>>, vector<32x16xf32>
    %reduce_sum3A = vector.shape_cast %get3A_1 : vector<32x16xf32> to vector<1x32x16xf32>
    %reduce_sum3A_2 = arith.constant dense<0.000000e+00> : vector<1xf32>
    %reduce_sum3A_3 = vector.multi_reduction <add>, %reduce_sum3A, %reduce_sum3A_2 [1, 2] : vector<1x32x16xf32> to vector<1xf32>
    %reduce_sum3A_4 = vector.shape_cast %reduce_sum3A_3 : vector<1xf32> to vector<1x1x1xf32>
    %reduce_sum3A_5 = vector.extract %reduce_sum3A_4[0, 0, 0] : f32 from vector<1x1x1xf32>
    %get3A_6 = arith.constant 0 : index
    %get3A_7 = arith.constant 0 : index
    %get3A_8 = vector.load %arg1[%get3A_6, %get3A_7] : memref<8x128xf32, #tpu.memory_space<vmem>>, vector<8x128xf32>
    %reduce_sum3A_9 = vector.shape_cast %get3A_8 : vector<8x128xf32> to vector<1x8x128xf32>
    %reduce_sum3A_10 = arith.constant dense<0.000000e+00> : vector<1xf32>
    %reduce_sum3A_11 = vector.multi_reduction <add>, %reduce_sum3A_9, %reduce_sum3A_10 [1, 2] : vector<1x8x128xf32> to vector<1xf32>
    %reduce_sum3A_12 = vector.shape_cast %reduce_sum3A_11 : vector<1xf32> to vector<1x1x1xf32>
    %reduce_sum3A_13 = vector.extract %reduce_sum3A_12[0, 0, 0] : f32 from vector<1x1x1xf32>
    %add3A = arith.addf %reduce_sum3A_5, %reduce_sum3A_13 : f32
    %reshape3A = vector.broadcast %add3A : f32 to vector<1x1xf32>
    %swap3A = arith.constant 0 : index
    %swap3A_14 = arith.constant 0 : index
    %swap3A_15 = vector.load %arg2[%swap3A, %swap3A_14] : memref<1x1xf32, #tpu.memory_space<vmem>>, vector<1x1xf32>
    tpu.vector_store %arg2[%swap3A, %swap3A_14], %reshape3A {strides = array<i32>} : memref<1x1xf32, #tpu.memory_space<vmem>>, vector<1x1xf32>,
    return
  }
}

module attributes {stable_mosaic.version = 14 : i64} {
  func.func @_tc_body(%arg0: i32, %arg1: memref<16384x128xf32, #tpu.memory_space<vmem>>, %arg2: memref<1x128xf32, #tpu.memory_space<vmem>>, %arg3: memref<8x128xf32, #tpu.memory_space<vmem>>) attributes {dimension_semantics = [#tpu.dimension_semantics<arbitrary>], iteration_bounds = array<i64: 10>, scalar_prefetch = 0 : i64, scratch_operands = 0 : i64, tpu.core_type = #tpu.core_type<tc>, window_params = [{transform_indices = @transform_0, window_bounds = array<i64: 16384, 128>}, {pipeline_mode = #tpu.pipeline_mode<synchronous>, transform_indices = @transform_1, window_bounds = array<i64: 1, 128>}, {pipeline_mode = #tpu.pipeline_mode<synchronous>, transform_indices = @transform_2, window_bounds = array<i64: 8, 128>}]} {
    %eq3A = arith.constant 0 : i32
    %eq3A_0 = arith.cmpi eq, %arg0, %eq3A : i32
    %convert_element_type3A = arith.extui %eq3A_0 : i1 to i32
    %cond3A = arith.constant 0 : i32
    %cond3A_1 = arith.cmpi ne, %convert_element_type3A, %cond3A : i32
    scf.if %cond3A_1 {
      %broadcast_in_dim3A = arith.constant 0.000000e+00 : f32
      %broadcast_in_dim3A_15 = vector.broadcast %broadcast_in_dim3A : f32 to vector<8x128xf32>
      %swap3A_16 = arith.constant 0 : index
      %swap3A_17 = arith.constant 0 : index
      %swap3A_18 = vector.load %arg3[%swap3A_16, %swap3A_17] : memref<8x128xf32, #tpu.memory_space<vmem>>, vector<8x128xf32>
      tpu.vector_store %arg3[%swap3A_16, %swap3A_17], %broadcast_in_dim3A_15 {strides = array<i32>} : memref<8x128xf32, #tpu.memory_space<vmem>>, vector<8x128xf32>,
    } else {
    }
    %get3A = arith.constant 0 : index
    %get3A_2 = arith.constant 0 : index
    %get3A_3 = vector.load %arg3[%get3A, %get3A_2] : memref<8x128xf32, #tpu.memory_space<vmem>>, vector<8x128xf32>
    %get3A_4 = arith.constant 0 : index
    %get3A_5 = arith.constant 0 : index
    %get3A_6 = vector.load %arg1[%get3A_4, %get3A_5] : memref<16384x128xf32, #tpu.memory_space<vmem>>, vector<16384x128xf32>
    %reshape3A = vector.shape_cast %get3A_6 : vector<16384x128xf32> to vector<2048x8x128xf32>
    %reduce_sum3A = arith.constant dense<0.000000e+00> : vector<8x128xf32>
    %reduce_sum3A_7 = vector.multi_reduction <add>, %reshape3A, %reduce_sum3A [0] : vector<2048x8x128xf32> to vector<8x128xf32>
    %add3A = arith.addf %get3A_3, %reduce_sum3A_7 : vector<8x128xf32>
    %swap3A = arith.constant 0 : index
    %swap3A_8 = arith.constant 0 : index
    %swap3A_9 = vector.load %arg3[%swap3A, %swap3A_8] : memref<8x128xf32, #tpu.memory_space<vmem>>, vector<8x128xf32>
    tpu.vector_store %arg3[%swap3A, %swap3A_8], %add3A {strides = array<i32>} : memref<8x128xf32, #tpu.memory_space<vmem>>, vector<8x128xf32>,
    %eq3A_10 = arith.constant 9 : i32
    %eq3A_11 = arith.cmpi eq, %arg0, %eq3A_10 : i32
    %convert_element_type3A_12 = arith.extui %eq3A_11 : i1 to i32
    %cond3A_13 = arith.constant 0 : i32
    %cond3A_14 = arith.cmpi ne, %convert_element_type3A_12, %cond3A_13 : i32
    scf.if %cond3A_14 {
      %get3A_15 = arith.constant 0 : index
      %get3A_16 = arith.constant 0 : index
      %get3A_17 = vector.load %arg3[%get3A_15, %get3A_16] : memref<8x128xf32, #tpu.memory_space<vmem>>, vector<8x128xf32>
      %get3A_18 = arith.constant 0 : index
      %get3A_19 = arith.constant 0 : index
      %get3A_20 = vector.load %arg2[%get3A_18, %get3A_19] : memref<1x128xf32, #tpu.memory_space<vmem>>, vector<1x128xf32>
      %mul3A = vector.broadcast %get3A_20 : vector<1x128xf32> to vector<8x128xf32>
      %mul3A_21 = arith.mulf %get3A_17, %mul3A : vector<8x128xf32>
      %swap3A_22 = arith.constant 0 : index
      %swap3A_23 = arith.constant 0 : index
      %swap3A_24 = vector.load %arg3[%swap3A_22, %swap3A_23] : memref<8x128xf32, #tpu.memory_space<vmem>>, vector<8x128xf32>
      tpu.vector_store %arg3[%swap3A_22, %swap3A_23], %mul3A_21 {strides = array<i32>} : memref<8x128xf32, #tpu.memory_space<vmem>>, vector<8x128xf32>,
    } else {
    }
    return
  }
  func.func @transform_0(%arg0: i32) -> (i32, i32) {
    %add3A = arith.constant 6 : i32
    %add3A_0 = arith.addi %arg0, %add3A : i32
    %c0_i32 = arith.constant 0 : i32
    %c0_i32_1 = arith.constant 0 : i32
    return %add3A_0, %c0_i32 : i32, i32
  }
  func.func @transform_1(%arg0: i32) -> (i32, i32) {
    %c0_i32 = arith.constant 0 : i32
    %c0_i32_0 = arith.constant 0 : i32
    %c0_i32_1 = arith.constant 0 : i32
    return %c0_i32, %c0_i32_0 : i32, i32
  }
  func.func @transform_2(%arg0: i32) -> (i32, i32) {
    %c0_i32 = arith.constant 0 : i32
    %c0_i32_0 = arith.constant 0 : i32
    %c0_i32_1 = arith.constant 0 : i32
    return %c0_i32, %c0_i32_0 : i32, i32
  }
}

</mosaic_0001>

<sc_bundles>
// kernel: kernel.5.cloned.1.call-start
scs
__scs_entry_jumppad:
0x0: {  	(pc) =	sbr.rel $0x88, $3  }
0x1: {  	(tag) =	ssettag $0x0;
	lr =	simm.s32 $0x1  }
0x2: {  	[smem:$0x3F9F] =	sst lr;
	_ =	strace $0xD0000000  }
0x3: {  	_ = 	snop  }
0x4: {  	_ = 	snop  }
0x5: {  	_ = 	snop  }
0x6: {  	_ = 	snop  }
0x7: {  	_ = 	snop  }
__scs_overlays_trampoline_lowered:
0x8: {  	[smem:$0x3FAE] =	sst s0  }
0x9: {  	[smem:$0x3FAF] =	sst s1  }
0xa: {  	[smem:$0x3FB0] =	sst s2  }
0xb: {  	[smem:$0x3FB1] =	sst s3  }
0xc: {  	[smem:$0x3FB2] =	sst s4  }
0xd: {  	[smem:$0x3FB3] =	sst s5  }
0xe: {  	[smem:$0x3FB4] =	sst s6  }
0xf: {  	[smem:$0x3FB5] =	sst s7  }
0x10: {  	[smem:$0x3FB6] =	sst s8  }
0x11: {  	[smem:$0x3FB7] =	sst s9;
	s0 =	simm.s32 @!p0 $0x0  }
0x12: {  	s1 =	sld [smem:$0x3F9D];
	s0 =	simm.s32 @p0 $0x1  }
0x13: {  	[smem:$0x3FB8] =	sst s0;
	s0 =	simm.s32 @!p1 $0x0  }
0x14: {  	s2 =	sld [smem:$0x3F9C];
	s0 =	simm.s32 @p1 $0x1  }
0x15: {  	[smem:$0x3FB9] =	sst s0;
	s0 =	simm.s32 @!p2 $0x0  }
0x16: {  	s3 =	sld [smem:$0x3FDB];
	s0 =	simm.s32 @p2 $0x1  }
0x17: {  	s4 =	simm.s32 $0x1BF5;
	[smem:$0x3FBB] =	sst s0  }
0x18: {  	s0 =	sld [smem:$0x3F9E];
	_ =	swait.ge [sflag:s4], $0x0  }
0x19: {  	s7 =	sld [smem:$0x3F9F]  }
0x1a: {  	s8 =	sadd.s32 $0xFFFFE003, lr  }
0x1b: {  	s9 =	sadd.s32 $0xFFFFFEF7, lr;
	s5 =	simm.s32 $0xFFFFFFFF;
	p2 =	slt.u32 s8, $0xFFFFF086  }
0x1c: {  	p1 =	slt.u32 s9, $0xF7A;
	s5 =	simm.s32 @!p2 $0x0  }
0x1d: {  	s5 =	simm.s32 @p1 $0x1;
	p0 =	seq.s32 s7, s2  }
0x1e: {  	s7 =	smul.u32 @!p0 $0xF7A, s2;
	p2 =	seq.s32 @!p0 s5, $0x0  }
0x1f: {  	s9 =	smul.u32 $0xF7A, s1;
	s8 =	simm.s32 @!p0 $0x1BF5;
	p2 =	por !p2, p0  }
0x20: {  	[sflag:s8] =	ssyncset.s32 @!p0 $0xFFFFF086;
	s6 =	sadd.s32 @!p0 s3, s7;
	s7 =	simm.s32 @!p0 $0x108  }
0x21: {  	s3 =	sadd.s32 s3, s9;
	s6 =	sadd.s32 @!p0 $0x88, s6;
	s7 =	simm.s32 @p2 $0x1082  }
0x22: {  	[simem:s7], [sflag:s8] =	dma.local @!p0 [hbm:s6], $0xF7A  }
0x23: {  	s9 =	sor.u32 $0xD0000000, s2;
	s6 =	simm.s32 $0x108;
	_ =	swait.ge @!p0 [sflag:s8], $0x0  }
0x24: {  	s3 =	sadd.s32 $0x88, s3;
	s6 =	simm.s32 @!p1 $0x1082;
	[sflag:s4] =	ssyncset.s32 $0xFFFFF086  }
0x25: {  	[simem:s6], [sflag:s4] =	dma.local [hbm:s3], $0xF7A  }
0x26: {  	[smem:$0x3F9F] =	sst s1;
	(tag) =	ssettag s2;
	_ =	strace s9  }
0x27: {  	s1 =	sld [smem:$0x3FAF]  }
0x28: {  	s2 =	sld [smem:$0x3FB0]  }
0x29: {  	s4 =	sld [smem:$0x3FB2]  }
0x2a: {  	p0 =	seq.s32 s5, $0x0;
	s5 =	sld [smem:$0x3FB3]  }
0x2b: {  	s6 =	sld [smem:$0x3FB4]  }
0x2c: {  	s7 =	sld [smem:$0x3FB5]  }
0x2d: {  	s3 =	simm.s32 $0x108;
	s8 =	sld [smem:$0x3FB6]  }
0x2e: {  	s3 =	simm.s32 @!p0 $0x1082;
	s9 =	sld [smem:$0x3FB7]  }
0x2f: {  	lr =	sadd.s32 s0, s3;
	s0 =	sld [smem:$0x3FAE]  }
0x30: {  	s3 =	sld [smem:$0x3FB1]  }
0x31: {  	[smem:$0x3FBA] =	sst s10  }
0x32: {  	s10 =	sld [smem:$0x3FB8];
	_ =	sdelay $0x3  }
0x33: {  	p0 =	seq.s32 s10, $0x1;
	s10 =	sld [smem:$0x3FBA];
	_ =	sdelay $0x3  }
0x34: {  	[smem:$0x3FBA] =	sst s10  }
0x35: {  	s10 =	sld [smem:$0x3FB9];
	_ =	sdelay $0x3  }
0x36: {  	p1 =	seq.s32 s10, $0x1;
	s10 =	sld [smem:$0x3FBA];
	_ =	sdelay $0x3  }
0x37: {  	[smem:$0x3FBA] =	sst s10  }
0x38: {  	s10 =	sld [smem:$0x3FBB]  }
0x39: {  	_ = 	snop;
	(pc) =	sbr.ind lr, $3  }
0x3a: {  	_ = 	snop  }
0x3b: {  	_ = 	snop  }
0x3c: {  	p2 =	seq.s32 s10, $0x1;
	s10 =	sld [smem:$0x3FBA]  }
0x3d: {  	_ =	shalt  }
0x3e: {  	_ =	shalt  }
0x3f: {  	_ =	shalt  }
0x40: {  	_ =	shalt  }
0x41: {  	_ =	shalt  }
0x42: {  	_ =	shalt  }
0x43: {  	_ =	shalt  }
0x44: {  	_ =	shalt  }
0x45: {  	_ =	shalt  }
0x46: {  	_ =	shalt  }
0x47: {  	_ =	shalt  }
0x48: {  	_ =	shalt  }
0x49: {  	_ =	shalt  }
0x4a: {  	_ =	shalt  }
0x4b: {  	_ =	shalt  }
0x4c: {  	_ =	shalt  }
0x4d: {  	_ =	shalt  }
0x4e: {  	_ =	shalt  }
0x4f: {  	_ =	shalt  }
0x50: {  	_ =	shalt  }
0x51: {  	_ =	shalt  }
0x52: {  	_ =	shalt  }
0x53: {  	_ =	shalt  }
0x54: {  	_ =	shalt  }
0x55: {  	_ =	shalt  }
0x56: {  	_ =	shalt  }
0x57: {  	_ =	shalt  }
0x58: {  	_ =	shalt  }
0x59: {  	_ =	shalt  }
0x5a: {  	_ =	shalt  }
0x5b: {  	_ =	shalt  }
0x5c: {  	_ =	shalt  }
0x5d: {  	_ =	shalt  }
0x5e: {  	_ =	shalt  }
0x5f: {  	_ =	shalt  }
0x60: {  	_ =	shalt  }
0x61: {  	_ =	shalt  }
0x62: {  	_ =	shalt  }
0x63: {  	_ =	shalt  }
0x64: {  	_ =	shalt  }
0x65: {  	_ =	shalt  }
0x66: {  	_ =	shalt  }
0x67: {  	_ =	shalt  }
0x68: {  	_ =	shalt  }
0x69: {  	_ =	shalt  }
0x6a: {  	_ =	shalt  }
0x6b: {  	_ =	shalt  }
0x6c: {  	_ =	shalt  }
0x6d: {  	_ =	shalt  }
0x6e: {  	_ =	shalt  }
0x6f: {  	_ =	shalt  }
0x70: {  	_ =	shalt  }
0x71: {  	_ =	shalt  }
0x72: {  	_ =	shalt  }
0x73: {  	_ =	shalt  }
0x74: {  	_ =	shalt  }
0x75: {  	_ =	shalt  }
0x76: {  	_ =	shalt  }
0x77: {  	_ =	shalt  }
0x78: {  	_ =	shalt  }
0x79: {  	_ =	shalt  }
0x7a: {  	_ =	shalt  }
0x7b: {  	_ =	shalt  }
0x7c: {  	_ =	shalt  }
0x7d: {  	_ =	shalt  }
0x7e: {  	_ =	shalt  }
0x7f: {  	_ =	shalt  }
0x80: {  	_ =	shalt  }
0x81: {  	_ =	shalt  }
0x82: {  	_ =	shalt  }
0x83: {  	_ =	shalt  }
0x84: {  	_ =	shalt  }
0x85: {  	_ =	shalt  }
0x86: {  	_ =	shalt  }
0x87: {  	_ =	shalt  }
.Lfunc_end0:
.L_simem_size_0:
called_computation_lowered:
.L_overlay_start_0:
0x88: {  	s2 =	sld [smem:$0x3FD9]  }
0x89: {  	s3 =	sld [smem:$0x3FFE];
	_ =	sdelay $0x1  }
0x8a: {  	s1 =	srdreg.scid  }
0x8b: {  	s0 =	sand.u32 $0x1, s1  }
0x8c: {  	s17 =	sshll.u32 s0, $0xA;
	s2 =	sadd.s32 s3, s2  }
0x8d: {  	s2 =	sadd.s32 s2, s17  }
0x8e: {  	[smem:$0x3FC6] =	sst s2  }
0x8f: {  	_ = 	snop  }
0x90: {  	s2 =	sld [smem:$0x3FC9]  }
0x91: {  	s18 =	sld [smem:$0x3FC8];
	(tm) =	ssettm $0x1  }
0x92: {  	s4 =	sld [smem:$0x3FFB];
	_ =	sdelay $0x3  }
0x93: {  	_ =	strace s4  }
0x94: {  	s4 =	sld [smem:$0x3FFC];
	_ =	sdelay $0x3  }
0x95: {  	_ =	strace s4  }
0x96: {  	s4 =	sld [smem:$0x3FFD];
	_ =	sdelay $0x3  }
0x97: {  	_ =	strace s4  }
0x98: {  	_ =	strace $0x8FFFFFFF  }
0x99: {  	s19 =	sld [smem:$0x3FDB];
	_ =	sdelay $0x1  }
0x9a: {  	s5 =	simm.s32 $_scs_section_size  }
0x9b: {  	s6 =	simm.s32 $_size__tile_overlayer_lowered;
	s7 =	simm.s32 $_tile_overlayer_lowered  }
0x9c: {  	s22 =	simm.s32 $0x1BFF;
	s21 =	sshll.u32 s7, $0x1;
	s4 =	sadd.s32 s5, s19  }
0x9d: {  	s8 =	simm.s32 $0x0;
	s20 =	sshll.u32 s6, $0x1;
	s6 =	sadd.s32 s21, s4  }
0x9e: {  	[timem:s8], [sflag:s22] =	dma.local [hbm:s6], s20  }
0x9f: {  	_ =	swait.ge [sflag:s22], s20  }
0xa0: {  	s5 =	ssub.s32 $0x0, s20;
	[sflag:s22] =	ssyncset.done $0x0  }
0xa1: {  	[sflag:s22] =	ssyncadd.s32 s5;
	_ =	sdelay $0x1  }
0xa2: {  	s23 =	simm.s32 $0x1B8B  }
0xa3: {  	_ =	swait.ge [sflag:s23], $0x1  }
0xa4: {  	[sflag:s23] =	ssyncset.done $0x0  }
0xa5: {  	s25 =	simm.s32 $0x1B8E;
	s24 =	sld [smem:$0x3FFE];
	[sflag:s23] =	ssyncadd.s32 $0xFFFFFFFF  }
0xa6: {  	s26 =	simm.s32 $execute0_lowered;
	[smem:$0x3FD2] =	sst s25  }
0xa7: {  	s6 =	sshll.u32 s26, $0x1;
	_ =	strace $0x80000046;
	[dreg:$0x1] =	wrdreg $0xFFFFFFFF  }
0xa8: {  	s28 =	simm.s32 $_size_execute0_lowered;
	s4 =	sadd.s32 s4, s6;
	[dreg:$0x0] =	wrdreg $0x0  }
0xa9: {  	s6 =	sshll.u32 s28, $0x1;
	[dreg:$0x2] =	wrdreg s4  }
0xaa: {  	[dreg:$0x3] =	wrdreg s6  }
0xab: {  	[dreg:$0x4] =	wrdreg $0xC0  }
0xac: {  	_ =	task [dreg:s8], $0x5FFFF  }
0xad: {  	[dreg:$0x1] =	wrdreg $0xFFFFFFFF  }
0xae: {  	[dreg:$0x0] =	wrdreg $0x60  }
0xaf: {  	[dreg:$0x2] =	wrdreg s2  }
0xb0: {  	[dreg:$0x3] =	wrdreg s18  }
0xb1: {  	[dreg:$0x4] =	wrdreg s24  }
0xb2: {  	[dreg:$0x5] =	wrdreg $0x9  }
0xb3: {  	_ =	task.clear_ibuf [dreg:s8], $0x6FFFF;
	_ =	strace $0x90000046  }
0xb4: {  	s29 =	simm.s32 $0x9;
	_ =	strace $0x80000048  }
0xb5: {  	_ =	swait.ge [sflag:s29], $0x1  }
0xb6: {  	[sflag:s29] =	ssyncadd.s32 $0xFFFFFFFF  }
0xb7: {  	_ =	strace $0x90000048  }
0xb8: {  	_ =	sfence  }
0xb9: {  	s30 =	sld [smem:$0x0];
	_ =	sdelay $0x2  }
0xba: {  	s31 =	sshll.u32 s1, $0xD;
	s1 =	sshrl.u32 s1, $0x2  }
0xbb: {  	s3 =	sand.u32 $0x4000, s31;
	s1 =	sadd.s32 s1, s30  }
0xbc: {  	s0 =	sor.u32 s3, s0;
	s1 =	sshll.u32 s1, $0x11  }
0xbd: {  	s0 =	sor.u32 s1, s0  }
0xbe: {  	s0 =	sadd.s32 $0x8F2B, s0  }
0xbf: {  	[sflag:s0] =	ssyncadd.remote.s32 $0x1  }
0xc0: {  	_ =	sfence.sel $0xFFFF  }
0xc1: {  	[dreg:$0x0] =	wrdreg $0xFFFFFFFF;
	(pc) =	sbr.abs _section_cstart, $3  }
0xc2: {  	[dreg:$0x1] =	wrdreg $0xFFFFFFFF  }
0xc3: {  	_ =	task.clear_ibuf [dreg:s8], $0x2FFFF;
	_ =	strace $0x9FFFFFFF  }
0xc4: {  	(tm) =	ssettm $0x7FFFFFFF  }
0xc5: {  	_ =	shalt  }
tec
execute0_lowered:
.L_overlay_start_1:
0x0: {  	(tag) =	ssettag $0x1  }
0x1: {  	s4 =	rddreg [dreg:$0x0]  }
0x2: {  	s1 =	srdreg.scid;
	s2 =	rddreg [dreg:$0x1]  }
0x3: {  	s0 =	stileid.u32;
	s6 =	rddreg [dreg:$0x2];
	s3 =	simm.s32 $0x0  }
0x4: {  	s14 =	simm.s32 $0x18000;
	s15 =	simm.s32 $0x3;
	s16 =	simm.s32 $0xC000  }
0x5: {  	s17 =	simm.s32 $0x1;
	s5 =	sand.u32 $0x1, s1;
	s31 =	sshll.u32 s0, $0x1  }
0x6: {  	s18 =	simm.s32 $0x2;
	s19 =	simm.s32 $0x18080;
	s7 =	sor.u32 s5, s31  }
0x7: {  	s20 =	simm.s32 $0x0;
	[smem:$0x7FF] =	sst s3;
	s8 =	smul.u32 $0x60000, s7  }
0x8: {  	s1 =	rddreg [dreg:$0x3];
	_ =	strace $0x80000047;
	s5 =	ssub.s32 $0x2, s5  }
0x9: {  	s7 =	sshll.u32 s7, $0x4;
	s9 =	sshrl.u32 s5, $0x1;
	s8 =	sshrl.u32 s8, $0x3  }
0xa: {  	s12 =	sadd.s32 s7, s6;
	s13 =	ssub.s32 s5, s9;
	s4 =	sadd.s32 s4, s8  }
0xb: {  	s12 =	sadd.s32 $0x800, s12;
	s13 =	smax.u32 s13, $0x1;
	s5 =	sadd.s32 $0x1800, s4  }
0xc: {  	s6 =	sadd.s32 $0x3000, s4;
	s7 =	sadd.s32 $0x4800, s4;
	s8 =	sadd.s32 $0x6000, s4  }
0xd: {  	s9 =	sadd.s32 $0x7800, s4;
	s10 =	sadd.s32 $0x9000, s4;
	s11 =	sadd.s32 $0xA800, s4  }
.LBB2_1:
0xe: {  	[tilespmem:s14], [sflag:$0x3] =	stream.linear.gather [hbm4b:s2+s3], $0x80, $0x38;
	[tilespmem:$0x18100] =	vst v63  }
0xf: {  	_ =	swait.ge [sflag:s15], $0x80  }
0x10: {  	[sflag:s15] =	ssyncset.done $0x0  }
0x11: {  	[sflag:s15] =	ssyncadd.s32 $0xFFFFFF80  }
0x12: {  	[tilespmem:s3], [sflag:$0x1] =	stream.linear.gather [hbm4b:s4+s3], $0xC000, $0x38;
	[tilespmem:$0x18100] =	vst v63  }
0x13: {  	_ = 	snop  }
0x14: {  	[tilespmem:s16], [sflag:$0x2] =	stream.linear.gather [hbm4b:s5+s3], $0xC000, $0x38;
	[tilespmem:$0x18100] =	vst v63  }
0x15: {  	_ =	swait.ge [sflag:s17], $0xC000  }
0x16: {  	[sflag:s17] =	ssyncset.done $0x0  }
0x17: {  	s21 =	simm.s32 $0x0;
	[sflag:s17] =	ssyncadd.s32 $0xFFFF4000  }
0x18: {  	v7 =	vld [tilespmem:s21+$0x180]  }
0x19: {  	v10 =	vld [tilespmem:s21+$0x190]  }
0x1a: {  	v11 =	vld [tilespmem:s21+$0x1A0]  }
0x1b: {  	v13 =	vld [tilespmem:s21+$0x1B0]  }
0x1c: {  	v1 =	vld [tilespmem:s21+$0x1C0]  }
0x1d: {  	v3 =	vld [tilespmem:s21+$0x1D0]  }
0x1e: {  	v12 =	vld [tilespmem:s21+$0x100]  }
0x1f: {  	v23 =	vld [tilespmem:s21+$0x110]  }
0x20: {  	v6 =	vld [tilespmem:s21+$0x120]  }
0x21: {  	v21 =	vld [tilespmem:s21+$0x130]  }
0x22: {  	v5 =	vld [tilespmem:s21+$0x140]  }
0x23: {  	v0 =	vld [tilespmem:s21+$0x80]  }
0x24: {  	v2 =	vld [tilespmem:s21+$0x90]  }
0x25: {  	v4 =	vld [tilespmem:s21+$0x0]  }
0x26: {  	v8 =	vld [tilespmem:s21+$0x10]  }
0x27: {  	v9 =	vld [tilespmem:s21+$0x20]  }
0x28: {  	v14 =	vld [tilespmem:s21+$0x30]  }
0x29: {  	v17 =	vld [tilespmem:s21+$0xA0]  }
0x2a: {  	v18 =	vld [tilespmem:s21+$0xB0]  }
0x2b: {  	v16 =	vimm.f32 $0.0e+00;
	v15 =	vld [tilespmem:s21+$0x150]  }
0x2c: {  	v25 =	vld [tilespmem:s21+$0xC0];
	v4 =	vadd.f32 v4, v16  }
0x2d: {  	v27 =	vld [tilespmem:s21+$0xD0];
	v8 =	vadd.f32 v8, v16;
	v9 =	vadd.f32 v9, v16  }
0x2e: {  	v28 =	vld [tilespmem:s21+$0x40];
	v14 =	vadd.f32 v14, v16;
	v26 =	vadd.f32 v0, v4  }
0x2f: {  	v19 =	vimm.f32 $0.0e+00;
	v29 =	vld [tilespmem:s21+$0x50];
	v31 =	vadd.f32 v2, v8;
	v32 =	vadd.f32 v17, v9  }
0x30: {  	s22 =	simm.s32 $0x800;
	v30 =	vld [tilespmem:s21+$0x60];
	v33 =	vadd.f32 v18, v14;
	v17 =	vimm.f32 $0.0e+00;
	v18 =	vimm.f32 $0.0e+00  }
.LBB2_2:
0x31: {  	p0 =	sne.s32 s22, $0x2F800;
	v0 =	vld [tilespmem:s21+$0x70];
	v2 =	vadd.f32 v12, v26;
	v4 =	vadd.f32 v23, v31  }
0x32: {  	v8 =	vld [tilespmem:s21+$0xE0];
	v6 =	vadd.f32 v6, v32;
	v9 =	vadd.f32 v21, v33  }
0x33: {  	v12 =	vld [tilespmem:s21+$0xF0];
	v2 =	vadd.f32 v7, v2;
	v4 =	vadd.f32 v10, v4  }
0x34: {  	v14 =	vld [tilespmem:s21+$0x160];
	v20 =	vadd.f32 v11, v6;
	v9 =	vadd.f32 v13, v9  }
0x35: {  	v6 =	vadd.f32 v28, v16;
	v7 =	vadd.f32 v29, v19;
	v13 =	vld [tilespmem:s21+$0x170]  }
0x36: {  	v10 =	vadd.f32 v30, v17;
	v0 =	vadd.f32 v0, v18;
	v17 =	vld [tilespmem:s21+$0x1E0]  }
0x37: {  	v6 =	vadd.f32 v25, v6;
	v11 =	vadd.f32 v27, v7;
	v18 =	vld [tilespmem:s21+$0x1F0];
	s21 =	sshra.s32 s22, $0x2  }
0x38: {  	v8 =	vadd.f32 v8, v10;
	v7 =	vld [tilespmem:s21+$0x180];
	v0 =	vadd.f32 v12, v0  }
0x39: {  	v5 =	vadd.f32 v5, v6;
	v6 =	vadd.f32 v15, v11;
	v10 =	vld [tilespmem:s21+$0x190]  }
0x3a: {  	v8 =	vadd.f32 v14, v8;
	v11 =	vld [tilespmem:s21+$0x1A0];
	v0 =	vadd.f32 v13, v0  }
0x3b: {  	v16 =	vadd.f32 v1, v5;
	v19 =	vadd.f32 v3, v6;
	v13 =	vld [tilespmem:s21+$0x1B0]  }
0x3c: {  	v17 =	vadd.f32 v17, v8;
	v1 =	vld [tilespmem:s21+$0x1C0];
	v18 =	vadd.f32 v18, v0  }
0x3d: {  	v3 =	vld [tilespmem:s21+$0x1D0]  }
0x3e: {  	v12 =	vld [tilespmem:s21+$0x100]  }
0x3f: {  	v23 =	vld [tilespmem:s21+$0x110]  }
0x40: {  	v6 =	vld [tilespmem:s21+$0x120]  }
0x41: {  	v21 =	vld [tilespmem:s21+$0x130]  }
0x42: {  	v5 =	vld [tilespmem:s21+$0x140]  }
0x43: {  	v15 =	vld [tilespmem:s21+$0x150]  }
0x44: {  	v0 =	vld [tilespmem:s21+$0x80]  }
0x45: {  	v8 =	vld [tilespmem:s21+$0x90]  }
0x46: {  	v14 =	vld [tilespmem:s21+$0x0]  }
0x47: {  	v22 =	vld [tilespmem:s21+$0x10]  }
0x48: {  	v24 =	vld [tilespmem:s21+$0x20]  }
0x49: {  	v26 =	vld [tilespmem:s21+$0x30]  }
0x4a: {  	v32 =	vld [tilespmem:s21+$0xA0]  }
0x4b: {  	v33 =	vld [tilespmem:s21+$0xB0]  }
.Ltmp0:
0x4c: {  	v25 =	vld [tilespmem:s21+$0xC0];
	(pc) =	sbr.rel @p0 .LBB2_2-.Ltmp0, $4  }
0x4d: {  	v2 =	vadd.f32 v14, v2;
	v4 =	vadd.f32 v22, v4;
	v27 =	vld [tilespmem:s21+$0xD0]  }
0x4e: {  	v14 =	vadd.f32 v24, v20;
	v9 =	vadd.f32 v26, v9;
	v28 =	vld [tilespmem:s21+$0x40]  }
0x4f: {  	v26 =	vadd.f32 v0, v2;
	v31 =	vadd.f32 v8, v4;
	v29 =	vld [tilespmem:s21+$0x50]  }
0x50: {  	s22 =	sadd.s32 $0x800, s22;
	v32 =	vadd.f32 v32, v14;
	v30 =	vld [tilespmem:s21+$0x60];
	v33 =	vadd.f32 v33, v9  }
0x51: {  	v34 =	vld [tilespmem:s21+$0x70]  }
0x52: {  	v35 =	vld [tilespmem:s21+$0xE0]  }
0x53: {  	v36 =	vld [tilespmem:s21+$0xF0]  }
0x54: {  	v37 =	vld [tilespmem:s21+$0x160]  }
0x55: {  	v38 =	vld [tilespmem:s21+$0x170]  }
0x56: {  	v39 =	vld [tilespmem:s21+$0x1E0];
	s31 =	simm.s32 $0x0  }
0x57: {  	v40 =	vld [tilespmem:s21+$0x1F0];
	[tilespmem:s31], [sflag:$0x1] =	stream.linear.gather [hbm4b:s6+s31], $0xC000, $0x38  }
0x58: {  	_ =	swait.ge [sflag:s18], $0xC000  }
0x59: {  	[sflag:s18] =	ssyncset.done $0x0  }
0x5a: {  	s21 =	simm.s32 $0x0;
	[sflag:s18] =	ssyncadd.s32 $0xFFFF4000  }
0x5b: {  	v4 =	vld [tilespmem:s21+$0xC180]  }
0x5c: {  	v8 =	vld [tilespmem:s21+$0xC190]  }
0x5d: {  	v9 =	vld [tilespmem:s21+$0xC1A0]  }
0x5e: {  	v14 =	vld [tilespmem:s21+$0xC1B0]  }
0x5f: {  	v0 =	vld [tilespmem:s21+$0xC1C0]  }
0x60: {  	v2 =	vld [tilespmem:s21+$0xC1D0]  }
0x61: {  	v22 =	vld [tilespmem:s21+$0xC100]  }
0x62: {  	v24 =	vld [tilespmem:s21+$0xC110]  }
0x63: {  	v20 =	vld [tilespmem:s21+$0xC120]  }
0x64: {  	v12 =	vadd.f32 v12, v26;
	v23 =	vadd.f32 v23, v31;
	v26 =	vld [tilespmem:s21+$0xC130]  }
0x65: {  	v31 =	vadd.f32 v6, v32;
	v21 =	vadd.f32 v21, v33;
	v6 =	vld [tilespmem:s21+$0xC140]  }
0x66: {  	v7 =	vadd.f32 v7, v12;
	v10 =	vadd.f32 v10, v23;
	v12 =	vld [tilespmem:s21+$0xC150]  }
0x67: {  	v16 =	vadd.f32 v28, v16;
	v13 =	vadd.f32 v13, v21;
	v21 =	vld [tilespmem:s21+$0xC080]  }
0x68: {  	v11 =	vadd.f32 v11, v31;
	v19 =	vadd.f32 v29, v19;
	v23 =	vld [tilespmem:s21+$0xC090]  }
0x69: {  	v17 =	vadd.f32 v30, v17;
	v16 =	vadd.f32 v25, v16;
	v29 =	vld [tilespmem:s21+$0xC000]  }
0x6a: {  	v18 =	vadd.f32 v34, v18;
	v19 =	vadd.f32 v27, v19;
	v25 =	vld [tilespmem:s21+$0xC010]  }
0x6b: {  	v27 =	vld [tilespmem:s21+$0xC020];
	v17 =	vadd.f32 v35, v17;
	v5 =	vadd.f32 v5, v16  }
0x6c: {  	v30 =	vld [tilespmem:s21+$0xC030];
	v18 =	vadd.f32 v36, v18;
	v15 =	vadd.f32 v15, v19  }
0x6d: {  	v63 =	vld [tilespmem:s21+$0xC0A0];
	v19 =	vadd.f32 v37, v17;
	v16 =	vadd.f32 v1, v5  }
0x6e: {  	v1 =	vld [tilespmem:s21+$0xC0B0];
	v28 =	vadd.f32 v38, v18;
	v17 =	vadd.f32 v3, v15  }
0x6f: {  	v31 =	vld [tilespmem:s21+$0xC050];
	v18 =	vadd.f32 v39, v19;
	v3 =	vadd.f32 v29, v7  }
0x70: {  	v32 =	vld [tilespmem:s21+$0xC060];
	v5 =	vadd.f32 v25, v10;
	v10 =	vadd.f32 v27, v11  }
0x71: {  	v29 =	vld [tilespmem:s21+$0xC0D0];
	v11 =	vadd.f32 v30, v13;
	v19 =	vadd.f32 v40, v28  }
0x72: {  	v30 =	vld [tilespmem:s21+$0xC040];
	v7 =	vadd.f32 v21, v3;
	v13 =	vadd.f32 v23, v5  }
0x73: {  	s22 =	simm.s32 $0x800;
	v28 =	vld [tilespmem:s21+$0xC0C0];
	v33 =	vadd.f32 v63, v10;
	v34 =	vadd.f32 v1, v11  }
.LBB2_4:
0x74: {  	p0 =	sne.s32 s22, $0x2F800;
	v1 =	vld [tilespmem:s21+$0xC070];
	v3 =	vadd.f32 v22, v7;
	v5 =	vadd.f32 v24, v13  }
0x75: {  	v7 =	vld [tilespmem:s21+$0xC0E0];
	v10 =	vadd.f32 v20, v33;
	v11 =	vadd.f32 v26, v34  }
0x76: {  	v13 =	vld [tilespmem:s21+$0xC0F0];
	v3 =	vadd.f32 v4, v3;
	v5 =	vadd.f32 v8, v5  }
0x77: {  	v15 =	vld [tilespmem:s21+$0xC160];
	v10 =	vadd.f32 v9, v10;
	v11 =	vadd.f32 v14, v11  }
0x78: {  	v4 =	vadd.f32 v30, v16;
	v8 =	vadd.f32 v31, v17;
	v14 =	vld [tilespmem:s21+$0xC170]  }
0x79: {  	v9 =	vadd.f32 v32, v18;
	v1 =	vadd.f32 v1, v19;
	v18 =	vld [tilespmem:s21+$0xC1E0]  }
0x7a: {  	v16 =	vadd.f32 v28, v4;
	v17 =	vadd.f32 v29, v8;
	v19 =	vld [tilespmem:s21+$0xC1F0];
	s21 =	sshra.s32 s22, $0x2  }
0x7b: {  	v7 =	vadd.f32 v7, v9;
	v4 =	vld [tilespmem:s21+$0xC180];
	v1 =	vadd.f32 v13, v1  }
0x7c: {  	v6 =	vadd.f32 v6, v16;
	v12 =	vadd.f32 v12, v17;
	v8 =	vld [tilespmem:s21+$0xC190]  }
0x7d: {  	v7 =	vadd.f32 v15, v7;
	v9 =	vld [tilespmem:s21+$0xC1A0];
	v1 =	vadd.f32 v14, v1  }
0x7e: {  	v16 =	vadd.f32 v0, v6;
	v17 =	vadd.f32 v2, v12;
	v14 =	vld [tilespmem:s21+$0xC1B0]  }
0x7f: {  	v18 =	vadd.f32 v18, v7;
	v0 =	vld [tilespmem:s21+$0xC1C0];
	v19 =	vadd.f32 v19, v1  }
0x80: {  	v2 =	vld [tilespmem:s21+$0xC1D0]  }
0x81: {  	v22 =	vld [tilespmem:s21+$0xC100]  }
0x82: {  	v24 =	vld [tilespmem:s21+$0xC110]  }
0x83: {  	v20 =	vld [tilespmem:s21+$0xC120]  }
0x84: {  	v26 =	vld [tilespmem:s21+$0xC130]  }
0x85: {  	v6 =	vld [tilespmem:s21+$0xC140]  }
0x86: {  	v12 =	vld [tilespmem:s21+$0xC150]  }
0x87: {  	v1 =	vld [tilespmem:s21+$0xC080]  }
0x88: {  	v13 =	vld [tilespmem:s21+$0xC090]  }
0x89: {  	v7 =	vld [tilespmem:s21+$0xC000]  }
0x8a: {  	v15 =	vld [tilespmem:s21+$0xC010]  }
0x8b: {  	v21 =	vld [tilespmem:s21+$0xC020]  }
0x8c: {  	v23 =	vld [tilespmem:s21+$0xC030]  }
0x8d: {  	v25 =	vld [tilespmem:s21+$0xC0A0]  }
0x8e: {  	v27 =	vld [tilespmem:s21+$0xC0B0]  }
.Ltmp1:
0x8f: {  	v28 =	vld [tilespmem:s21+$0xC0C0];
	(pc) =	sbr.rel @p0 .LBB2_4-.Ltmp1, $4  }
0x90: {  	v3 =	vadd.f32 v7, v3;
	v5 =	vadd.f32 v15, v5;
	v29 =	vld [tilespmem:s21+$0xC0D0]  }
0x91: {  	v10 =	vadd.f32 v21, v10;
	v11 =	vadd.f32 v23, v11;
	v30 =	vld [tilespmem:s21+$0xC040]  }
0x92: {  	v7 =	vadd.f32 v1, v3;
	v13 =	vadd.f32 v13, v5;
	v31 =	vld [tilespmem:s21+$0xC050]  }
0x93: {  	s22 =	sadd.s32 $0x800, s22;
	v33 =	vadd.f32 v25, v10;
	v32 =	vld [tilespmem:s21+$0xC060];
	v34 =	vadd.f32 v27, v11  }
0x94: {  	v35 =	vld [tilespmem:s21+$0xC070]  }
0x95: {  	v36 =	vld [tilespmem:s21+$0xC0E0]  }
0x96: {  	v37 =	vld [tilespmem:s21+$0xC0F0]  }
0x97: {  	v38 =	vld [tilespmem:s21+$0xC160]  }
0x98: {  	v39 =	vld [tilespmem:s21+$0xC170]  }
0x99: {  	v40 =	vld [tilespmem:s21+$0xC1E0];
	s31 =	simm.s32 $0x0  }
0x9a: {  	v41 =	vld [tilespmem:s21+$0xC1F0];
	[tilespmem:s16], [sflag:$0x2] =	stream.linear.gather [hbm4b:s7+s31], $0xC000, $0x38  }
0x9b: {  	_ =	swait.ge [sflag:s17], $0xC000  }
0x9c: {  	[sflag:s17] =	ssyncset.done $0x0  }
0x9d: {  	s21 =	simm.s32 $0x0;
	[sflag:s17] =	ssyncadd.s32 $0xFFFF4000  }
0x9e: {  	v5 =	vld [tilespmem:s21+$0x180]  }
0x9f: {  	v10 =	vld [tilespmem:s21+$0x190]  }
0xa0: {  	v11 =	vld [tilespmem:s21+$0x1A0]  }
0xa1: {  	v15 =	vld [tilespmem:s21+$0x1B0]  }
0xa2: {  	v1 =	vld [tilespmem:s21+$0x1C0]  }
0xa3: {  	v3 =	vld [tilespmem:s21+$0x1D0]  }
0xa4: {  	v23 =	vld [tilespmem:s21+$0x100]  }
0xa5: {  	v25 =	vld [tilespmem:s21+$0x110]  }
0xa6: {  	v21 =	vld [tilespmem:s21+$0x120]  }
0xa7: {  	v22 =	vadd.f32 v22, v7;
	v13 =	vadd.f32 v24, v13;
	v27 =	vld [tilespmem:s21+$0x130]  }
0xa8: {  	v20 =	vadd.f32 v20, v33;
	v24 =	vadd.f32 v26, v34;
	v7 =	vld [tilespmem:s21+$0x140]  }
0xa9: {  	v4 =	vadd.f32 v4, v22;
	v8 =	vadd.f32 v8, v13;
	v13 =	vld [tilespmem:s21+$0x150]  }
0xaa: {  	v16 =	vadd.f32 v30, v16;
	v9 =	vadd.f32 v9, v20;
	v20 =	vld [tilespmem:s21+$0x80]  }
0xab: {  	v14 =	vadd.f32 v14, v24;
	v17 =	vadd.f32 v31, v17;
	v22 =	vld [tilespmem:s21+$0x90]  }
0xac: {  	v18 =	vadd.f32 v32, v18;
	v16 =	vadd.f32 v28, v16;
	v24 =	vld [tilespmem:s21+$0x0]  }
0xad: {  	v19 =	vadd.f32 v35, v19;
	v17 =	vadd.f32 v29, v17;
	v26 =	vld [tilespmem:s21+$0x10]  }
0xae: {  	v30 =	vld [tilespmem:s21+$0x20];
	v18 =	vadd.f32 v36, v18;
	v6 =	vadd.f32 v6, v16  }
0xaf: {  	v31 =	vld [tilespmem:s21+$0x30];
	v19 =	vadd.f32 v37, v19;
	v12 =	vadd.f32 v12, v17  }
0xb0: {  	v63 =	vld [tilespmem:s21+$0xA0];
	v18 =	vadd.f32 v38, v18;
	v16 =	vadd.f32 v0, v6  }
0xb1: {  	v0 =	vld [tilespmem:s21+$0xB0];
	v19 =	vadd.f32 v39, v19;
	v17 =	vadd.f32 v2, v12  }
0xb2: {  	v28 =	vld [tilespmem:s21+$0xC0];
	v18 =	vadd.f32 v40, v18;
	v2 =	vadd.f32 v24, v4  }
0xb3: {  	v29 =	vld [tilespmem:s21+$0xD0];
	v4 =	vadd.f32 v26, v8;
	v8 =	vadd.f32 v30, v9  }
0xb4: {  	v32 =	vld [tilespmem:s21+$0x60];
	v9 =	vadd.f32 v31, v14;
	v19 =	vadd.f32 v41, v19  }
0xb5: {  	v30 =	vld [tilespmem:s21+$0x40];
	v6 =	vadd.f32 v20, v2;
	v12 =	vadd.f32 v22, v4  }
0xb6: {  	s22 =	simm.s32 $0x800;
	v31 =	vld [tilespmem:s21+$0x50];
	v33 =	vadd.f32 v63, v8;
	v34 =	vadd.f32 v0, v9  }
.LBB2_6:
0xb7: {  	p0 =	sne.s32 s22, $0x2F800;
	v0 =	vld [tilespmem:s21+$0x70];
	v2 =	vadd.f32 v23, v6;
	v4 =	vadd.f32 v25, v12  }
0xb8: {  	v6 =	vld [tilespmem:s21+$0xE0];
	v8 =	vadd.f32 v21, v33;
	v9 =	vadd.f32 v27, v34  }
0xb9: {  	v12 =	vld [tilespmem:s21+$0xF0];
	v2 =	vadd.f32 v5, v2;
	v4 =	vadd.f32 v10, v4  }
0xba: {  	v14 =	vld [tilespmem:s21+$0x160];
	v8 =	vadd.f32 v11, v8;
	v9 =	vadd.f32 v15, v9  }
0xbb: {  	v5 =	vadd.f32 v30, v16;
	v10 =	vadd.f32 v31, v17;
	v15 =	vld [tilespmem:s21+$0x170]  }
0xbc: {  	v11 =	vadd.f32 v32, v18;
	v0 =	vadd.f32 v0, v19;
	v18 =	vld [tilespmem:s21+$0x1E0]  }
0xbd: {  	v16 =	vadd.f32 v28, v5;
	v17 =	vadd.f32 v29, v10;
	v19 =	vld [tilespmem:s21+$0x1F0];
	s21 =	sshra.s32 s22, $0x2  }
0xbe: {  	v6 =	vadd.f32 v6, v11;
	v5 =	vld [tilespmem:s21+$0x180];
	v0 =	vadd.f32 v12, v0  }
0xbf: {  	v7 =	vadd.f32 v7, v16;
	v12 =	vadd.f32 v13, v17;
	v10 =	vld [tilespmem:s21+$0x190]  }
0xc0: {  	v6 =	vadd.f32 v14, v6;
	v11 =	vld [tilespmem:s21+$0x1A0];
	v0 =	vadd.f32 v15, v0  }
0xc1: {  	v16 =	vadd.f32 v1, v7;
	v17 =	vadd.f32 v3, v12;
	v15 =	vld [tilespmem:s21+$0x1B0]  }
0xc2: {  	v18 =	vadd.f32 v18, v6;
	v1 =	vld [tilespmem:s21+$0x1C0];
	v19 =	vadd.f32 v19, v0  }
0xc3: {  	v3 =	vld [tilespmem:s21+$0x1D0]  }
0xc4: {  	v23 =	vld [tilespmem:s21+$0x100]  }
0xc5: {  	v25 =	vld [tilespmem:s21+$0x110]  }
0xc6: {  	v21 =	vld [tilespmem:s21+$0x120]  }
0xc7: {  	v27 =	vld [tilespmem:s21+$0x130]  }
0xc8: {  	v7 =	vld [tilespmem:s21+$0x140]  }
0xc9: {  	v13 =	vld [tilespmem:s21+$0x150]  }
0xca: {  	v0 =	vld [tilespmem:s21+$0x80]  }
0xcb: {  	v12 =	vld [tilespmem:s21+$0x90]  }
0xcc: {  	v6 =	vld [tilespmem:s21+$0x0]  }
0xcd: {  	v14 =	vld [tilespmem:s21+$0x10]  }
0xce: {  	v20 =	vld [tilespmem:s21+$0x20]  }
0xcf: {  	v22 =	vld [tilespmem:s21+$0x30]  }
0xd0: {  	v24 =	vld [tilespmem:s21+$0xA0]  }
0xd1: {  	v26 =	vld [tilespmem:s21+$0xB0]  }
.Ltmp2:
0xd2: {  	v28 =	vld [tilespmem:s21+$0xC0];
	(pc) =	sbr.rel @p0 .LBB2_6-.Ltmp2, $4  }
0xd3: {  	v2 =	vadd.f32 v6, v2;
	v4 =	vadd.f32 v14, v4;
	v29 =	vld [tilespmem:s21+$0xD0]  }
0xd4: {  	v8 =	vadd.f32 v20, v8;
	v9 =	vadd.f32 v22, v9;
	v30 =	vld [tilespmem:s21+$0x40]  }
0xd5: {  	v6 =	vadd.f32 v0, v2;
	v12 =	vadd.f32 v12, v4;
	v31 =	vld [tilespmem:s21+$0x50]  }
0xd6: {  	s22 =	sadd.s32 $0x800, s22;
	v33 =	vadd.f32 v24, v8;
	v32 =	vld [tilespmem:s21+$0x60];
	v34 =	vadd.f32 v26, v9  }
0xd7: {  	v35 =	vld [tilespmem:s21+$0x70]  }
0xd8: {  	v36 =	vld [tilespmem:s21+$0xE0]  }
0xd9: {  	v37 =	vld [tilespmem:s21+$0xF0]  }
0xda: {  	v38 =	vld [tilespmem:s21+$0x160]  }
0xdb: {  	v39 =	vld [tilespmem:s21+$0x170]  }
0xdc: {  	v40 =	vld [tilespmem:s21+$0x1E0];
	s31 =	simm.s32 $0x0  }
0xdd: {  	v41 =	vld [tilespmem:s21+$0x1F0];
	[tilespmem:s31], [sflag:$0x1] =	stream.linear.gather [hbm4b:s8+s31], $0xC000, $0x38  }
0xde: {  	_ =	swait.ge [sflag:s18], $0xC000  }
0xdf: {  	[sflag:s18] =	ssyncset.done $0x0  }
0xe0: {  	s21 =	simm.s32 $0x0;
	[sflag:s18] =	ssyncadd.s32 $0xFFFF4000  }
0xe1: {  	v4 =	vld [tilespmem:s21+$0xC180]  }
0xe2: {  	v8 =	vld [tilespmem:s21+$0xC190]  }
0xe3: {  	v9 =	vld [tilespmem:s21+$0xC1A0]  }
0xe4: {  	v14 =	vld [tilespmem:s21+$0xC1B0]  }
0xe5: {  	v0 =	vld [tilespmem:s21+$0xC1C0]  }
0xe6: {  	v2 =	vld [tilespmem:s21+$0xC1D0]  }
0xe7: {  	v22 =	vld [tilespmem:s21+$0xC100]  }
0xe8: {  	v24 =	vld [tilespmem:s21+$0xC110]  }
0xe9: {  	v20 =	vld [tilespmem:s21+$0xC120]  }
0xea: {  	v23 =	vadd.f32 v23, v6;
	v12 =	vadd.f32 v25, v12;
	v26 =	vld [tilespmem:s21+$0xC130]  }
0xeb: {  	v21 =	vadd.f32 v21, v33;
	v25 =	vadd.f32 v27, v34;
	v6 =	vld [tilespmem:s21+$0xC140]  }
0xec: {  	v5 =	vadd.f32 v5, v23;
	v10 =	vadd.f32 v10, v12;
	v12 =	vld [tilespmem:s21+$0xC150]  }
0xed: {  	v16 =	vadd.f32 v30, v16;
	v11 =	vadd.f32 v11, v21;
	v21 =	vld [tilespmem:s21+$0xC080]  }
0xee: {  	v15 =	vadd.f32 v15, v25;
	v17 =	vadd.f32 v31, v17;
	v23 =	vld [tilespmem:s21+$0xC090]  }
0xef: {  	v18 =	vadd.f32 v32, v18;
	v16 =	vadd.f32 v28, v16;
	v25 =	vld [tilespmem:s21+$0xC000]  }
0xf0: {  	v19 =	vadd.f32 v35, v19;
	v17 =	vadd.f32 v29, v17;
	v28 =	vld [tilespmem:s21+$0xC010]  }
0xf1: {  	v29 =	vld [tilespmem:s21+$0xC020];
	v18 =	vadd.f32 v36, v18;
	v7 =	vadd.f32 v7, v16  }
0xf2: {  	v30 =	vld [tilespmem:s21+$0xC030];
	v19 =	vadd.f32 v37, v19;
	v13 =	vadd.f32 v13, v17  }
0xf3: {  	v63 =	vld [tilespmem:s21+$0xC0A0];
	v18 =	vadd.f32 v38, v18;
	v16 =	vadd.f32 v1, v7  }
0xf4: {  	v1 =	vld [tilespmem:s21+$0xC0B0];
	v19 =	vadd.f32 v39, v19;
	v17 =	vadd.f32 v3, v13  }
0xf5: {  	v27 =	vld [tilespmem:s21+$0xC0C0];
	v18 =	vadd.f32 v40, v18;
	v3 =	vadd.f32 v25, v5  }
0xf6: {  	v31 =	vld [tilespmem:s21+$0xC060];
	v5 =	vadd.f32 v28, v10;
	v10 =	vadd.f32 v29, v11  }
0xf7: {  	v28 =	vld [tilespmem:s21+$0xC0D0];
	v11 =	vadd.f32 v30, v15;
	v19 =	vadd.f32 v41, v19  }
0xf8: {  	v29 =	vld [tilespmem:s21+$0xC040];
	v7 =	vadd.f32 v21, v3;
	v13 =	vadd.f32 v23, v5  }
0xf9: {  	s22 =	simm.s32 $0x800;
	v30 =	vld [tilespmem:s21+$0xC050];
	v32 =	vadd.f32 v63, v10;
	v33 =	vadd.f32 v1, v11  }
.LBB2_8:
0xfa: {  	p0 =	sne.s32 s22, $0x2F800;
	v1 =	vld [tilespmem:s21+$0xC070];
	v3 =	vadd.f32 v22, v7;
	v5 =	vadd.f32 v24, v13  }
0xfb: {  	v7 =	vld [tilespmem:s21+$0xC0E0];
	v10 =	vadd.f32 v20, v32;
	v11 =	vadd.f32 v26, v33  }
0xfc: {  	v13 =	vld [tilespmem:s21+$0xC0F0];
	v3 =	vadd.f32 v4, v3;
	v5 =	vadd.f32 v8, v5  }
0xfd: {  	v15 =	vld [tilespmem:s21+$0xC160];
	v10 =	vadd.f32 v9, v10;
	v11 =	vadd.f32 v14, v11  }
0xfe: {  	v4 =	vadd.f32 v29, v16;
	v8 =	vadd.f32 v30, v17;
	v14 =	vld [tilespmem:s21+$0xC170]  }
0xff: {  	v9 =	vadd.f32 v31, v18;
	v1 =	vadd.f32 v1, v19;
	v18 =	vld [tilespmem:s21+$0xC1E0]  }
0x100: {  	v16 =	vadd.f32 v27, v4;
	v17 =	vadd.f32 v28, v8;
	v19 =	vld [tilespmem:s21+$0xC1F0];
	s21 =	sshra.s32 s22, $0x2  }
0x101: {  	v7 =	vadd.f32 v7, v9;
	v4 =	vld [tilespmem:s21+$0xC180];
	v1 =	vadd.f32 v13, v1  }
0x102: {  	v6 =	vadd.f32 v6, v16;
	v12 =	vadd.f32 v12, v17;
	v8 =	vld [tilespmem:s21+$0xC190]  }
0x103: {  	v7 =	vadd.f32 v15, v7;
	v9 =	vld [tilespmem:s21+$0xC1A0];
	v1 =	vadd.f32 v14, v1  }
0x104: {  	v16 =	vadd.f32 v0, v6;
	v17 =	vadd.f32 v2, v12;
	v14 =	vld [tilespmem:s21+$0xC1B0]  }
0x105: {  	v18 =	vadd.f32 v18, v7;
	v0 =	vld [tilespmem:s21+$0xC1C0];
	v19 =	vadd.f32 v19, v1  }
0x106: {  	v2 =	vld [tilespmem:s21+$0xC1D0]  }
0x107: {  	v22 =	vld [tilespmem:s21+$0xC100]  }
0x108: {  	v24 =	vld [tilespmem:s21+$0xC110]  }
0x109: {  	v20 =	vld [tilespmem:s21+$0xC120]  }
0x10a: {  	v26 =	vld [tilespmem:s21+$0xC130]  }
0x10b: {  	v6 =	vld [tilespmem:s21+$0xC140]  }
0x10c: {  	v12 =	vld [tilespmem:s21+$0xC150]  }
0x10d: {  	v1 =	vld [tilespmem:s21+$0xC080]  }
0x10e: {  	v13 =	vld [tilespmem:s21+$0xC090]  }
0x10f: {  	v7 =	vld [tilespmem:s21+$0xC000]  }
0x110: {  	v15 =	vld [tilespmem:s21+$0xC010]  }
0x111: {  	v21 =	vld [tilespmem:s21+$0xC020]  }
0x112: {  	v23 =	vld [tilespmem:s21+$0xC030]  }
0x113: {  	v25 =	vld [tilespmem:s21+$0xC0A0]  }
0x114: {  	v33 =	vld [tilespmem:s21+$0xC0B0]  }
.Ltmp3:
0x115: {  	v27 =	vld [tilespmem:s21+$0xC0C0];
	(pc) =	sbr.rel @p0 .LBB2_8-.Ltmp3, $4  }
0x116: {  	v3 =	vadd.f32 v7, v3;
	v5 =	vadd.f32 v15, v5;
	v28 =	vld [tilespmem:s21+$0xC0D0]  }
0x117: {  	v10 =	vadd.f32 v21, v10;
	v11 =	vadd.f32 v23, v11;
	v29 =	vld [tilespmem:s21+$0xC040]  }
0x118: {  	v7 =	vadd.f32 v1, v3;
	v13 =	vadd.f32 v13, v5;
	v30 =	vld [tilespmem:s21+$0xC050]  }
0x119: {  	s22 =	sadd.s32 $0x800, s22;
	v32 =	vadd.f32 v25, v10;
	v31 =	vld [tilespmem:s21+$0xC060];
	v33 =	vadd.f32 v33, v11  }
0x11a: {  	v34 =	vld [tilespmem:s21+$0xC070]  }
0x11b: {  	v35 =	vld [tilespmem:s21+$0xC0E0]  }
0x11c: {  	v36 =	vld [tilespmem:s21+$0xC0F0]  }
0x11d: {  	v37 =	vld [tilespmem:s21+$0xC160]  }
0x11e: {  	v38 =	vld [tilespmem:s21+$0xC170]  }
0x11f: {  	v39 =	vld [tilespmem:s21+$0xC1E0];
	s31 =	simm.s32 $0x0  }
0x120: {  	v40 =	vld [tilespmem:s21+$0xC1F0];
	[tilespmem:s16], [sflag:$0x2] =	stream.linear.gather [hbm4b:s9+s31], $0xC000, $0x38  }
0x121: {  	_ =	swait.ge [sflag:s17], $0xC000  }
0x122: {  	[sflag:s17] =	ssyncset.done $0x0  }
0x123: {  	s21 =	simm.s32 $0x0;
	[sflag:s17] =	ssyncadd.s32 $0xFFFF4000  }
0x124: {  	v5 =	vld [tilespmem:s21+$0x180]  }
0x125: {  	v10 =	vld [tilespmem:s21+$0x190]  }
0x126: {  	v11 =	vld [tilespmem:s21+$0x1A0]  }
0x127: {  	v15 =	vld [tilespmem:s21+$0x1B0]  }
0x128: {  	v1 =	vld [tilespmem:s21+$0x1C0]  }
0x129: {  	v3 =	vld [tilespmem:s21+$0x1D0]  }
0x12a: {  	v23 =	vld [tilespmem:s21+$0x100]  }
0x12b: {  	v25 =	vld [tilespmem:s21+$0x110]  }
0x12c: {  	v21 =	vld [tilespmem:s21+$0x120]  }
0x12d: {  	v22 =	vadd.f32 v22, v7;
	v13 =	vadd.f32 v24, v13;
	v24 =	vld [tilespmem:s21+$0x130]  }
0x12e: {  	v20 =	vadd.f32 v20, v32;
	v26 =	vadd.f32 v26, v33;
	v7 =	vld [tilespmem:s21+$0x140]  }
0x12f: {  	v4 =	vadd.f32 v4, v22;
	v8 =	vadd.f32 v8, v13;
	v13 =	vld [tilespmem:s21+$0x150]  }
0x130: {  	v16 =	vadd.f32 v29, v16;
	v9 =	vadd.f32 v9, v20;
	v20 =	vld [tilespmem:s21+$0x80]  }
0x131: {  	v14 =	vadd.f32 v14, v26;
	v17 =	vadd.f32 v30, v17;
	v22 =	vld [tilespmem:s21+$0x90]  }
0x132: {  	v18 =	vadd.f32 v31, v18;
	v16 =	vadd.f32 v27, v16;
	v29 =	vld [tilespmem:s21+$0x0]  }
0x133: {  	v19 =	vadd.f32 v34, v19;
	v17 =	vadd.f32 v28, v17;
	v27 =	vld [tilespmem:s21+$0x10]  }
0x134: {  	v28 =	vld [tilespmem:s21+$0x20];
	v18 =	vadd.f32 v35, v18;
	v6 =	vadd.f32 v6, v16  }
0x135: {  	v30 =	vld [tilespmem:s21+$0x30];
	v19 =	vadd.f32 v36, v19;
	v16 =	vadd.f32 v12, v17  }
0x136: {  	v17 =	vadd.f32 v37, v18;
	v12 =	vadd.f32 v0, v6;
	v0 =	vld [tilespmem:s21+$0xB0]  }
0x137: {  	v18 =	vadd.f32 v38, v19;
	v19 =	vld [tilespmem:s21+$0xA0];
	v16 =	vadd.f32 v2, v16  }
0x138: {  	v26 =	vld [tilespmem:s21+$0xC0];
	v17 =	vadd.f32 v39, v17;
	v2 =	vadd.f32 v29, v4  }
0x139: {  	v4 =	vadd.f32 v27, v8;
	v27 =	vld [tilespmem:s21+$0xD0];
	v8 =	vadd.f32 v28, v9  }
0x13a: {  	v9 =	vadd.f32 v30, v14;
	v28 =	vld [tilespmem:s21+$0x40];
	v18 =	vadd.f32 v40, v18  }
0x13b: {  	v29 =	vld [tilespmem:s21+$0x50];
	v6 =	vadd.f32 v20, v2;
	v31 =	vadd.f32 v22, v4  }
0x13c: {  	s22 =	simm.s32 $0x800;
	v30 =	vld [tilespmem:s21+$0x60];
	v33 =	vadd.f32 v0, v9;
	v32 =	vadd.f32 v19, v8  }
.LBB2_10:
0x13d: {  	p0 =	sne.s32 s22, $0x2F800;
	v0 =	vld [tilespmem:s21+$0x70];
	v2 =	vadd.f32 v23, v6;
	v4 =	vadd.f32 v25, v31  }
0x13e: {  	v6 =	vld [tilespmem:s21+$0xE0];
	v8 =	vadd.f32 v21, v32;
	v9 =	vadd.f32 v24, v33  }
0x13f: {  	v14 =	vld [tilespmem:s21+$0xF0];
	v2 =	vadd.f32 v5, v2;
	v4 =	vadd.f32 v10, v4  }
0x140: {  	v19 =	vld [tilespmem:s21+$0x160];
	v8 =	vadd.f32 v11, v8;
	v9 =	vadd.f32 v15, v9  }
0x141: {  	v5 =	vadd.f32 v28, v12;
	v10 =	vadd.f32 v29, v16;
	v12 =	vld [tilespmem:s21+$0x170]  }
0x142: {  	v11 =	vadd.f32 v30, v17;
	v0 =	vadd.f32 v0, v18;
	v17 =	vld [tilespmem:s21+$0x1E0]  }
0x143: {  	v15 =	vadd.f32 v26, v5;
	v16 =	vadd.f32 v27, v10;
	v18 =	vld [tilespmem:s21+$0x1F0];
	s21 =	sshra.s32 s22, $0x2  }
0x144: {  	v6 =	vadd.f32 v6, v11;
	v5 =	vld [tilespmem:s21+$0x180];
	v0 =	vadd.f32 v14, v0  }
0x145: {  	v7 =	vadd.f32 v7, v15;
	v13 =	vadd.f32 v13, v16;
	v10 =	vld [tilespmem:s21+$0x190]  }
0x146: {  	v6 =	vadd.f32 v19, v6;
	v11 =	vld [tilespmem:s21+$0x1A0];
	v0 =	vadd.f32 v12, v0  }
0x147: {  	v12 =	vadd.f32 v1, v7;
	v16 =	vadd.f32 v3, v13;
	v15 =	vld [tilespmem:s21+$0x1B0]  }
0x148: {  	v17 =	vadd.f32 v17, v6;
	v1 =	vld [tilespmem:s21+$0x1C0];
	v18 =	vadd.f32 v18, v0  }
0x149: {  	v3 =	vld [tilespmem:s21+$0x1D0]  }
0x14a: {  	v23 =	vld [tilespmem:s21+$0x100]  }
0x14b: {  	v25 =	vld [tilespmem:s21+$0x110]  }
0x14c: {  	v21 =	vld [tilespmem:s21+$0x120]  }
0x14d: {  	v24 =	vld [tilespmem:s21+$0x130]  }
0x14e: {  	v7 =	vld [tilespmem:s21+$0x140]  }
0x14f: {  	v13 =	vld [tilespmem:s21+$0x150]  }
0x150: {  	v0 =	vld [tilespmem:s21+$0x80]  }
0x151: {  	v14 =	vld [tilespmem:s21+$0x90]  }
0x152: {  	v6 =	vld [tilespmem:s21+$0x0]  }
0x153: {  	v19 =	vld [tilespmem:s21+$0x10]  }
0x154: {  	v20 =	vld [tilespmem:s21+$0x20]  }
0x155: {  	v22 =	vld [tilespmem:s21+$0x30]  }
0x156: {  	v32 =	vld [tilespmem:s21+$0xA0]  }
0x157: {  	v33 =	vld [tilespmem:s21+$0xB0]  }
.Ltmp4:
0x158: {  	v26 =	vld [tilespmem:s21+$0xC0];
	(pc) =	sbr.rel @p0 .LBB2_10-.Ltmp4, $4  }
0x159: {  	v2 =	vadd.f32 v6, v2;
	v4 =	vadd.f32 v19, v4;
	v27 =	vld [tilespmem:s21+$0xD0]  }
0x15a: {  	v8 =	vadd.f32 v20, v8;
	v9 =	vadd.f32 v22, v9;
	v28 =	vld [tilespmem:s21+$0x40]  }
0x15b: {  	v6 =	vadd.f32 v0, v2;
	v31 =	vadd.f32 v14, v4;
	v29 =	vld [tilespmem:s21+$0x50]  }
0x15c: {  	s22 =	sadd.s32 $0x800, s22;
	v32 =	vadd.f32 v32, v8;
	v30 =	vld [tilespmem:s21+$0x60];
	v33 =	vadd.f32 v33, v9  }
0x15d: {  	v34 =	vld [tilespmem:s21+$0x70]  }
0x15e: {  	v35 =	vld [tilespmem:s21+$0xE0]  }
0x15f: {  	v36 =	vld [tilespmem:s21+$0xF0]  }
0x160: {  	v37 =	vld [tilespmem:s21+$0x160]  }
0x161: {  	v38 =	vld [tilespmem:s21+$0x170]  }
0x162: {  	v39 =	vld [tilespmem:s21+$0x1E0];
	s31 =	simm.s32 $0x0  }
0x163: {  	v40 =	vld [tilespmem:s21+$0x1F0];
	[tilespmem:s31], [sflag:$0x1] =	stream.linear.gather [hbm4b:s10+s31], $0xC000, $0x38  }
0x164: {  	_ =	swait.ge [sflag:s18], $0xC000  }
0x165: {  	[sflag:s18] =	ssyncset.done $0x0  }
0x166: {  	s21 =	simm.s32 $0x0;
	[sflag:s18] =	ssyncadd.s32 $0xFFFF4000  }
0x167: {  	v4 =	vld [tilespmem:s21+$0xC180]  }
0x168: {  	v8 =	vld [tilespmem:s21+$0xC190]  }
0x169: {  	v9 =	vld [tilespmem:s21+$0xC1A0]  }
0x16a: {  	v14 =	vld [tilespmem:s21+$0xC1B0]  }
0x16b: {  	v0 =	vld [tilespmem:s21+$0xC1C0]  }
0x16c: {  	v2 =	vld [tilespmem:s21+$0xC1D0]  }
0x16d: {  	v20 =	vld [tilespmem:s21+$0xC100]  }
0x16e: {  	v22 =	vld [tilespmem:s21+$0xC110]  }
0x16f: {  	v19 =	vld [tilespmem:s21+$0xC120]  }
0x170: {  	v41 =	vadd.f32 v23, v6;
	v25 =	vadd.f32 v25, v31;
	v23 =	vld [tilespmem:s21+$0xC130]  }
0x171: {  	v21 =	vadd.f32 v21, v32;
	v24 =	vadd.f32 v24, v33;
	v6 =	vld [tilespmem:s21+$0xC140]  }
0x172: {  	v25 =	vadd.f32 v10, v25;
	v12 =	vadd.f32 v28, v12;
	v10 =	vld [tilespmem:s21+$0xC150]  }
0x173: {  	v11 =	vadd.f32 v11, v21;
	v21 =	vadd.f32 v15, v24;
	v24 =	vld [tilespmem:s21+$0xC080]  }
0x174: {  	v5 =	vadd.f32 v5, v41;
	v15 =	vadd.f32 v29, v16;
	v31 =	vld [tilespmem:s21+$0xC090]  }
0x175: {  	v16 =	vadd.f32 v30, v17;
	v12 =	vadd.f32 v26, v12;
	v28 =	vld [tilespmem:s21+$0xC000]  }
0x176: {  	v17 =	vadd.f32 v34, v18;
	v15 =	vadd.f32 v27, v15;
	v27 =	vld [tilespmem:s21+$0xC010]  }
0x177: {  	v29 =	vld [tilespmem:s21+$0xC020];
	v16 =	vadd.f32 v35, v16;
	v7 =	vadd.f32 v7, v12  }
0x178: {  	v17 =	vadd.f32 v36, v17;
	v12 =	vadd.f32 v13, v15;
	v13 =	vld [tilespmem:s21+$0xC030]  }
0x179: {  	v63 =	vld [tilespmem:s21+$0xC0A0];
	v18 =	vadd.f32 v37, v16;
	v15 =	vadd.f32 v1, v7  }
0x17a: {  	v1 =	vld [tilespmem:s21+$0xC0B0];
	v26 =	vadd.f32 v38, v17;
	v16 =	vadd.f32 v3, v12  }
0x17b: {  	v30 =	vld [tilespmem:s21+$0xC060];
	v17 =	vadd.f32 v39, v18;
	v3 =	vadd.f32 v28, v5  }
0x17c: {  	v5 =	vadd.f32 v27, v25;
	v27 =	vld [tilespmem:s21+$0xC0D0];
	v11 =	vadd.f32 v29, v11  }
0x17d: {  	v28 =	vld [tilespmem:s21+$0xC040];
	v18 =	vadd.f32 v40, v26;
	v12 =	vadd.f32 v13, v21  }
0x17e: {  	v29 =	vld [tilespmem:s21+$0xC050];
	v7 =	vadd.f32 v24, v3;
	v31 =	vadd.f32 v31, v5  }
0x17f: {  	s22 =	simm.s32 $0x800;
	v26 =	vld [tilespmem:s21+$0xC0C0];
	v32 =	vadd.f32 v63, v11;
	v33 =	vadd.f32 v1, v12  }
.LBB2_12:
0x180: {  	p0 =	sne.s32 s22, $0x2F800;
	v1 =	vld [tilespmem:s21+$0xC070];
	v3 =	vadd.f32 v20, v7;
	v5 =	vadd.f32 v22, v31  }
0x181: {  	v7 =	vld [tilespmem:s21+$0xC0E0];
	v11 =	vadd.f32 v19, v32;
	v12 =	vadd.f32 v23, v33  }
0x182: {  	v13 =	vld [tilespmem:s21+$0xC0F0];
	v3 =	vadd.f32 v4, v3;
	v5 =	vadd.f32 v8, v5  }
0x183: {  	v19 =	vld [tilespmem:s21+$0xC160];
	v11 =	vadd.f32 v9, v11;
	v12 =	vadd.f32 v14, v12  }
0x184: {  	v4 =	vadd.f32 v28, v15;
	v8 =	vadd.f32 v29, v16;
	v14 =	vld [tilespmem:s21+$0xC170]  }
0x185: {  	v9 =	vadd.f32 v30, v17;
	v1 =	vadd.f32 v1, v18;
	v17 =	vld [tilespmem:s21+$0xC1E0]  }
0x186: {  	v15 =	vadd.f32 v26, v4;
	v16 =	vadd.f32 v27, v8;
	v18 =	vld [tilespmem:s21+$0xC1F0];
	s21 =	sshra.s32 s22, $0x2  }
0x187: {  	v7 =	vadd.f32 v7, v9;
	v4 =	vld [tilespmem:s21+$0xC180];
	v1 =	vadd.f32 v13, v1  }
0x188: {  	v6 =	vadd.f32 v6, v15;
	v10 =	vadd.f32 v10, v16;
	v8 =	vld [tilespmem:s21+$0xC190]  }
0x189: {  	v7 =	vadd.f32 v19, v7;
	v9 =	vld [tilespmem:s21+$0xC1A0];
	v1 =	vadd.f32 v14, v1  }
0x18a: {  	v15 =	vadd.f32 v0, v6;
	v16 =	vadd.f32 v2, v10;
	v14 =	vld [tilespmem:s21+$0xC1B0]  }
0x18b: {  	v17 =	vadd.f32 v17, v7;
	v0 =	vld [tilespmem:s21+$0xC1C0];
	v18 =	vadd.f32 v18, v1  }
0x18c: {  	v2 =	vld [tilespmem:s21+$0xC1D0]  }
0x18d: {  	v20 =	vld [tilespmem:s21+$0xC100]  }
0x18e: {  	v22 =	vld [tilespmem:s21+$0xC110]  }
0x18f: {  	v19 =	vld [tilespmem:s21+$0xC120]  }
0x190: {  	v23 =	vld [tilespmem:s21+$0xC130]  }
0x191: {  	v6 =	vld [tilespmem:s21+$0xC140]  }
0x192: {  	v10 =	vld [tilespmem:s21+$0xC150]  }
0x193: {  	v1 =	vld [tilespmem:s21+$0xC080]  }
0x194: {  	v13 =	vld [tilespmem:s21+$0xC090]  }
0x195: {  	v7 =	vld [tilespmem:s21+$0xC000]  }
0x196: {  	v21 =	vld [tilespmem:s21+$0xC010]  }
0x197: {  	v24 =	vld [tilespmem:s21+$0xC020]  }
0x198: {  	v25 =	vld [tilespmem:s21+$0xC030]  }
0x199: {  	v32 =	vld [tilespmem:s21+$0xC0A0]  }
0x19a: {  	v33 =	vld [tilespmem:s21+$0xC0B0]  }
.Ltmp5:
0x19b: {  	v26 =	vld [tilespmem:s21+$0xC0C0];
	(pc) =	sbr.rel @p0 .LBB2_12-.Ltmp5, $4  }
0x19c: {  	v3 =	vadd.f32 v7, v3;
	v5 =	vadd.f32 v21, v5;
	v27 =	vld [tilespmem:s21+$0xC0D0]  }
0x19d: {  	v11 =	vadd.f32 v24, v11;
	v12 =	vadd.f32 v25, v12;
	v28 =	vld [tilespmem:s21+$0xC040]  }
0x19e: {  	v7 =	vadd.f32 v1, v3;
	v31 =	vadd.f32 v13, v5;
	v29 =	vld [tilespmem:s21+$0xC050]  }
0x19f: {  	s22 =	sadd.s32 $0x800, s22;
	v32 =	vadd.f32 v32, v11;
	v30 =	vld [tilespmem:s21+$0xC060];
	v33 =	vadd.f32 v33, v12  }
0x1a0: {  	v34 =	vld [tilespmem:s21+$0xC070]  }
0x1a1: {  	v35 =	vld [tilespmem:s21+$0xC0E0]  }
0x1a2: {  	v36 =	vld [tilespmem:s21+$0xC0F0]  }
0x1a3: {  	v37 =	vld [tilespmem:s21+$0xC160]  }
0x1a4: {  	v38 =	vld [tilespmem:s21+$0xC170]  }
0x1a5: {  	v39 =	vld [tilespmem:s21+$0xC1E0];
	s31 =	simm.s32 $0x0  }
0x1a6: {  	v40 =	vld [tilespmem:s21+$0xC1F0];
	[tilespmem:s16], [sflag:$0x2] =	stream.linear.gather [hbm4b:s11+s31], $0xC000, $0x38  }
0x1a7: {  	_ =	swait.ge [sflag:s17], $0xC000  }
0x1a8: {  	[sflag:s17] =	ssyncset.done $0x0  }
0x1a9: {  	s21 =	simm.s32 $0x0;
	[sflag:s17] =	ssyncadd.s32 $0xFFFF4000  }
0x1aa: {  	v5 =	vld [tilespmem:s21+$0x180]  }
0x1ab: {  	v11 =	vld [tilespmem:s21+$0x190]  }
0x1ac: {  	v12 =	vld [tilespmem:s21+$0x1A0]  }
0x1ad: {  	v13 =	vld [tilespmem:s21+$0x1B0]  }
0x1ae: {  	v1 =	vld [tilespmem:s21+$0x1C0]  }
0x1af: {  	v3 =	vld [tilespmem:s21+$0x1D0]  }
0x1b0: {  	v24 =	vld [tilespmem:s21+$0x100]  }
0x1b1: {  	v25 =	vld [tilespmem:s21+$0x110]  }
0x1b2: {  	v21 =	vld [tilespmem:s21+$0x120]  }
0x1b3: {  	v41 =	vadd.f32 v20, v7;
	v22 =	vadd.f32 v22, v31;
	v20 =	vld [tilespmem:s21+$0x130]  }
0x1b4: {  	v19 =	vadd.f32 v19, v32;
	v23 =	vadd.f32 v23, v33;
	v7 =	vld [tilespmem:s21+$0x140]  }
0x1b5: {  	v31 =	vadd.f32 v4, v41;
	v8 =	vadd.f32 v8, v22;
	v4 =	vld [tilespmem:s21+$0x150]  }
0x1b6: {  	v15 =	vadd.f32 v28, v15;
	v9 =	vadd.f32 v9, v19;
	v19 =	vld [tilespmem:s21+$0x80]  }
0x1b7: {  	v14 =	vadd.f32 v14, v23;
	v16 =	vadd.f32 v29, v16;
	v22 =	vld [tilespmem:s21+$0x90]  }
0x1b8: {  	v17 =	vadd.f32 v30, v17;
	v15 =	vadd.f32 v26, v15;
	v23 =	vld [tilespmem:s21+$0x0]  }
0x1b9: {  	v18 =	vadd.f32 v34, v18;
	v16 =	vadd.f32 v27, v16;
	v27 =	vld [tilespmem:s21+$0x10]  }
0x1ba: {  	v28 =	vld [tilespmem:s21+$0x20];
	v17 =	vadd.f32 v35, v17;
	v6 =	vadd.f32 v6, v15  }
0x1bb: {  	v29 =	vld [tilespmem:s21+$0x30];
	v18 =	vadd.f32 v36, v18;
	v10 =	vadd.f32 v10, v16  }
0x1bc: {  	v63 =	vld [tilespmem:s21+$0xA0];
	v17 =	vadd.f32 v37, v17;
	v15 =	vadd.f32 v0, v6  }
0x1bd: {  	v0 =	vld [tilespmem:s21+$0xB0];
	v18 =	vadd.f32 v38, v18;
	v16 =	vadd.f32 v2, v10  }
0x1be: {  	v26 =	vld [tilespmem:s21+$0xC0];
	v17 =	vadd.f32 v39, v17;
	v2 =	vadd.f32 v23, v31  }
0x1bf: {  	v30 =	vld [tilespmem:s21+$0x60];
	v6 =	vadd.f32 v27, v8;
	v9 =	vadd.f32 v28, v9  }
0x1c0: {  	v27 =	vld [tilespmem:s21+$0xD0];
	v10 =	vadd.f32 v29, v14;
	v18 =	vadd.f32 v40, v18  }
0x1c1: {  	v28 =	vld [tilespmem:s21+$0x40];
	v8 =	vadd.f32 v19, v2;
	v31 =	vadd.f32 v22, v6  }
0x1c2: {  	s22 =	simm.s32 $0x800;
	v29 =	vld [tilespmem:s21+$0x50];
	v32 =	vadd.f32 v63, v9;
	v33 =	vadd.f32 v0, v10  }
.LBB2_14:
0x1c3: {  	p0 =	sne.s32 s22, $0x2F800;
	v0 =	vld [tilespmem:s21+$0x70];
	v2 =	vadd.f32 v24, v8;
	v6 =	vadd.f32 v25, v31  }
0x1c4: {  	v8 =	vld [tilespmem:s21+$0xE0];
	v9 =	vadd.f32 v21, v32;
	v10 =	vadd.f32 v20, v33  }
0x1c5: {  	v14 =	vld [tilespmem:s21+$0xF0];
	v2 =	vadd.f32 v5, v2;
	v6 =	vadd.f32 v11, v6  }
0x1c6: {  	v19 =	vld [tilespmem:s21+$0x160];
	v9 =	vadd.f32 v12, v9;
	v10 =	vadd.f32 v13, v10  }
0x1c7: {  	v5 =	vadd.f32 v28, v15;
	v11 =	vadd.f32 v29, v16;
	v13 =	vld [tilespmem:s21+$0x170]  }
0x1c8: {  	v12 =	vadd.f32 v30, v17;
	v0 =	vadd.f32 v0, v18;
	v17 =	vld [tilespmem:s21+$0x1E0]  }
0x1c9: {  	v15 =	vadd.f32 v26, v5;
	v16 =	vadd.f32 v27, v11;
	v18 =	vld [tilespmem:s21+$0x1F0];
	s21 =	sshra.s32 s22, $0x2  }
0x1ca: {  	v8 =	vadd.f32 v8, v12;
	v5 =	vld [tilespmem:s21+$0x180];
	v0 =	vadd.f32 v14, v0  }
0x1cb: {  	v7 =	vadd.f32 v7, v15;
	v4 =	vadd.f32 v4, v16;
	v11 =	vld [tilespmem:s21+$0x190]  }
0x1cc: {  	v8 =	vadd.f32 v19, v8;
	v12 =	vld [tilespmem:s21+$0x1A0];
	v0 =	vadd.f32 v13, v0  }
0x1cd: {  	v15 =	vadd.f32 v1, v7;
	v16 =	vadd.f32 v3, v4;
	v13 =	vld [tilespmem:s21+$0x1B0]  }
0x1ce: {  	v17 =	vadd.f32 v17, v8;
	v1 =	vld [tilespmem:s21+$0x1C0];
	v18 =	vadd.f32 v18, v0  }
0x1cf: {  	v3 =	vld [tilespmem:s21+$0x1D0]  }
0x1d0: {  	v24 =	vld [tilespmem:s21+$0x100]  }
0x1d1: {  	v25 =	vld [tilespmem:s21+$0x110]  }
0x1d2: {  	v21 =	vld [tilespmem:s21+$0x120]  }
0x1d3: {  	v20 =	vld [tilespmem:s21+$0x130]  }
0x1d4: {  	v7 =	vld [tilespmem:s21+$0x140]  }
0x1d5: {  	v4 =	vld [tilespmem:s21+$0x150]  }
0x1d6: {  	v0 =	vld [tilespmem:s21+$0x80]  }
0x1d7: {  	v14 =	vld [tilespmem:s21+$0x90]  }
0x1d8: {  	v8 =	vld [tilespmem:s21+$0x0]  }
0x1d9: {  	v19 =	vld [tilespmem:s21+$0x10]  }
0x1da: {  	v22 =	vld [tilespmem:s21+$0x20]  }
0x1db: {  	v23 =	vld [tilespmem:s21+$0x30]  }
0x1dc: {  	v32 =	vld [tilespmem:s21+$0xA0]  }
0x1dd: {  	v33 =	vld [tilespmem:s21+$0xB0]  }
.Ltmp6:
0x1de: {  	v26 =	vld [tilespmem:s21+$0xC0];
	(pc) =	sbr.rel @p0 .LBB2_14-.Ltmp6, $4  }
0x1df: {  	v2 =	vadd.f32 v8, v2;
	v6 =	vadd.f32 v19, v6;
	v27 =	vld [tilespmem:s21+$0xD0]  }
0x1e0: {  	v9 =	vadd.f32 v22, v9;
	v10 =	vadd.f32 v23, v10;
	v28 =	vld [tilespmem:s21+$0x40]  }
0x1e1: {  	v8 =	vadd.f32 v0, v2;
	v31 =	vadd.f32 v14, v6;
	v29 =	vld [tilespmem:s21+$0x50]  }
0x1e2: {  	s22 =	sadd.s32 $0x800, s22;
	v32 =	vadd.f32 v32, v9;
	v30 =	vld [tilespmem:s21+$0x60];
	v33 =	vadd.f32 v33, v10  }
0x1e3: {  	v34 =	vld [tilespmem:s21+$0x70]  }
0x1e4: {  	v35 =	vld [tilespmem:s21+$0xE0]  }
0x1e5: {  	v36 =	vld [tilespmem:s21+$0xF0]  }
0x1e6: {  	v37 =	vld [tilespmem:s21+$0x160]  }
0x1e7: {  	v38 =	vld [tilespmem:s21+$0x170]  }
0x1e8: {  	v39 =	vld [tilespmem:s21+$0x1E0]  }
0x1e9: {  	v40 =	vld [tilespmem:s21+$0x1F0];
	_ =	swait.ge [sflag:s18], $0xC000  }
0x1ea: {  	[sflag:s18] =	ssyncset.done $0x0  }
0x1eb: {  	s21 =	simm.s32 $0x0;
	[sflag:s18] =	ssyncadd.s32 $0xFFFF4000  }
0x1ec: {  	v6 =	vld [tilespmem:s21+$0xC180]  }
0x1ed: {  	v9 =	vld [tilespmem:s21+$0xC190]  }
0x1ee: {  	v10 =	vld [tilespmem:s21+$0xC1A0]  }
0x1ef: {  	v14 =	vld [tilespmem:s21+$0xC1B0]  }
0x1f0: {  	v2 =	vld [tilespmem:s21+$0xC1C0]  }
0x1f1: {  	v0 =	vld [tilespmem:s21+$0xC1D0]  }
0x1f2: {  	v22 =	vld [tilespmem:s21+$0xC100]  }
0x1f3: {  	v23 =	vld [tilespmem:s21+$0xC110]  }
0x1f4: {  	v19 =	vld [tilespmem:s21+$0xC120]  }
0x1f5: {  	v41 =	vadd.f32 v24, v8;
	v25 =	vadd.f32 v25, v31;
	v24 =	vld [tilespmem:s21+$0xC130]  }
0x1f6: {  	v21 =	vadd.f32 v21, v32;
	v20 =	vadd.f32 v20, v33;
	v8 =	vld [tilespmem:s21+$0xC140]  }
0x1f7: {  	v60 =	vadd.f32 v5, v41;
	v25 =	vadd.f32 v11, v25;
	v5 =	vld [tilespmem:s21+$0xC150]  }
0x1f8: {  	v11 =	vadd.f32 v28, v15;
	v13 =	vadd.f32 v13, v20;
	v20 =	vld [tilespmem:s21+$0xC080]  }
0x1f9: {  	v21 =	vadd.f32 v12, v21;
	v12 =	vadd.f32 v29, v16;
	v16 =	vld [tilespmem:s21+$0xC090]  }
0x1fa: {  	v15 =	vadd.f32 v30, v17;
	v11 =	vadd.f32 v26, v11;
	v26 =	vld [tilespmem:s21+$0xC010]  }
0x1fb: {  	v17 =	vadd.f32 v34, v18;
	v18 =	vld [tilespmem:s21+$0xC000];
	v12 =	vadd.f32 v27, v12  }
0x1fc: {  	v27 =	vld [tilespmem:s21+$0xC020];
	v15 =	vadd.f32 v35, v15;
	v7 =	vadd.f32 v7, v11  }
0x1fd: {  	v61 =	vld [tilespmem:s21+$0xC030];
	v17 =	vadd.f32 v36, v17;
	v11 =	vadd.f32 v4, v12  }
0x1fe: {  	v62 =	vld [tilespmem:s21+$0xC0A0];
	v12 =	vadd.f32 v37, v15;
	v4 =	vadd.f32 v1, v7  }
0x1ff: {  	v63 =	vld [tilespmem:s21+$0xC0B0];
	v15 =	vadd.f32 v38, v17;
	v3 =	vadd.f32 v3, v11  }
0x200: {  	v11 =	vld [tilespmem:s21+$0xC0C0];
	v7 =	vadd.f32 v39, v12;
	v17 =	vadd.f32 v18, v60  }
0x201: {  	v18 =	vadd.f32 v26, v25;
	v12 =	vld [tilespmem:s21+$0xC0D0];
	v21 =	vadd.f32 v27, v21  }
0x202: {  	v25 =	vadd.f32 v61, v13;
	v13 =	vld [tilespmem:s21+$0xC040];
	v1 =	vadd.f32 v40, v15  }
0x203: {  	v15 =	vld [tilespmem:s21+$0xC050];
	v20 =	vadd.f32 v20, v17;
	v17 =	vadd.f32 v16, v18  }
0x204: {  	s22 =	simm.s32 $0x800;
	v16 =	vld [tilespmem:s21+$0xC060];
	v21 =	vadd.f32 v62, v21;
	v18 =	vadd.f32 v63, v25  }
.LBB2_16:
0x205: {  	p0 =	sne.s32 s22, $0x2F800;
	v25 =	vld [tilespmem:s21+$0xC070];
	v20 =	vadd.f32 v22, v20;
	v17 =	vadd.f32 v23, v17  }
0x206: {  	v22 =	vld [tilespmem:s21+$0xC0E0];
	v19 =	vadd.f32 v19, v21;
	v18 =	vadd.f32 v24, v18  }
0x207: {  	v21 =	vld [tilespmem:s21+$0xC0F0];
	v20 =	vadd.f32 v6, v20;
	v17 =	vadd.f32 v9, v17  }
0x208: {  	v23 =	vld [tilespmem:s21+$0xC160];
	v26 =	vadd.f32 v10, v19;
	v18 =	vadd.f32 v14, v18  }
0x209: {  	v4 =	vadd.f32 v13, v4;
	v3 =	vadd.f32 v15, v3;
	v13 =	vld [tilespmem:s21+$0xC170]  }
0x20a: {  	v7 =	vadd.f32 v16, v7;
	v1 =	vadd.f32 v25, v1;
	v15 =	vld [tilespmem:s21+$0xC1E0]  }
0x20b: {  	v4 =	vadd.f32 v11, v4;
	v3 =	vadd.f32 v12, v3;
	v11 =	vld [tilespmem:s21+$0xC1F0];
	s21 =	sshra.s32 s22, $0x2  }
0x20c: {  	v7 =	vadd.f32 v22, v7;
	v6 =	vld [tilespmem:s21+$0xC180];
	v1 =	vadd.f32 v21, v1  }
0x20d: {  	v4 =	vadd.f32 v8, v4;
	v3 =	vadd.f32 v5, v3;
	v9 =	vld [tilespmem:s21+$0xC190]  }
0x20e: {  	v5 =	vadd.f32 v23, v7;
	v10 =	vld [tilespmem:s21+$0xC1A0];
	v1 =	vadd.f32 v13, v1  }
0x20f: {  	v4 =	vadd.f32 v2, v4;
	v3 =	vadd.f32 v0, v3;
	v14 =	vld [tilespmem:s21+$0xC1B0]  }
0x210: {  	v7 =	vadd.f32 v15, v5;
	v2 =	vld [tilespmem:s21+$0xC1C0];
	v1 =	vadd.f32 v11, v1  }
0x211: {  	v0 =	vld [tilespmem:s21+$0xC1D0]  }
0x212: {  	v22 =	vld [tilespmem:s21+$0xC100]  }
0x213: {  	v23 =	vld [tilespmem:s21+$0xC110]  }
0x214: {  	v19 =	vld [tilespmem:s21+$0xC120]  }
0x215: {  	v24 =	vld [tilespmem:s21+$0xC130]  }
0x216: {  	v8 =	vld [tilespmem:s21+$0xC140]  }
0x217: {  	v5 =	vld [tilespmem:s21+$0xC150]  }
0x218: {  	v16 =	vld [tilespmem:s21+$0xC080]  }
0x219: {  	v21 =	vld [tilespmem:s21+$0xC090]  }
0x21a: {  	v12 =	vld [tilespmem:s21+$0xC000]  }
0x21b: {  	v13 =	vld [tilespmem:s21+$0xC010]  }
0x21c: {  	v15 =	vld [tilespmem:s21+$0xC020]  }
0x21d: {  	v25 =	vld [tilespmem:s21+$0xC030]  }
0x21e: {  	v27 =	vld [tilespmem:s21+$0xC0A0]  }
0x21f: {  	v28 =	vld [tilespmem:s21+$0xC0B0]  }
.Ltmp7:
0x220: {  	v11 =	vld [tilespmem:s21+$0xC0C0];
	(pc) =	sbr.rel @p0 .LBB2_16-.Ltmp7, $4  }
0x221: {  	v20 =	vadd.f32 v12, v20;
	v17 =	vadd.f32 v13, v17;
	v12 =	vld [tilespmem:s21+$0xC0D0]  }
0x222: {  	v26 =	vadd.f32 v15, v26;
	v18 =	vadd.f32 v25, v18;
	v13 =	vld [tilespmem:s21+$0xC040]  }
0x223: {  	v20 =	vadd.f32 v16, v20;
	v17 =	vadd.f32 v21, v17;
	v15 =	vld [tilespmem:s21+$0xC050]  }
0x224: {  	s22 =	sadd.s32 $0x800, s22;
	v21 =	vadd.f32 v27, v26;
	v16 =	vld [tilespmem:s21+$0xC060];
	v18 =	vadd.f32 v28, v18  }
0x225: {  	v25 =	vld [tilespmem:s21+$0xC070]  }
0x226: {  	v26 =	vld [tilespmem:$0x18000]  }
0x227: {  	v20 =	vadd.f32 v22, v20;
	v45 =	vld [tilespmem:s21+$0xC0E0]  }
0x228: {  	v17 =	vadd.f32 v23, v17;
	v46 =	vld [tilespmem:$0x18010];
	v19 =	vadd.f32 v19, v21  }
0x229: {  	v47 =	vld [tilespmem:s21+$0xC0F0];
	v18 =	vadd.f32 v24, v18;
	v6 =	vadd.f32 v6, v20  }
0x22a: {  	v48 =	vld [tilespmem:$0x18020];
	v9 =	vadd.f32 v9, v17;
	v4 =	vadd.f32 v13, v4  }
0x22b: {  	v49 =	vld [tilespmem:s21+$0xC160];
	v10 =	vadd.f32 v10, v19;
	v14 =	vadd.f32 v14, v18;
	v6 =	vmul.f32 v26, v6  }
0x22c: {  	v50 =	vld [tilespmem:$0x18030];
	v3 =	vadd.f32 v15, v3;
	v7 =	vadd.f32 v16, v7  }
0x22d: {  	v51 =	vld [tilespmem:s21+$0xC170];
	v4 =	vadd.f32 v11, v4;
	v9 =	vmul.f32 v46, v9;
	v6 =	vadd.f32 $0.0e+00, v6  }
0x22e: {  	v52 =	vld [tilespmem:$0x18040];
	v1 =	vadd.f32 v25, v1;
	v3 =	vadd.f32 v12, v3  }
0x22f: {  	v53 =	vld [tilespmem:s21+$0xC1E0];
	v54 =	vmul.f32 v48, v10;
	v4 =	vadd.f32 v8, v4;
	v6 =	vadd.f32 v9, v6  }
0x230: {  	v55 =	vld [tilespmem:$0x18050];
	v7 =	vadd.f32 v45, v7;
	v3 =	vadd.f32 v5, v3  }
0x231: {  	v56 =	vld [tilespmem:s21+$0xC1F0];
	v58 =	vmul.f32 v50, v14;
	v2 =	vadd.f32 v2, v4;
	v57 =	vadd.f32 v54, v6  }
0x232: {  	v59 =	vld [tilespmem:$0x18060];
	v1 =	vadd.f32 v47, v1;
	v7 =	vadd.f32 v49, v7  }
0x233: {  	v0 =	vadd.f32 v0, v3;
	v2 =	vmul.f32 v52, v2;
	v60 =	vadd.f32 v58, v57  }
0x234: {  	v61 =	vld [tilespmem:$0x18070];
	v1 =	vadd.f32 v51, v1  }
0x235: {  	v62 =	vadd.f32 v53, v7;
	v0 =	vmul.f32 v55, v0;
	v2 =	vadd.f32 v2, v60;
	_ =	sdelay $0x1  }
0x236: {  	v1 =	vadd.f32 v56, v1;
	v63 =	vmul.f32 v59, v62;
	v0 =	vadd.f32 v0, v2;
	_ =	sdelay $0x1  }
0x237: {  	v1 =	vmul.f32 v61, v1;
	v0 =	vadd.f32 v63, v0;
	_ =	sdelay $0x1  }
0x238: {  	s20 =	sadd.s32 $0x1, s20;
	v0 =	vadd.f32 v1, v0  }
0x239: {  	p0 =	sne.s32 s20, s13  }
.Ltmp8:
0x23a: {  	[tilespmem:$0x18080] =	vst v0;
	(pc) =	sbr.rel @p0 .LBB2_1-.Ltmp8, $4  }
0x23b: {  	[hbm4b:s12+s3] =	stream.linear.scatter [tilespmem:s19], [sflag:$0x3], $0x80, $0x38;
	[tilespmem:$0x18100] =	vst v63  }
0x23c: {  	_ =	swait.ge [sflag:s15], $0x80  }
0x23d: {  	[sflag:s15] =	ssyncset.done $0x0  }
0x23e: {  	[sflag:s15] =	ssyncadd.s32 $0xFFFFFF80  }
0x23f: {  	_ =	sfence.sel $0x180000  }
0x240: {  	[bflag:$0x0] =	sbarrier.arrive $0xFFFF  }
0x241: {  	p0 =	sne.s32 s0, $0x0;
	_ =	strace $0x90000047  }
0x242: {  	s0 =	sadd.s32 @!p0 $0x100000, s1;
	[bflag:$0x2] =	sbarrier.arrive $0xFFFF  }
0x243: {  	[sflag:s0] =	ssyncadd.tile.s32 @!p0 $0x1;
	_ =	shalt  }
.Lfunc_end2:
_tile_overlayer_lowered:
.L_overlay_start_2:
0x244: {  	(tag) =	ssettag $0x2  }
0x245: {  	s0 =	rddreg [dreg:$0x0];
	s2 =	stileid.u32  }
0x246: {  	s1 =	rddreg [dreg:$0x1];
	p0 =	sne.s32 s2, $0x0  }
0x247: {  	s3 =	rddreg [dreg:$0x2];
	[bflag:$0x3] =	sbarrier.arrive $0xFFFF;
	s2 =	simm.s32 @!p0 $0x1C03  }
0x248: {  	[timem:s3], [sflag:s2] =	dma.local @!p0 [hbm:s0], s1  }
0x249: {  	s0 =	simm.s32 @!p0 $0x3  }
0x24a: {  	_ =	swait.ge @!p0 [sflag:s0], s1  }
0x24b: {  	s1 =	ssub.s32 @!p0 $0x0, s1;
	[sflag:s0] =	ssyncset.done @!p0 $0x0  }
0x24c: {  	[sflag:s0] =	ssyncadd.s32 @!p0 s1  }
0x24d: {  	[bflag:$0x3] =	sbarrier.arrive $0xFFFF  }
0x24e: {  	_ =	shalt  }

</sc_bundles>
